<compile_context>
chip_gen: v7x
topology: tpu7x:2x2x1
jax: 0.10.2.dev20260603
libtpu: 0.0.44.dev20260713+nightly
codegen_flags: <defaults>
</compile_context>

<pallas_src>
import functools

import jax
import jax.numpy as jnp
from jax import lax
from jax.experimental import pallas as pl
from jax.experimental.pallas import tpu as pltpu
from jax.experimental.pallas import tpu_sc as plsc

N = 10000
D = 128
NC = 2
NS = 16
NW = NC * NS
K = 192
NBUF = 2
ROWS_PER_TILE = 632
N_PAD = NS * ROWS_PER_TILE
DUMMY_ROW = N


def _pub_sizes(k):
    sizes = [k] * (ROWS_PER_TILE // k)
    if ROWS_PER_TILE % k:
        sizes.append(ROWS_PER_TILE % k)
    return sizes


def _sc_agg_body(ept, h_hbm, src_hbm, dst_hbm, out_hbm,
                 sbuf, dbuf, rows, isem, dsem, gsem, acc):
    c = lax.axis_index("c")
    s = lax.axis_index("s")
    wid = c * NS + s
    ch_per_tile = ept // K

    zv = jnp.zeros((16,), jnp.float32)

    @pl.loop(0, K)
    def _(i):
        for j in range(D // 16):
            rows[0][i, pl.ds(j * 16, 16)] = zv

    r0 = s * ROWS_PER_TILE
    for sz in _pub_sizes(K):
        pltpu.sync_copy(rows[0].at[pl.ds(0, sz)], acc.at[pl.ds(r0, sz)])
        r0 += sz

    plsc.subcore_barrier()

    @pl.loop(0, ch_per_tile, step=NBUF)
    def _(i):
        icps = []
        for b in range(NBUF):
            off = pl.multiple_of(wid * ept + (i + b) * K, K)
            icps.append((
                pltpu.async_copy(src_hbm.at[pl.ds(off, K)], sbuf[b], isem[b]),
                pltpu.async_copy(dst_hbm.at[pl.ds(off, K)], dbuf[b], dsem[b]),
            ))
        gcps = []
        for b in range(NBUF):
            icps[b][0].wait()
            gcps.append(pltpu.async_copy(h_hbm.at[sbuf[b]], rows[b], gsem[b]))
        for b in range(NBUF):
            gcps[b].wait()
            icps[b][1].wait()
            pltpu.sync_copy(rows[b], acc.at[dbuf[b]], add=True)

    plsc.subcore_barrier()

    r0 = s * ROWS_PER_TILE
    pltpu.sync_copy(acc.at[pl.ds(r0, ROWS_PER_TILE)],
                    out_hbm.at[c, pl.ds(r0, ROWS_PER_TILE)])


def _sc_deg_body(ept, dst_hbm, deg_hbm, dbuf, ones16, dsem, degacc):
    c = lax.axis_index("c")
    s = lax.axis_index("s")
    wid = c * NS + s
    ch_per_tile = ept // K

    zv = jnp.zeros((16,), jnp.float32)

    @pl.loop(0, K)
    def _(i):
        ones16[i, pl.ds(0, 16)] = zv

    r0 = s * ROWS_PER_TILE
    for sz in _pub_sizes(K):
        pltpu.sync_copy(ones16.at[pl.ds(0, sz)], degacc.at[pl.ds(r0, sz)])
        r0 += sz

    ov = jnp.ones((16,), jnp.float32)

    @pl.loop(0, K)
    def _(i):
        ones16[i, pl.ds(0, 16)] = ov

    plsc.subcore_barrier()

    @pl.loop(0, ch_per_tile, step=NBUF)
    def _(i):
        cps = []
        for b in range(NBUF):
            off = pl.multiple_of(wid * ept + (i + b) * K, K)
            cps.append(
                pltpu.async_copy(dst_hbm.at[pl.ds(off, K)], dbuf[b], dsem[b]))
        for b in range(NBUF):
            cps[b].wait()
            pltpu.sync_copy(ones16, degacc.at[dbuf[b]], add=True)

    plsc.subcore_barrier()

    r0 = s * ROWS_PER_TILE
    pltpu.sync_copy(degacc.at[pl.ds(r0, ROWS_PER_TILE)],
                    deg_hbm.at[c, pl.ds(r0, ROWS_PER_TILE)])


def _make_sc_agg(ept):
    mesh = plsc.VectorSubcoreMesh(core_axis_name="c", subcore_axis_name="s")
    return pl.kernel(
        functools.partial(_sc_agg_body, ept),
        out_type=jax.ShapeDtypeStruct((NC, N_PAD, D), jnp.float32),
        mesh=mesh,
        scratch_types=(
            tuple(pltpu.VMEM((K,), jnp.int32) for _ in range(NBUF)),
            tuple(pltpu.VMEM((K,), jnp.int32) for _ in range(NBUF)),
            tuple(pltpu.VMEM((K, D), jnp.float32) for _ in range(NBUF)),
            tuple(pltpu.SemaphoreType.DMA for _ in range(NBUF)),
            tuple(pltpu.SemaphoreType.DMA for _ in range(NBUF)),
            tuple(pltpu.SemaphoreType.DMA for _ in range(NBUF)),
            pltpu.VMEM_SHARED((N_PAD, D), jnp.float32),
        ),
    )


def _make_sc_deg(ept):
    mesh = plsc.VectorSubcoreMesh(core_axis_name="c", subcore_axis_name="s")
    return pl.kernel(
        functools.partial(_sc_deg_body, ept),
        out_type=jax.ShapeDtypeStruct((NC, N_PAD, 16), jnp.float32),
        mesh=mesh,
        scratch_types=(
            tuple(pltpu.VMEM((K,), jnp.int32) for _ in range(NBUF)),
            pltpu.VMEM((K, 16), jnp.float32),
            tuple(pltpu.SemaphoreType.DMA for _ in range(NBUF)),
            pltpu.VMEM_SHARED((N_PAD, 16), jnp.float32),
        ),
    )


def _tc_mean_layer_body(p0, p1, d0, d1, h, wl, bl, wr, out):
    deg = d0[0, :, 0:1] + d1[0, :, 0:1]
    inv = 1.0 / jnp.maximum(deg, 1.0)
    agg = (p0[0] + p1[0]) * inv
    y = (jnp.dot(agg, wl[...], preferred_element_type=jnp.float32)
         + bl[...]
         + jnp.dot(h[...], wr[...], preferred_element_type=jnp.float32))
    out[...] = jnp.maximum(y, 0.0)


def _tc_final_layer_body(p0, p1, h, wl, bl, wr, wlin, blin, out):
    agg = p0[0] + p1[0]
    y = (jnp.dot(agg, wl[...], preferred_element_type=jnp.float32)
         + bl[...]
         + jnp.dot(h[...], wr[...], preferred_element_type=jnp.float32))
    hh = jnp.maximum(y, 0.0)
    o = jnp.dot(hh, wlin[...], preferred_element_type=jnp.float32) + blin[...]
    e = jnp.exp(o - jnp.max(o, axis=1, keepdims=True))
    out[...] = e / jnp.sum(e, axis=1, keepdims=True)


_BM = 1264


def _part_spec(width, part):
    return pl.BlockSpec((1, _BM, width), lambda i, _p=part: (_p, i, 0))


def _row_spec(width):
    return pl.BlockSpec((_BM, width), lambda i: (i, 0))


def _full_spec(r, ccol):
    return pl.BlockSpec((r, ccol), lambda i: (0, 0))


def _tc_mean_layer(p, dp, h, wl, bl, wr):
    return pl.pallas_call(
        _tc_mean_layer_body,
        grid=(N_PAD // _BM,),
        in_specs=[
            _part_spec(D, 0), _part_spec(D, 1),
            _part_spec(16, 0), _part_spec(16, 1),
            _row_spec(D), _full_spec(D, D), _full_spec(1, D), _full_spec(D, D),
        ],
        out_specs=_row_spec(D),
        out_shape=jax.ShapeDtypeStruct((N_PAD, D), jnp.float32),
    )(p, p, dp, dp, h, wl, bl.reshape(1, D), wr)


def _tc_final_layer(p, h, wl, bl, wr, wlin, blin):
    return pl.pallas_call(
        _tc_final_layer_body,
        grid=(N_PAD // _BM,),
        in_specs=[
            _part_spec(D, 0), _part_spec(D, 1), _row_spec(D),
            _full_spec(D, D), _full_spec(1, D), _full_spec(D, D),
            _full_spec(D, 1), _full_spec(1, 1),
        ],
        out_specs=_row_spec(1),
        out_shape=jax.ShapeDtypeStruct((N_PAD, 1), jnp.float32),
    )(p, p, h, wl, bl.reshape(1, D), wr, wlin, blin.reshape(1, 1))


def kernel(x, edge_index, W1l, b1l, W1r, W2l, b2l, W2r, W3l, b3l, W3r,
           Wlin, blin):
    e = edge_index.shape[1]
    q = K * NBUF
    ept = -(-e // (NW * q)) * q
    e_pad = ept * NW
    src = edge_index[0].astype(jnp.int32)
    dst = edge_index[1].astype(jnp.int32)
    pad = e_pad - e
    if pad:
        fill = jnp.arange(pad, dtype=jnp.int32)
        src = jnp.concatenate([src, fill % N])
        dst = jnp.concatenate([dst, DUMMY_ROW + fill % (N_PAD - N)])
    xp = jnp.concatenate([x, jnp.zeros((N_PAD - N, D), x.dtype)])

    sc_agg = _make_sc_agg(ept)
    sc_deg = _make_sc_deg(ept)

    dp = sc_deg(dst)
    p = sc_agg(xp, src, dst)
    h1 = _tc_mean_layer(p, dp, xp, W1l, b1l, W1r)
    p = sc_agg(h1, src, dst)
    h2 = _tc_mean_layer(p, dp, h1, W2l, b2l, W2r)
    p = sc_agg(h2, src, dst)
    out = _tc_final_layer(p, h2, W3l, b3l, W3r, Wlin, blin)
    return out[:N]

# --- scband reference (transcript-rebuilt; emitter-appended) ---
"""Pipeline reference for scband-clause-rec-86165633892476 (READ-ONLY COPY).

The authoritative reference and input builder live on the scoring server;
editing this copy changes nothing except your own understanding.
"""

import jax, jax.numpy as jnp
import numpy as np

N = 10000
E = 320000
D = 128

def _sage_conv(x, src, dst, Wl, bl, Wr, n):
    # PyG SAGEConv with mean aggregation: lin_l(mean_j x_j) + lin_r(x)
    msgs = x[src]
    agg = jax.ops.segment_sum(msgs, dst, num_segments=n)
    deg = jax.ops.segment_sum(jnp.ones((src.shape[0],), dtype=x.dtype), dst, num_segments=n)
    agg = agg / jnp.clip(deg, 1.0)[:, None]
    return agg @ Wl + bl + x @ Wr

def _graph_conv(x, src, dst, Wl, bl, Wr, n):
    # PyG GraphConv with add aggregation: lin_rel(sum_j x_j) + lin_root(x)
    msgs = x[src]
    agg = jax.ops.segment_sum(msgs, dst, num_segments=n)
    return agg @ Wl + bl + x @ Wr

def setup_inputs(seed: int = 0) -> dict:
    key = jax.random.key(seed)
    ks = jax.random.split(key, 16)
    x = jax.random.normal(ks[0], (N, D), dtype=jnp.float32)
    edge_index = jax.random.randint(ks[1], (2, E), 0, N, dtype=jnp.int64)
    s = 0.05
    W1l = jax.random.normal(ks[2], (D, D), dtype=jnp.float32) * s
    b1l = jax.random.normal(ks[3], (D,), dtype=jnp.float32) * s
    W1r = jax.random.normal(ks[4], (D, D), dtype=jnp.float32) * s
    W2l = jax.random.normal(ks[5], (D, D), dtype=jnp.float32) * s
    b2l = jax.random.normal(ks[6], (D,), dtype=jnp.float32) * s
    W2r = jax.random.normal(ks[7], (D, D), dtype=jnp.float32) * s
    W3l = jax.random.normal(ks[8], (D, D), dtype=jnp.float32) * s
    b3l = jax.random.normal(ks[9], (D,), dtype=jnp.float32) * s
    W3r = jax.random.normal(ks[10], (D, D), dtype=jnp.float32) * s
    Wlin = jax.random.normal(ks[11], (D, 1), dtype=jnp.float32) * s
    blin = jax.random.normal(ks[12], (1,), dtype=jnp.float32) * s
    return {"x": x, "edge_index": edge_index, "W1l": W1l, "b1l": b1l, "W1r": W1r,
            "W2l": W2l, "b2l": b2l, "W2r": W2r, "W3l": W3l, "b3l": b3l, "W3r": W3r,
            "Wlin": Wlin, "blin": blin}

def reference(x, edge_index, W1l, b1l, W1r, W2l, b2l, W2r, W3l, b3l, W3r, Wlin, blin):
    src = edge_index[0]
    dst = edge_index[1]
    n = x.shape[0]
    h = _sage_conv(x, src, dst, W1l, b1l, W1r, n)
    h = jax.nn.relu(h)
    h = _sage_conv(h, src, dst, W2l, b2l, W2r, n)
    h = jax.nn.relu(h)
    h = _graph_conv(h, src, dst, W3l, b3l, W3r, n)
    h = jax.nn.relu(h)
    out = h @ Wlin + blin
    return jax.nn.softmax(out, axis=1)

if __name__ == "__main__":
    import jax
    _d = setup_inputs()
    print(jax.jit(kernel)(*tuple(_d.values())))

</pallas_src>

<mosaic_0001>
#map = affine_map<(d0, d1) -> (0)>
#map1 = affine_map<(d0, d1) -> (0, 0, 0)>
module attributes {stable_mosaic.version = 14 : i64} {
  func.func @_sc_deg_body(%arg0: i32, %arg1: i32, %arg2: memref<331776xi32, #tpu.memory_space<hbm>>, %arg3: memref<2x10112x16xf32, #tpu.memory_space<hbm>>, %arg4: memref<192xi32, #tpu.memory_space<vmem>>, %arg5: memref<192xi32, #tpu.memory_space<vmem>>, %arg6: memref<192x16xf32, #tpu.memory_space<vmem>>, %arg7: memref<!tpu.dma_semaphore, #tpu.memory_space<semaphore_mem>>, %arg8: memref<!tpu.dma_semaphore, #tpu.memory_space<semaphore_mem>>, %arg9: memref<10112x16xf32, #tpu.memory_space<vmem_shared>>) attributes {dimension_semantics = [#tpu.dimension_semantics<core_parallel>, #tpu.dimension_semantics<subcore_parallel>], iteration_bounds = array<i64: 2, 16>, scalar_prefetch = 0 : i64, scratch_operands = 6 : i64, tpu.core_type = #tpu.core_type<sc_vector_subcore>, window_params = [{transform_indices = #map}, {transform_indices = #map1}]} {
    %mul3A = arith.constant 16 : i32
    %mul3A_0 = arith.muli %arg0, %mul3A : i32
    %add3A = arith.addi %mul3A_0, %arg1 : i32
    %broadcast_in_dim3A = arith.constant 0.000000e+00 : f32
    %broadcast_in_dim3A_1 = vector.broadcast %broadcast_in_dim3A : f32 to vector<16xf32>
    %scan3A = arith.constant 0 : i32
    %scan3A_2 = arith.constant 192 : i32
    %scan3A_3 = arith.addi %scan3A, %scan3A_2 : i32
    %scan3A_4 = arith.constant 1 : i32
    scf.for %scan3A_31 = %scan3A to %scan3A_3 step %scan3A_4  : i32 {
      %mul3A_32 = arith.constant 1 : i32
      %mul3A_33 = arith.muli %scan3A_31, %mul3A_32 : i32
      %add3A_34 = arith.constant 0 : i32
      %add3A_35 = arith.addi %add3A_34, %mul3A_33 : i32
      %swap3A = arith.index_cast %add3A_35 : i32 to index
      %swap3A_36 = arith.constant 0 : index
      %swap3A_37 = tpu.vector_load %arg6[%swap3A, %swap3A_36] {strides = array<i32>} : memref<192x16xf32, #tpu.memory_space<vmem>>, vector<1x16xf32>,
      %swap3A_38 = vector.shape_cast %swap3A_37 : vector<1x16xf32> to vector<16xf32>
      %swap3A_39 = vector.shape_cast %broadcast_in_dim3A_1 : vector<16xf32> to vector<1x16xf32>
      tpu.vector_store %arg6[%swap3A, %swap3A_36], %swap3A_39 {strides = array<i32>} : memref<192x16xf32, #tpu.memory_space<vmem>>, vector<1x16xf32>,
    }
    %scan3A_5 = arith.constant 192 : i32
    %mul3A_6 = arith.constant 632 : i32
    %mul3A_7 = arith.muli %arg1, %mul3A_6 : i32
    "tpu.region"() ({
      %run_scoped3A = tpu.sem_alloc : memref<!tpu.dma_semaphore, #tpu.memory_space<semaphore_mem>>
      %dma_start3A = arith.constant 0 : i32
      %dma_start3A_31 = arith.constant 0 : i32
      %dma_start3A_32 = tpu.memref_slice %arg6[%dma_start3A, %dma_start3A_31] : memref<192x16xf32, #tpu.memory_space<vmem>> -> memref<192x16xf32, #tpu.memory_space<vmem>>
      %dma_start3A_33 = arith.constant 0 : i32
      %dma_start3A_34 = tpu.memref_slice %arg9[%mul3A_7, %dma_start3A_33] : memref<10112x16xf32, #tpu.memory_space<vmem_shared>> -> memref<192x16xf32, #tpu.memory_space<vmem_shared>>
      %dma_start3A_35 = arith.constant 0 : i32
      %dma_start3A_36 = tpu.memref_slice %arg9[%mul3A_7, %dma_start3A_35] : memref<10112x16xf32, #tpu.memory_space<vmem_shared>> -> memref<192x16xf32, #tpu.memory_space<vmem_shared>>
      %dma_start3A_37 = arith.constant 0 : i32
      %dma_start3A_38 = arith.constant 0 : i32
      %dma_start3A_39 = tpu.memref_slice %arg6[%dma_start3A_37, %dma_start3A_38] : memref<192x16xf32, #tpu.memory_space<vmem>> -> memref<192x16xf32, #tpu.memory_space<vmem>>
      tpu.enqueue_dma source(%dma_start3A_39 : memref<192x16xf32, #tpu.memory_space<vmem>>) target(%dma_start3A_36 : memref<192x16xf32, #tpu.memory_space<vmem_shared>>) target_semaphore(%run_scoped3A : memref<!tpu.dma_semaphore, #tpu.memory_space<semaphore_mem>>)
      %dma_wait3A = arith.constant 0 : i32
      %dma_wait3A_40 = arith.constant 0 : i32
      %dma_wait3A_41 = tpu.memref_slice %arg6[%dma_wait3A, %dma_wait3A_40] : memref<192x16xf32, #tpu.memory_space<vmem>> -> memref<192x16xf32, #tpu.memory_space<vmem>>
      %dma_wait3A_42 = arith.constant 0 : i32
      %dma_wait3A_43 = tpu.memref_slice %arg9[%mul3A_7, %dma_wait3A_42] : memref<10112x16xf32, #tpu.memory_space<vmem_shared>> -> memref<192x16xf32, #tpu.memory_space<vmem_shared>>
      %dma_wait3A_44 = arith.constant 0 : i32
      %dma_wait3A_45 = tpu.memref_slice %arg9[%mul3A_7, %dma_wait3A_44] : memref<10112x16xf32, #tpu.memory_space<vmem_shared>> -> memref<192x16xf32, #tpu.memory_space<vmem_shared>>
      %dma_wait3A_46 = arith.constant 0 : i32
      %dma_wait3A_47 = arith.constant 0 : i32
      %dma_wait3A_48 = tpu.memref_slice %arg6[%dma_wait3A_46, %dma_wait3A_47] : memref<192x16xf32, #tpu.memory_space<vmem>> -> memref<192x16xf32, #tpu.memory_space<vmem>>
      tpu.wait_dma2 semaphore(%run_scoped3A : memref<!tpu.dma_semaphore, #tpu.memory_space<semaphore_mem>>) src(%dma_wait3A_48 : memref<192x16xf32, #tpu.memory_space<vmem>>) dst(%dma_wait3A_45 : memref<192x16xf32, #tpu.memory_space<vmem_shared>>)
      tpu.yield
    }) : () -> ()
    %add3A_8 = arith.constant 192 : i32
    %add3A_9 = arith.addi %mul3A_7, %add3A_8 : i32
    "tpu.region"() ({
      %run_scoped3A = tpu.sem_alloc : memref<!tpu.dma_semaphore, #tpu.memory_space<semaphore_mem>>
      %dma_start3A = arith.constant 0 : i32
      %dma_start3A_31 = arith.constant 0 : i32
      %dma_start3A_32 = tpu.memref_slice %arg6[%dma_start3A, %dma_start3A_31] : memref<192x16xf32, #tpu.memory_space<vmem>> -> memref<192x16xf32, #tpu.memory_space<vmem>>
      %dma_start3A_33 = arith.constant 0 : i32
      %dma_start3A_34 = tpu.memref_slice %arg9[%add3A_9, %dma_start3A_33] : memref<10112x16xf32, #tpu.memory_space<vmem_shared>> -> memref<192x16xf32, #tpu.memory_space<vmem_shared>>
      %dma_start3A_35 = arith.constant 0 : i32
      %dma_start3A_36 = tpu.memref_slice %arg9[%add3A_9, %dma_start3A_35] : memref<10112x16xf32, #tpu.memory_space<vmem_shared>> -> memref<192x16xf32, #tpu.memory_space<vmem_shared>>
      %dma_start3A_37 = arith.constant 0 : i32
      %dma_start3A_38 = arith.constant 0 : i32
      %dma_start3A_39 = tpu.memref_slice %arg6[%dma_start3A_37, %dma_start3A_38] : memref<192x16xf32, #tpu.memory_space<vmem>> -> memref<192x16xf32, #tpu.memory_space<vmem>>
      tpu.enqueue_dma source(%dma_start3A_39 : memref<192x16xf32, #tpu.memory_space<vmem>>) target(%dma_start3A_36 : memref<192x16xf32, #tpu.memory_space<vmem_shared>>) target_semaphore(%run_scoped3A : memref<!tpu.dma_semaphore, #tpu.memory_space<semaphore_mem>>)
      %dma_wait3A = arith.constant 0 : i32
      %dma_wait3A_40 = arith.constant 0 : i32
      %dma_wait3A_41 = tpu.memref_slice %arg6[%dma_wait3A, %dma_wait3A_40] : memref<192x16xf32, #tpu.memory_space<vmem>> -> memref<192x16xf32, #tpu.memory_space<vmem>>
      %dma_wait3A_42 = arith.constant 0 : i32
      %dma_wait3A_43 = tpu.memref_slice %arg9[%add3A_9, %dma_wait3A_42] : memref<10112x16xf32, #tpu.memory_space<vmem_shared>> -> memref<192x16xf32, #tpu.memory_space<vmem_shared>>
      %dma_wait3A_44 = arith.constant 0 : i32
      %dma_wait3A_45 = tpu.memref_slice %arg9[%add3A_9, %dma_wait3A_44] : memref<10112x16xf32, #tpu.memory_space<vmem_shared>> -> memref<192x16xf32, #tpu.memory_space<vmem_shared>>
      %dma_wait3A_46 = arith.constant 0 : i32
      %dma_wait3A_47 = arith.constant 0 : i32
      %dma_wait3A_48 = tpu.memref_slice %arg6[%dma_wait3A_46, %dma_wait3A_47] : memref<192x16xf32, #tpu.memory_space<vmem>> -> memref<192x16xf32, #tpu.memory_space<vmem>>
      tpu.wait_dma2 semaphore(%run_scoped3A : memref<!tpu.dma_semaphore, #tpu.memory_space<semaphore_mem>>) src(%dma_wait3A_48 : memref<192x16xf32, #tpu.memory_space<vmem>>) dst(%dma_wait3A_45 : memref<192x16xf32, #tpu.memory_space<vmem_shared>>)
      tpu.yield
    }) : () -> ()
    %add3A_10 = arith.constant 192 : i32
    %add3A_11 = arith.addi %add3A_9, %add3A_10 : i32
    "tpu.region"() ({
      %run_scoped3A = tpu.sem_alloc : memref<!tpu.dma_semaphore, #tpu.memory_space<semaphore_mem>>
      %dma_start3A = arith.constant 0 : i32
      %dma_start3A_31 = arith.constant 0 : i32
      %dma_start3A_32 = tpu.memref_slice %arg6[%dma_start3A, %dma_start3A_31] : memref<192x16xf32, #tpu.memory_space<vmem>> -> memref<192x16xf32, #tpu.memory_space<vmem>>
      %dma_start3A_33 = arith.constant 0 : i32
      %dma_start3A_34 = tpu.memref_slice %arg9[%add3A_11, %dma_start3A_33] : memref<10112x16xf32, #tpu.memory_space<vmem_shared>> -> memref<192x16xf32, #tpu.memory_space<vmem_shared>>
      %dma_start3A_35 = arith.constant 0 : i32
      %dma_start3A_36 = tpu.memref_slice %arg9[%add3A_11, %dma_start3A_35] : memref<10112x16xf32, #tpu.memory_space<vmem_shared>> -> memref<192x16xf32, #tpu.memory_space<vmem_shared>>
      %dma_start3A_37 = arith.constant 0 : i32
      %dma_start3A_38 = arith.constant 0 : i32
      %dma_start3A_39 = tpu.memref_slice %arg6[%dma_start3A_37, %dma_start3A_38] : memref<192x16xf32, #tpu.memory_space<vmem>> -> memref<192x16xf32, #tpu.memory_space<vmem>>
      tpu.enqueue_dma source(%dma_start3A_39 : memref<192x16xf32, #tpu.memory_space<vmem>>) target(%dma_start3A_36 : memref<192x16xf32, #tpu.memory_space<vmem_shared>>) target_semaphore(%run_scoped3A : memref<!tpu.dma_semaphore, #tpu.memory_space<semaphore_mem>>)
      %dma_wait3A = arith.constant 0 : i32
      %dma_wait3A_40 = arith.constant 0 : i32
      %dma_wait3A_41 = tpu.memref_slice %arg6[%dma_wait3A, %dma_wait3A_40] : memref<192x16xf32, #tpu.memory_space<vmem>> -> memref<192x16xf32, #tpu.memory_space<vmem>>
      %dma_wait3A_42 = arith.constant 0 : i32
      %dma_wait3A_43 = tpu.memref_slice %arg9[%add3A_11, %dma_wait3A_42] : memref<10112x16xf32, #tpu.memory_space<vmem_shared>> -> memref<192x16xf32, #tpu.memory_space<vmem_shared>>
      %dma_wait3A_44 = arith.constant 0 : i32
      %dma_wait3A_45 = tpu.memref_slice %arg9[%add3A_11, %dma_wait3A_44] : memref<10112x16xf32, #tpu.memory_space<vmem_shared>> -> memref<192x16xf32, #tpu.memory_space<vmem_shared>>
      %dma_wait3A_46 = arith.constant 0 : i32
      %dma_wait3A_47 = arith.constant 0 : i32
      %dma_wait3A_48 = tpu.memref_slice %arg6[%dma_wait3A_46, %dma_wait3A_47] : memref<192x16xf32, #tpu.memory_space<vmem>> -> memref<192x16xf32, #tpu.memory_space<vmem>>
      tpu.wait_dma2 semaphore(%run_scoped3A : memref<!tpu.dma_semaphore, #tpu.memory_space<semaphore_mem>>) src(%dma_wait3A_48 : memref<192x16xf32, #tpu.memory_space<vmem>>) dst(%dma_wait3A_45 : memref<192x16xf32, #tpu.memory_space<vmem_shared>>)
      tpu.yield
    }) : () -> ()
    %add3A_12 = arith.constant 192 : i32
    %add3A_13 = arith.addi %add3A_11, %add3A_12 : i32
    "tpu.region"() ({
      %run_scoped3A = tpu.sem_alloc : memref<!tpu.dma_semaphore, #tpu.memory_space<semaphore_mem>>
      %dma_start3A = arith.constant 0 : i32
      %dma_start3A_31 = arith.constant 0 : i32
      %dma_start3A_32 = tpu.memref_slice %arg6[%dma_start3A, %dma_start3A_31] : memref<192x16xf32, #tpu.memory_space<vmem>> -> memref<56x16xf32, #tpu.memory_space<vmem>>
      %dma_start3A_33 = arith.constant 0 : i32
      %dma_start3A_34 = tpu.memref_slice %arg9[%add3A_13, %dma_start3A_33] : memref<10112x16xf32, #tpu.memory_space<vmem_shared>> -> memref<56x16xf32, #tpu.memory_space<vmem_shared>>
      %dma_start3A_35 = arith.constant 0 : i32
      %dma_start3A_36 = tpu.memref_slice %arg9[%add3A_13, %dma_start3A_35] : memref<10112x16xf32, #tpu.memory_space<vmem_shared>> -> memref<56x16xf32, #tpu.memory_space<vmem_shared>>
      %dma_start3A_37 = arith.constant 0 : i32
      %dma_start3A_38 = arith.constant 0 : i32
      %dma_start3A_39 = tpu.memref_slice %arg6[%dma_start3A_37, %dma_start3A_38] : memref<192x16xf32, #tpu.memory_space<vmem>> -> memref<56x16xf32, #tpu.memory_space<vmem>>
      tpu.enqueue_dma source(%dma_start3A_39 : memref<56x16xf32, #tpu.memory_space<vmem>>) target(%dma_start3A_36 : memref<56x16xf32, #tpu.memory_space<vmem_shared>>) target_semaphore(%run_scoped3A : memref<!tpu.dma_semaphore, #tpu.memory_space<semaphore_mem>>)
      %dma_wait3A = arith.constant 0 : i32
      %dma_wait3A_40 = arith.constant 0 : i32
      %dma_wait3A_41 = tpu.memref_slice %arg6[%dma_wait3A, %dma_wait3A_40] : memref<192x16xf32, #tpu.memory_space<vmem>> -> memref<56x16xf32, #tpu.memory_space<vmem>>
      %dma_wait3A_42 = arith.constant 0 : i32
      %dma_wait3A_43 = tpu.memref_slice %arg9[%add3A_13, %dma_wait3A_42] : memref<10112x16xf32, #tpu.memory_space<vmem_shared>> -> memref<56x16xf32, #tpu.memory_space<vmem_shared>>
      %dma_wait3A_44 = arith.constant 0 : i32
      %dma_wait3A_45 = tpu.memref_slice %arg9[%add3A_13, %dma_wait3A_44] : memref<10112x16xf32, #tpu.memory_space<vmem_shared>> -> memref<56x16xf32, #tpu.memory_space<vmem_shared>>
      %dma_wait3A_46 = arith.constant 0 : i32
      %dma_wait3A_47 = arith.constant 0 : i32
      %dma_wait3A_48 = tpu.memref_slice %arg6[%dma_wait3A_46, %dma_wait3A_47] : memref<192x16xf32, #tpu.memory_space<vmem>> -> memref<56x16xf32, #tpu.memory_space<vmem>>
      tpu.wait_dma2 semaphore(%run_scoped3A : memref<!tpu.dma_semaphore, #tpu.memory_space<semaphore_mem>>) src(%dma_wait3A_48 : memref<56x16xf32, #tpu.memory_space<vmem>>) dst(%dma_wait3A_45 : memref<56x16xf32, #tpu.memory_space<vmem_shared>>)
      tpu.yield
    }) : () -> ()
    %add3A_14 = arith.constant 56 : i32
    %add3A_15 = arith.addi %add3A_13, %add3A_14 : i32
    %broadcast_in_dim3A_16 = arith.constant 1.000000e+00 : f32
    %broadcast_in_dim3A_17 = vector.broadcast %broadcast_in_dim3A_16 : f32 to vector<16xf32>
    %scan3A_18 = arith.constant 0 : i32
    %scan3A_19 = arith.constant 192 : i32
    %scan3A_20 = arith.addi %scan3A_18, %scan3A_19 : i32
    %scan3A_21 = arith.constant 1 : i32
    scf.for %scan3A_31 = %scan3A_18 to %scan3A_20 step %scan3A_21  : i32 {
      %mul3A_32 = arith.constant 1 : i32
      %mul3A_33 = arith.muli %scan3A_31, %mul3A_32 : i32
      %add3A_34 = arith.constant 0 : i32
      %add3A_35 = arith.addi %add3A_34, %mul3A_33 : i32
      %swap3A = arith.index_cast %add3A_35 : i32 to index
      %swap3A_36 = arith.constant 0 : index
      %swap3A_37 = tpu.vector_load %arg6[%swap3A, %swap3A_36] {strides = array<i32>} : memref<192x16xf32, #tpu.memory_space<vmem>>, vector<1x16xf32>,
      %swap3A_38 = vector.shape_cast %swap3A_37 : vector<1x16xf32> to vector<16xf32>
      %swap3A_39 = vector.shape_cast %broadcast_in_dim3A_17 : vector<16xf32> to vector<1x16xf32>
      tpu.vector_store %arg6[%swap3A, %swap3A_36], %swap3A_39 {strides = array<i32>} : memref<192x16xf32, #tpu.memory_space<vmem>>, vector<1x16xf32>,
    }
    %scan3A_22 = arith.constant 192 : i32
    %barrier3A = arith.constant 0 : index
    tpu.barrier barrier_id(%barrier3A)
    %scan3A_23 = arith.constant 0 : i32
    %scan3A_24 = arith.constant 27 : i32
    %scan3A_25 = arith.addi %scan3A_23, %scan3A_24 : i32
    %scan3A_26 = arith.constant 1 : i32
    scf.for %scan3A_31 = %scan3A_23 to %scan3A_25 step %scan3A_26  : i32 {
      %mul3A_32 = arith.constant 2 : i32
      %mul3A_33 = arith.muli %scan3A_31, %mul3A_32 : i32
      %add3A_34 = arith.constant 0 : i32
      %add3A_35 = arith.addi %add3A_34, %mul3A_33 : i32
      %mul3A_36 = arith.constant 10368 : i32
      %mul3A_37 = arith.muli %add3A, %mul3A_36 : i32
      %add3A_38 = arith.constant 0 : i32
      %add3A_39 = arith.addi %add3A_35, %add3A_38 : i32
      %mul3A_40 = arith.constant 192 : i32
      %mul3A_41 = arith.muli %add3A_39, %mul3A_40 : i32
      %add3A_42 = arith.addi %mul3A_37, %mul3A_41 : i32
      %multiple_of3A = tpu.assume_multiple %add3A_42, 192 : i32
      %dma_start3A = tpu.memref_slice %arg2[%multiple_of3A] : memref<331776xi32, #tpu.memory_space<hbm>> -> memref<192xi32, #tpu.memory_space<hbm>>
      %dma_start3A_43 = tpu.memref_slice %arg2[%multiple_of3A] : memref<331776xi32, #tpu.memory_space<hbm>> -> memref<192xi32, #tpu.memory_space<hbm>>
      tpu.enqueue_dma source(%dma_start3A_43 : memref<192xi32, #tpu.memory_space<hbm>>) target(%arg4 : memref<192xi32, #tpu.memory_space<vmem>>) target_semaphore(%arg7 : memref<!tpu.dma_semaphore, #tpu.memory_space<semaphore_mem>>)
      %mul3A_44 = arith.constant 10368 : i32
      %mul3A_45 = arith.muli %add3A, %mul3A_44 : i32
      %add3A_46 = arith.constant 1 : i32
      %add3A_47 = arith.addi %add3A_35, %add3A_46 : i32
      %mul3A_48 = arith.constant 192 : i32
      %mul3A_49 = arith.muli %add3A_47, %mul3A_48 : i32
      %add3A_50 = arith.addi %mul3A_45, %mul3A_49 : i32
      %multiple_of3A_51 = tpu.assume_multiple %add3A_50, 192 : i32
      %dma_start3A_52 = tpu.memref_slice %arg2[%multiple_of3A_51] : memref<331776xi32, #tpu.memory_space<hbm>> -> memref<192xi32, #tpu.memory_space<hbm>>
      %dma_start3A_53 = tpu.memref_slice %arg2[%multiple_of3A_51] : memref<331776xi32, #tpu.memory_space<hbm>> -> memref<192xi32, #tpu.memory_space<hbm>>
      tpu.enqueue_dma source(%dma_start3A_53 : memref<192xi32, #tpu.memory_space<hbm>>) target(%arg5 : memref<192xi32, #tpu.memory_space<vmem>>) target_semaphore(%arg8 : memref<!tpu.dma_semaphore, #tpu.memory_space<semaphore_mem>>)
      %dma_wait3A = tpu.memref_slice %arg2[%multiple_of3A] : memref<331776xi32, #tpu.memory_space<hbm>> -> memref<192xi32, #tpu.memory_space<hbm>>
      %dma_wait3A_54 = tpu.memref_slice %arg2[%multiple_of3A] : memref<331776xi32, #tpu.memory_space<hbm>> -> memref<192xi32, #tpu.memory_space<hbm>>
      tpu.wait_dma2 semaphore(%arg7 : memref<!tpu.dma_semaphore, #tpu.memory_space<semaphore_mem>>) src(%dma_wait3A_54 : memref<192xi32, #tpu.memory_space<hbm>>) dst(%arg4 : memref<192xi32, #tpu.memory_space<vmem>>)
      "tpu.region"() ({
        %run_scoped3A = tpu.sem_alloc : memref<!tpu.dma_semaphore, #tpu.memory_space<semaphore_mem>>
        %dma_start3A_57 = arith.constant 0 : i32
        %dma_start3A_58 = arith.constant 0 : i32
        %dma_start3A_59 = tpu.memref_slice %arg9[%dma_start3A_57, %dma_start3A_58] : memref<10112x16xf32, #tpu.memory_space<vmem_shared>> -> memref<10112x16xf32, #tpu.memory_space<vmem_shared>>
        tpu.enqueue_indirect_dma source(%arg6 : memref<192x16xf32, #tpu.memory_space<vmem>>) target(%dma_start3A_59 : memref<10112x16xf32, #tpu.memory_space<vmem_shared>>) offsets(%arg4 : memref<192xi32, #tpu.memory_space<vmem>>) semaphore(%run_scoped3A : memref<!tpu.dma_semaphore, #tpu.memory_space<semaphore_mem>>) {add = true}
        %dma_wait3A_60 = arith.constant 0 : i32
        %dma_wait3A_61 = arith.constant 0 : i32
        %dma_wait3A_62 = tpu.memref_slice %arg9[%dma_wait3A_60, %dma_wait3A_61] : memref<10112x16xf32, #tpu.memory_space<vmem_shared>> -> memref<10112x16xf32, #tpu.memory_space<vmem_shared>>
        tpu.wait_indirect_dma semaphore(%run_scoped3A : memref<!tpu.dma_semaphore, #tpu.memory_space<semaphore_mem>>) src(%arg6 : memref<192x16xf32, #tpu.memory_space<vmem>>) dst(%dma_wait3A_62 : memref<10112x16xf32, #tpu.memory_space<vmem_shared>>)
        tpu.yield
      }) : () -> ()
      %dma_wait3A_55 = tpu.memref_slice %arg2[%multiple_of3A_51] : memref<331776xi32, #tpu.memory_space<hbm>> -> memref<192xi32, #tpu.memory_space<hbm>>
      %dma_wait3A_56 = tpu.memref_slice %arg2[%multiple_of3A_51] : memref<331776xi32, #tpu.memory_space<hbm>> -> memref<192xi32, #tpu.memory_space<hbm>>
      tpu.wait_dma2 semaphore(%arg8 : memref<!tpu.dma_semaphore, #tpu.memory_space<semaphore_mem>>) src(%dma_wait3A_56 : memref<192xi32, #tpu.memory_space<hbm>>) dst(%arg5 : memref<192xi32, #tpu.memory_space<vmem>>)
      "tpu.region"() ({
        %run_scoped3A = tpu.sem_alloc : memref<!tpu.dma_semaphore, #tpu.memory_space<semaphore_mem>>
        %dma_start3A_57 = arith.constant 0 : i32
        %dma_start3A_58 = arith.constant 0 : i32
        %dma_start3A_59 = tpu.memref_slice %arg9[%dma_start3A_57, %dma_start3A_58] : memref<10112x16xf32, #tpu.memory_space<vmem_shared>> -> memref<10112x16xf32, #tpu.memory_space<vmem_shared>>
        tpu.enqueue_indirect_dma source(%arg6 : memref<192x16xf32, #tpu.memory_space<vmem>>) target(%dma_start3A_59 : memref<10112x16xf32, #tpu.memory_space<vmem_shared>>) offsets(%arg5 : memref<192xi32, #tpu.memory_space<vmem>>) semaphore(%run_scoped3A : memref<!tpu.dma_semaphore, #tpu.memory_space<semaphore_mem>>) {add = true}
        %dma_wait3A_60 = arith.constant 0 : i32
        %dma_wait3A_61 = arith.constant 0 : i32
        %dma_wait3A_62 = tpu.memref_slice %arg9[%dma_wait3A_60, %dma_wait3A_61] : memref<10112x16xf32, #tpu.memory_space<vmem_shared>> -> memref<10112x16xf32, #tpu.memory_space<vmem_shared>>
        tpu.wait_indirect_dma semaphore(%run_scoped3A : memref<!tpu.dma_semaphore, #tpu.memory_space<semaphore_mem>>) src(%arg6 : memref<192x16xf32, #tpu.memory_space<vmem>>) dst(%dma_wait3A_62 : memref<10112x16xf32, #tpu.memory_space<vmem_shared>>)
        tpu.yield
      }) : () -> ()
    }
    %scan3A_27 = arith.constant 27 : i32
    %barrier3A_28 = arith.constant 0 : index
    tpu.barrier barrier_id(%barrier3A_28)
    %mul3A_29 = arith.constant 632 : i32
    %mul3A_30 = arith.muli %arg1, %mul3A_29 : i32
    "tpu.region"() ({
      %run_scoped3A = tpu.sem_alloc : memref<!tpu.dma_semaphore, #tpu.memory_space<semaphore_mem>>
      %dma_start3A = arith.constant 0 : i32
      %dma_start3A_31 = tpu.memref_slice %arg3[%arg0, %mul3A_30, %dma_start3A] : memref<2x10112x16xf32, #tpu.memory_space<hbm>> -> memref<1x632x16xf32, #tpu.memory_space<hbm>>
      %dma_start3A_32 = tpu.memref_squeeze %dma_start3A_31 : memref<1x632x16xf32, #tpu.memory_space<hbm>> -> memref<632x16xf32, #tpu.memory_space<hbm>>
      %dma_start3A_33 = arith.constant 0 : i32
      %dma_start3A_34 = tpu.memref_slice %arg9[%mul3A_30, %dma_start3A_33] : memref<10112x16xf32, #tpu.memory_space<vmem_shared>> -> memref<632x16xf32, #tpu.memory_space<vmem_shared>>
      tpu.enqueue_dma source(%dma_start3A_34 : memref<632x16xf32, #tpu.memory_space<vmem_shared>>) target(%dma_start3A_32 : memref<632x16xf32, #tpu.memory_space<hbm>>) target_semaphore(%run_scoped3A : memref<!tpu.dma_semaphore, #tpu.memory_space<semaphore_mem>>)
      %dma_wait3A = arith.constant 0 : i32
      %dma_wait3A_35 = tpu.memref_slice %arg3[%arg0, %mul3A_30, %dma_wait3A] : memref<2x10112x16xf32, #tpu.memory_space<hbm>> -> memref<1x632x16xf32, #tpu.memory_space<hbm>>
      %dma_wait3A_36 = tpu.memref_squeeze %dma_wait3A_35 : memref<1x632x16xf32, #tpu.memory_space<hbm>> -> memref<632x16xf32, #tpu.memory_space<hbm>>
      %dma_wait3A_37 = arith.constant 0 : i32
      %dma_wait3A_38 = tpu.memref_slice %arg9[%mul3A_30, %dma_wait3A_37] : memref<10112x16xf32, #tpu.memory_space<vmem_shared>> -> memref<632x16xf32, #tpu.memory_space<vmem_shared>>
      tpu.wait_dma2 semaphore(%run_scoped3A : memref<!tpu.dma_semaphore, #tpu.memory_space<semaphore_mem>>) src(%dma_wait3A_38 : memref<632x16xf32, #tpu.memory_space<vmem_shared>>) dst(%dma_wait3A_36 : memref<632x16xf32, #tpu.memory_space<hbm>>)
      tpu.yield
    }) : () -> ()
    return
  }
}

#map = affine_map<(d0, d1) -> (0, 0)>
#map1 = affine_map<(d0, d1) -> (0)>
#map2 = affine_map<(d0, d1) -> (0, 0, 0)>
module attributes {stable_mosaic.version = 14 : i64} {
  func.func @_sc_agg_body(%arg0: i32, %arg1: i32, %arg2: memref<10112x128xf32, #tpu.memory_space<hbm>>, %arg3: memref<331776xi32, #tpu.memory_space<hbm>>, %arg4: memref<331776xi32, #tpu.memory_space<hbm>>, %arg5: memref<2x10112x128xf32, #tpu.memory_space<hbm>>, %arg6: memref<192xi32, #tpu.memory_space<vmem>>, %arg7: memref<192xi32, #tpu.memory_space<vmem>>, %arg8: memref<192xi32, #tpu.memory_space<vmem>>, %arg9: memref<192xi32, #tpu.memory_space<vmem>>, %arg10: memref<192x128xf32, #tpu.memory_space<vmem>>, %arg11: memref<192x128xf32, #tpu.memory_space<vmem>>, %arg12: memref<!tpu.dma_semaphore, #tpu.memory_space<semaphore_mem>>, %arg13: memref<!tpu.dma_semaphore, #tpu.memory_space<semaphore_mem>>, %arg14: memref<!tpu.dma_semaphore, #tpu.memory_space<semaphore_mem>>, %arg15: memref<!tpu.dma_semaphore, #tpu.memory_space<semaphore_mem>>, %arg16: memref<!tpu.dma_semaphore, #tpu.memory_space<semaphore_mem>>, %arg17: memref<!tpu.dma_semaphore, #tpu.memory_space<semaphore_mem>>, %arg18: memref<10112x128xf32, #tpu.memory_space<vmem_shared>>) attributes {dimension_semantics = [#tpu.dimension_semantics<core_parallel>, #tpu.dimension_semantics<subcore_parallel>], iteration_bounds = array<i64: 2, 16>, scalar_prefetch = 0 : i64, scratch_operands = 13 : i64, tpu.core_type = #tpu.core_type<sc_vector_subcore>, window_params = [{transform_indices = #map}, {transform_indices = #map1}, {transform_indices = #map1}, {transform_indices = #map2}]} {
    %mul3A = arith.constant 16 : i32
    %mul3A_0 = arith.muli %arg0, %mul3A : i32
    %add3A = arith.addi %mul3A_0, %arg1 : i32
    %broadcast_in_dim3A = arith.constant 0.000000e+00 : f32
    %broadcast_in_dim3A_1 = vector.broadcast %broadcast_in_dim3A : f32 to vector<16xf32>
    %scan3A = arith.constant 0 : i32
    %scan3A_2 = arith.constant 192 : i32
    %scan3A_3 = arith.addi %scan3A, %scan3A_2 : i32
    %scan3A_4 = arith.constant 1 : i32
    scf.for %scan3A_24 = %scan3A to %scan3A_3 step %scan3A_4  : i32 {
      %mul3A_25 = arith.constant 1 : i32
      %mul3A_26 = arith.muli %scan3A_24, %mul3A_25 : i32
      %add3A_27 = arith.constant 0 : i32
      %add3A_28 = arith.addi %add3A_27, %mul3A_26 : i32
      %swap3A = arith.index_cast %add3A_28 : i32 to index
      %swap3A_29 = arith.constant 0 : index
      %swap3A_30 = tpu.vector_load %arg10[%swap3A, %swap3A_29] {strides = array<i32>} : memref<192x128xf32, #tpu.memory_space<vmem>>, vector<1x16xf32>,
      %swap3A_31 = vector.shape_cast %swap3A_30 : vector<1x16xf32> to vector<16xf32>
      %swap3A_32 = vector.shape_cast %broadcast_in_dim3A_1 : vector<16xf32> to vector<1x16xf32>
      tpu.vector_store %arg10[%swap3A, %swap3A_29], %swap3A_32 {strides = array<i32>} : memref<192x128xf32, #tpu.memory_space<vmem>>, vector<1x16xf32>,
      %swap3A_33 = arith.index_cast %add3A_28 : i32 to index
      %swap3A_34 = arith.constant 16 : index
      %swap3A_35 = tpu.vector_load %arg10[%swap3A_33, %swap3A_34] {strides = array<i32>} : memref<192x128xf32, #tpu.memory_space<vmem>>, vector<1x16xf32>,
      %swap3A_36 = vector.shape_cast %swap3A_35 : vector<1x16xf32> to vector<16xf32>
      %swap3A_37 = vector.shape_cast %broadcast_in_dim3A_1 : vector<16xf32> to vector<1x16xf32>
      tpu.vector_store %arg10[%swap3A_33, %swap3A_34], %swap3A_37 {strides = array<i32>} : memref<192x128xf32, #tpu.memory_space<vmem>>, vector<1x16xf32>,
      %swap3A_38 = arith.index_cast %add3A_28 : i32 to index
      %swap3A_39 = arith.constant 32 : index
      %swap3A_40 = tpu.vector_load %arg10[%swap3A_38, %swap3A_39] {strides = array<i32>} : memref<192x128xf32, #tpu.memory_space<vmem>>, vector<1x16xf32>,
      %swap3A_41 = vector.shape_cast %swap3A_40 : vector<1x16xf32> to vector<16xf32>
      %swap3A_42 = vector.shape_cast %broadcast_in_dim3A_1 : vector<16xf32> to vector<1x16xf32>
      tpu.vector_store %arg10[%swap3A_38, %swap3A_39], %swap3A_42 {strides = array<i32>} : memref<192x128xf32, #tpu.memory_space<vmem>>, vector<1x16xf32>,
      %swap3A_43 = arith.index_cast %add3A_28 : i32 to index
      %swap3A_44 = arith.constant 48 : index
      %swap3A_45 = tpu.vector_load %arg10[%swap3A_43, %swap3A_44] {strides = array<i32>} : memref<192x128xf32, #tpu.memory_space<vmem>>, vector<1x16xf32>,
      %swap3A_46 = vector.shape_cast %swap3A_45 : vector<1x16xf32> to vector<16xf32>
      %swap3A_47 = vector.shape_cast %broadcast_in_dim3A_1 : vector<16xf32> to vector<1x16xf32>
      tpu.vector_store %arg10[%swap3A_43, %swap3A_44], %swap3A_47 {strides = array<i32>} : memref<192x128xf32, #tpu.memory_space<vmem>>, vector<1x16xf32>,
      %swap3A_48 = arith.index_cast %add3A_28 : i32 to index
      %swap3A_49 = arith.constant 64 : index
      %swap3A_50 = tpu.vector_load %arg10[%swap3A_48, %swap3A_49] {strides = array<i32>} : memref<192x128xf32, #tpu.memory_space<vmem>>, vector<1x16xf32>,
      %swap3A_51 = vector.shape_cast %swap3A_50 : vector<1x16xf32> to vector<16xf32>
      %swap3A_52 = vector.shape_cast %broadcast_in_dim3A_1 : vector<16xf32> to vector<1x16xf32>
      tpu.vector_store %arg10[%swap3A_48, %swap3A_49], %swap3A_52 {strides = array<i32>} : memref<192x128xf32, #tpu.memory_space<vmem>>, vector<1x16xf32>,
      %swap3A_53 = arith.index_cast %add3A_28 : i32 to index
      %swap3A_54 = arith.constant 80 : index
      %swap3A_55 = tpu.vector_load %arg10[%swap3A_53, %swap3A_54] {strides = array<i32>} : memref<192x128xf32, #tpu.memory_space<vmem>>, vector<1x16xf32>,
      %swap3A_56 = vector.shape_cast %swap3A_55 : vector<1x16xf32> to vector<16xf32>
      %swap3A_57 = vector.shape_cast %broadcast_in_dim3A_1 : vector<16xf32> to vector<1x16xf32>
      tpu.vector_store %arg10[%swap3A_53, %swap3A_54], %swap3A_57 {strides = array<i32>} : memref<192x128xf32, #tpu.memory_space<vmem>>, vector<1x16xf32>,
      %swap3A_58 = arith.index_cast %add3A_28 : i32 to index
      %swap3A_59 = arith.constant 96 : index
      %swap3A_60 = tpu.vector_load %arg10[%swap3A_58, %swap3A_59] {strides = array<i32>} : memref<192x128xf32, #tpu.memory_space<vmem>>, vector<1x16xf32>,
      %swap3A_61 = vector.shape_cast %swap3A_60 : vector<1x16xf32> to vector<16xf32>
      %swap3A_62 = vector.shape_cast %broadcast_in_dim3A_1 : vector<16xf32> to vector<1x16xf32>
      tpu.vector_store %arg10[%swap3A_58, %swap3A_59], %swap3A_62 {strides = array<i32>} : memref<192x128xf32, #tpu.memory_space<vmem>>, vector<1x16xf32>,
      %swap3A_63 = arith.index_cast %add3A_28 : i32 to index
      %swap3A_64 = arith.constant 112 : index
      %swap3A_65 = tpu.vector_load %arg10[%swap3A_63, %swap3A_64] {strides = array<i32>} : memref<192x128xf32, #tpu.memory_space<vmem>>, vector<1x16xf32>,
      %swap3A_66 = vector.shape_cast %swap3A_65 : vector<1x16xf32> to vector<16xf32>
      %swap3A_67 = vector.shape_cast %broadcast_in_dim3A_1 : vector<16xf32> to vector<1x16xf32>
      tpu.vector_store %arg10[%swap3A_63, %swap3A_64], %swap3A_67 {strides = array<i32>} : memref<192x128xf32, #tpu.memory_space<vmem>>, vector<1x16xf32>,
    }
    %scan3A_5 = arith.constant 192 : i32
    %mul3A_6 = arith.constant 632 : i32
    %mul3A_7 = arith.muli %arg1, %mul3A_6 : i32
    "tpu.region"() ({
      %run_scoped3A = tpu.sem_alloc : memref<!tpu.dma_semaphore, #tpu.memory_space<semaphore_mem>>
      %dma_start3A = arith.constant 0 : i32
      %dma_start3A_24 = arith.constant 0 : i32
      %dma_start3A_25 = tpu.memref_slice %arg10[%dma_start3A, %dma_start3A_24] : memref<192x128xf32, #tpu.memory_space<vmem>> -> memref<192x128xf32, #tpu.memory_space<vmem>>
      %dma_start3A_26 = arith.constant 0 : i32
      %dma_start3A_27 = tpu.memref_slice %arg18[%mul3A_7, %dma_start3A_26] : memref<10112x128xf32, #tpu.memory_space<vmem_shared>> -> memref<192x128xf32, #tpu.memory_space<vmem_shared>>
      %dma_start3A_28 = arith.constant 0 : i32
      %dma_start3A_29 = tpu.memref_slice %arg18[%mul3A_7, %dma_start3A_28] : memref<10112x128xf32, #tpu.memory_space<vmem_shared>> -> memref<192x128xf32, #tpu.memory_space<vmem_shared>>
      %dma_start3A_30 = arith.constant 0 : i32
      %dma_start3A_31 = arith.constant 0 : i32
      %dma_start3A_32 = tpu.memref_slice %arg10[%dma_start3A_30, %dma_start3A_31] : memref<192x128xf32, #tpu.memory_space<vmem>> -> memref<192x128xf32, #tpu.memory_space<vmem>>
      tpu.enqueue_dma source(%dma_start3A_32 : memref<192x128xf32, #tpu.memory_space<vmem>>) target(%dma_start3A_29 : memref<192x128xf32, #tpu.memory_space<vmem_shared>>) target_semaphore(%run_scoped3A : memref<!tpu.dma_semaphore, #tpu.memory_space<semaphore_mem>>)
      %dma_wait3A = arith.constant 0 : i32
      %dma_wait3A_33 = arith.constant 0 : i32
      %dma_wait3A_34 = tpu.memref_slice %arg10[%dma_wait3A, %dma_wait3A_33] : memref<192x128xf32, #tpu.memory_space<vmem>> -> memref<192x128xf32, #tpu.memory_space<vmem>>
      %dma_wait3A_35 = arith.constant 0 : i32
      %dma_wait3A_36 = tpu.memref_slice %arg18[%mul3A_7, %dma_wait3A_35] : memref<10112x128xf32, #tpu.memory_space<vmem_shared>> -> memref<192x128xf32, #tpu.memory_space<vmem_shared>>
      %dma_wait3A_37 = arith.constant 0 : i32
      %dma_wait3A_38 = tpu.memref_slice %arg18[%mul3A_7, %dma_wait3A_37] : memref<10112x128xf32, #tpu.memory_space<vmem_shared>> -> memref<192x128xf32, #tpu.memory_space<vmem_shared>>
      %dma_wait3A_39 = arith.constant 0 : i32
      %dma_wait3A_40 = arith.constant 0 : i32
      %dma_wait3A_41 = tpu.memref_slice %arg10[%dma_wait3A_39, %dma_wait3A_40] : memref<192x128xf32, #tpu.memory_space<vmem>> -> memref<192x128xf32, #tpu.memory_space<vmem>>
      tpu.wait_dma2 semaphore(%run_scoped3A : memref<!tpu.dma_semaphore, #tpu.memory_space<semaphore_mem>>) src(%dma_wait3A_41 : memref<192x128xf32, #tpu.memory_space<vmem>>) dst(%dma_wait3A_38 : memref<192x128xf32, #tpu.memory_space<vmem_shared>>)
      tpu.yield
    }) : () -> ()
    %add3A_8 = arith.constant 192 : i32
    %add3A_9 = arith.addi %mul3A_7, %add3A_8 : i32
    "tpu.region"() ({
      %run_scoped3A = tpu.sem_alloc : memref<!tpu.dma_semaphore, #tpu.memory_space<semaphore_mem>>
      %dma_start3A = arith.constant 0 : i32
      %dma_start3A_24 = arith.constant 0 : i32
      %dma_start3A_25 = tpu.memref_slice %arg10[%dma_start3A, %dma_start3A_24] : memref<192x128xf32, #tpu.memory_space<vmem>> -> memref<192x128xf32, #tpu.memory_space<vmem>>
      %dma_start3A_26 = arith.constant 0 : i32
      %dma_start3A_27 = tpu.memref_slice %arg18[%add3A_9, %dma_start3A_26] : memref<10112x128xf32, #tpu.memory_space<vmem_shared>> -> memref<192x128xf32, #tpu.memory_space<vmem_shared>>
      %dma_start3A_28 = arith.constant 0 : i32
      %dma_start3A_29 = tpu.memref_slice %arg18[%add3A_9, %dma_start3A_28] : memref<10112x128xf32, #tpu.memory_space<vmem_shared>> -> memref<192x128xf32, #tpu.memory_space<vmem_shared>>
      %dma_start3A_30 = arith.constant 0 : i32
      %dma_start3A_31 = arith.constant 0 : i32
      %dma_start3A_32 = tpu.memref_slice %arg10[%dma_start3A_30, %dma_start3A_31] : memref<192x128xf32, #tpu.memory_space<vmem>> -> memref<192x128xf32, #tpu.memory_space<vmem>>
      tpu.enqueue_dma source(%dma_start3A_32 : memref<192x128xf32, #tpu.memory_space<vmem>>) target(%dma_start3A_29 : memref<192x128xf32, #tpu.memory_space<vmem_shared>>) target_semaphore(%run_scoped3A : memref<!tpu.dma_semaphore, #tpu.memory_space<semaphore_mem>>)
      %dma_wait3A = arith.constant 0 : i32
      %dma_wait3A_33 = arith.constant 0 : i32
      %dma_wait3A_34 = tpu.memref_slice %arg10[%dma_wait3A, %dma_wait3A_33] : memref<192x128xf32, #tpu.memory_space<vmem>> -> memref<192x128xf32, #tpu.memory_space<vmem>>
      %dma_wait3A_35 = arith.constant 0 : i32
      %dma_wait3A_36 = tpu.memref_slice %arg18[%add3A_9, %dma_wait3A_35] : memref<10112x128xf32, #tpu.memory_space<vmem_shared>> -> memref<192x128xf32, #tpu.memory_space<vmem_shared>>
      %dma_wait3A_37 = arith.constant 0 : i32
      %dma_wait3A_38 = tpu.memref_slice %arg18[%add3A_9, %dma_wait3A_37] : memref<10112x128xf32, #tpu.memory_space<vmem_shared>> -> memref<192x128xf32, #tpu.memory_space<vmem_shared>>
      %dma_wait3A_39 = arith.constant 0 : i32
      %dma_wait3A_40 = arith.constant 0 : i32
      %dma_wait3A_41 = tpu.memref_slice %arg10[%dma_wait3A_39, %dma_wait3A_40] : memref<192x128xf32, #tpu.memory_space<vmem>> -> memref<192x128xf32, #tpu.memory_space<vmem>>
      tpu.wait_dma2 semaphore(%run_scoped3A : memref<!tpu.dma_semaphore, #tpu.memory_space<semaphore_mem>>) src(%dma_wait3A_41 : memref<192x128xf32, #tpu.memory_space<vmem>>) dst(%dma_wait3A_38 : memref<192x128xf32, #tpu.memory_space<vmem_shared>>)
      tpu.yield
    }) : () -> ()
    %add3A_10 = arith.constant 192 : i32
    %add3A_11 = arith.addi %add3A_9, %add3A_10 : i32
    "tpu.region"() ({
      %run_scoped3A = tpu.sem_alloc : memref<!tpu.dma_semaphore, #tpu.memory_space<semaphore_mem>>
      %dma_start3A = arith.constant 0 : i32
      %dma_start3A_24 = arith.constant 0 : i32
      %dma_start3A_25 = tpu.memref_slice %arg10[%dma_start3A, %dma_start3A_24] : memref<192x128xf32, #tpu.memory_space<vmem>> -> memref<192x128xf32, #tpu.memory_space<vmem>>
      %dma_start3A_26 = arith.constant 0 : i32
      %dma_start3A_27 = tpu.memref_slice %arg18[%add3A_11, %dma_start3A_26] : memref<10112x128xf32, #tpu.memory_space<vmem_shared>> -> memref<192x128xf32, #tpu.memory_space<vmem_shared>>
      %dma_start3A_28 = arith.constant 0 : i32
      %dma_start3A_29 = tpu.memref_slice %arg18[%add3A_11, %dma_start3A_28] : memref<10112x128xf32, #tpu.memory_space<vmem_shared>> -> memref<192x128xf32, #tpu.memory_space<vmem_shared>>
      %dma_start3A_30 = arith.constant 0 : i32
      %dma_start3A_31 = arith.constant 0 : i32
      %dma_start3A_32 = tpu.memref_slice %arg10[%dma_start3A_30, %dma_start3A_31] : memref<192x128xf32, #tpu.memory_space<vmem>> -> memref<192x128xf32, #tpu.memory_space<vmem>>
      tpu.enqueue_dma source(%dma_start3A_32 : memref<192x128xf32, #tpu.memory_space<vmem>>) target(%dma_start3A_29 : memref<192x128xf32, #tpu.memory_space<vmem_shared>>) target_semaphore(%run_scoped3A : memref<!tpu.dma_semaphore, #tpu.memory_space<semaphore_mem>>)
      %dma_wait3A = arith.constant 0 : i32
      %dma_wait3A_33 = arith.constant 0 : i32
      %dma_wait3A_34 = tpu.memref_slice %arg10[%dma_wait3A, %dma_wait3A_33] : memref<192x128xf32, #tpu.memory_space<vmem>> -> memref<192x128xf32, #tpu.memory_space<vmem>>
      %dma_wait3A_35 = arith.constant 0 : i32
      %dma_wait3A_36 = tpu.memref_slice %arg18[%add3A_11, %dma_wait3A_35] : memref<10112x128xf32, #tpu.memory_space<vmem_shared>> -> memref<192x128xf32, #tpu.memory_space<vmem_shared>>
      %dma_wait3A_37 = arith.constant 0 : i32
      %dma_wait3A_38 = tpu.memref_slice %arg18[%add3A_11, %dma_wait3A_37] : memref<10112x128xf32, #tpu.memory_space<vmem_shared>> -> memref<192x128xf32, #tpu.memory_space<vmem_shared>>
      %dma_wait3A_39 = arith.constant 0 : i32
      %dma_wait3A_40 = arith.constant 0 : i32
      %dma_wait3A_41 = tpu.memref_slice %arg10[%dma_wait3A_39, %dma_wait3A_40] : memref<192x128xf32, #tpu.memory_space<vmem>> -> memref<192x128xf32, #tpu.memory_space<vmem>>
      tpu.wait_dma2 semaphore(%run_scoped3A : memref<!tpu.dma_semaphore, #tpu.memory_space<semaphore_mem>>) src(%dma_wait3A_41 : memref<192x128xf32, #tpu.memory_space<vmem>>) dst(%dma_wait3A_38 : memref<192x128xf32, #tpu.memory_space<vmem_shared>>)
      tpu.yield
    }) : () -> ()
    %add3A_12 = arith.constant 192 : i32
    %add3A_13 = arith.addi %add3A_11, %add3A_12 : i32
    "tpu.region"() ({
      %run_scoped3A = tpu.sem_alloc : memref<!tpu.dma_semaphore, #tpu.memory_space<semaphore_mem>>
      %dma_start3A = arith.constant 0 : i32
      %dma_start3A_24 = arith.constant 0 : i32
      %dma_start3A_25 = tpu.memref_slice %arg10[%dma_start3A, %dma_start3A_24] : memref<192x128xf32, #tpu.memory_space<vmem>> -> memref<56x128xf32, #tpu.memory_space<vmem>>
      %dma_start3A_26 = arith.constant 0 : i32
      %dma_start3A_27 = tpu.memref_slice %arg18[%add3A_13, %dma_start3A_26] : memref<10112x128xf32, #tpu.memory_space<vmem_shared>> -> memref<56x128xf32, #tpu.memory_space<vmem_shared>>
      %dma_start3A_28 = arith.constant 0 : i32
      %dma_start3A_29 = tpu.memref_slice %arg18[%add3A_13, %dma_start3A_28] : memref<10112x128xf32, #tpu.memory_space<vmem_shared>> -> memref<56x128xf32, #tpu.memory_space<vmem_shared>>
      %dma_start3A_30 = arith.constant 0 : i32
      %dma_start3A_31 = arith.constant 0 : i32
      %dma_start3A_32 = tpu.memref_slice %arg10[%dma_start3A_30, %dma_start3A_31] : memref<192x128xf32, #tpu.memory_space<vmem>> -> memref<56x128xf32, #tpu.memory_space<vmem>>
      tpu.enqueue_dma source(%dma_start3A_32 : memref<56x128xf32, #tpu.memory_space<vmem>>) target(%dma_start3A_29 : memref<56x128xf32, #tpu.memory_space<vmem_shared>>) target_semaphore(%run_scoped3A : memref<!tpu.dma_semaphore, #tpu.memory_space<semaphore_mem>>)
      %dma_wait3A = arith.constant 0 : i32
      %dma_wait3A_33 = arith.constant 0 : i32
      %dma_wait3A_34 = tpu.memref_slice %arg10[%dma_wait3A, %dma_wait3A_33] : memref<192x128xf32, #tpu.memory_space<vmem>> -> memref<56x128xf32, #tpu.memory_space<vmem>>
      %dma_wait3A_35 = arith.constant 0 : i32
      %dma_wait3A_36 = tpu.memref_slice %arg18[%add3A_13, %dma_wait3A_35] : memref<10112x128xf32, #tpu.memory_space<vmem_shared>> -> memref<56x128xf32, #tpu.memory_space<vmem_shared>>
      %dma_wait3A_37 = arith.constant 0 : i32
      %dma_wait3A_38 = tpu.memref_slice %arg18[%add3A_13, %dma_wait3A_37] : memref<10112x128xf32, #tpu.memory_space<vmem_shared>> -> memref<56x128xf32, #tpu.memory_space<vmem_shared>>
      %dma_wait3A_39 = arith.constant 0 : i32
      %dma_wait3A_40 = arith.constant 0 : i32
      %dma_wait3A_41 = tpu.memref_slice %arg10[%dma_wait3A_39, %dma_wait3A_40] : memref<192x128xf32, #tpu.memory_space<vmem>> -> memref<56x128xf32, #tpu.memory_space<vmem>>
      tpu.wait_dma2 semaphore(%run_scoped3A : memref<!tpu.dma_semaphore, #tpu.memory_space<semaphore_mem>>) src(%dma_wait3A_41 : memref<56x128xf32, #tpu.memory_space<vmem>>) dst(%dma_wait3A_38 : memref<56x128xf32, #tpu.memory_space<vmem_shared>>)
      tpu.yield
    }) : () -> ()
    %add3A_14 = arith.constant 56 : i32
    %add3A_15 = arith.addi %add3A_13, %add3A_14 : i32
    %barrier3A = arith.constant 0 : index
    tpu.barrier barrier_id(%barrier3A)
    %scan3A_16 = arith.constant 0 : i32
    %scan3A_17 = arith.constant 27 : i32
    %scan3A_18 = arith.addi %scan3A_16, %scan3A_17 : i32
    %scan3A_19 = arith.constant 1 : i32
    scf.for %scan3A_24 = %scan3A_16 to %scan3A_18 step %scan3A_19  : i32 {
      %mul3A_25 = arith.constant 2 : i32
      %mul3A_26 = arith.muli %scan3A_24, %mul3A_25 : i32
      %add3A_27 = arith.constant 0 : i32
      %add3A_28 = arith.addi %add3A_27, %mul3A_26 : i32
      %mul3A_29 = arith.constant 10368 : i32
      %mul3A_30 = arith.muli %add3A, %mul3A_29 : i32
      %add3A_31 = arith.constant 0 : i32
      %add3A_32 = arith.addi %add3A_28, %add3A_31 : i32
      %mul3A_33 = arith.constant 192 : i32
      %mul3A_34 = arith.muli %add3A_32, %mul3A_33 : i32
      %add3A_35 = arith.addi %mul3A_30, %mul3A_34 : i32
      %multiple_of3A = tpu.assume_multiple %add3A_35, 192 : i32
      %dma_start3A = tpu.memref_slice %arg3[%multiple_of3A] : memref<331776xi32, #tpu.memory_space<hbm>> -> memref<192xi32, #tpu.memory_space<hbm>>
      %dma_start3A_36 = tpu.memref_slice %arg3[%multiple_of3A] : memref<331776xi32, #tpu.memory_space<hbm>> -> memref<192xi32, #tpu.memory_space<hbm>>
      tpu.enqueue_dma source(%dma_start3A_36 : memref<192xi32, #tpu.memory_space<hbm>>) target(%arg6 : memref<192xi32, #tpu.memory_space<vmem>>) target_semaphore(%arg12 : memref<!tpu.dma_semaphore, #tpu.memory_space<semaphore_mem>>)
      %dma_start3A_37 = tpu.memref_slice %arg4[%multiple_of3A] : memref<331776xi32, #tpu.memory_space<hbm>> -> memref<192xi32, #tpu.memory_space<hbm>>
      %dma_start3A_38 = tpu.memref_slice %arg4[%multiple_of3A] : memref<331776xi32, #tpu.memory_space<hbm>> -> memref<192xi32, #tpu.memory_space<hbm>>
      tpu.enqueue_dma source(%dma_start3A_38 : memref<192xi32, #tpu.memory_space<hbm>>) target(%arg8 : memref<192xi32, #tpu.memory_space<vmem>>) target_semaphore(%arg14 : memref<!tpu.dma_semaphore, #tpu.memory_space<semaphore_mem>>)
      %mul3A_39 = arith.constant 10368 : i32
      %mul3A_40 = arith.muli %add3A, %mul3A_39 : i32
      %add3A_41 = arith.constant 1 : i32
      %add3A_42 = arith.addi %add3A_28, %add3A_41 : i32
      %mul3A_43 = arith.constant 192 : i32
      %mul3A_44 = arith.muli %add3A_42, %mul3A_43 : i32
      %add3A_45 = arith.addi %mul3A_40, %mul3A_44 : i32
      %multiple_of3A_46 = tpu.assume_multiple %add3A_45, 192 : i32
      %dma_start3A_47 = tpu.memref_slice %arg3[%multiple_of3A_46] : memref<331776xi32, #tpu.memory_space<hbm>> -> memref<192xi32, #tpu.memory_space<hbm>>
      %dma_start3A_48 = tpu.memref_slice %arg3[%multiple_of3A_46] : memref<331776xi32, #tpu.memory_space<hbm>> -> memref<192xi32, #tpu.memory_space<hbm>>
      tpu.enqueue_dma source(%dma_start3A_48 : memref<192xi32, #tpu.memory_space<hbm>>) target(%arg7 : memref<192xi32, #tpu.memory_space<vmem>>) target_semaphore(%arg13 : memref<!tpu.dma_semaphore, #tpu.memory_space<semaphore_mem>>)
      %dma_start3A_49 = tpu.memref_slice %arg4[%multiple_of3A_46] : memref<331776xi32, #tpu.memory_space<hbm>> -> memref<192xi32, #tpu.memory_space<hbm>>
      %dma_start3A_50 = tpu.memref_slice %arg4[%multiple_of3A_46] : memref<331776xi32, #tpu.memory_space<hbm>> -> memref<192xi32, #tpu.memory_space<hbm>>
      tpu.enqueue_dma source(%dma_start3A_50 : memref<192xi32, #tpu.memory_space<hbm>>) target(%arg9 : memref<192xi32, #tpu.memory_space<vmem>>) target_semaphore(%arg15 : memref<!tpu.dma_semaphore, #tpu.memory_space<semaphore_mem>>)
      %dma_wait3A = tpu.memref_slice %arg3[%multiple_of3A] : memref<331776xi32, #tpu.memory_space<hbm>> -> memref<192xi32, #tpu.memory_space<hbm>>
      %dma_wait3A_51 = tpu.memref_slice %arg3[%multiple_of3A] : memref<331776xi32, #tpu.memory_space<hbm>> -> memref<192xi32, #tpu.memory_space<hbm>>
      tpu.wait_dma2 semaphore(%arg12 : memref<!tpu.dma_semaphore, #tpu.memory_space<semaphore_mem>>) src(%dma_wait3A_51 : memref<192xi32, #tpu.memory_space<hbm>>) dst(%arg6 : memref<192xi32, #tpu.memory_space<vmem>>)
      %dma_start3A_52 = arith.constant 0 : i32
      %dma_start3A_53 = arith.constant 0 : i32
      %dma_start3A_54 = tpu.memref_slice %arg2[%dma_start3A_52, %dma_start3A_53] : memref<10112x128xf32, #tpu.memory_space<hbm>> -> memref<10112x128xf32, #tpu.memory_space<hbm>>
      tpu.enqueue_indirect_dma source(%dma_start3A_54 : memref<10112x128xf32, #tpu.memory_space<hbm>>) target(%arg10 : memref<192x128xf32, #tpu.memory_space<vmem>>) offsets(%arg6 : memref<192xi32, #tpu.memory_space<vmem>>) semaphore(%arg16 : memref<!tpu.dma_semaphore, #tpu.memory_space<semaphore_mem>>)
      %dma_wait3A_55 = tpu.memref_slice %arg3[%multiple_of3A_46] : memref<331776xi32, #tpu.memory_space<hbm>> -> memref<192xi32, #tpu.memory_space<hbm>>
      %dma_wait3A_56 = tpu.memref_slice %arg3[%multiple_of3A_46] : memref<331776xi32, #tpu.memory_space<hbm>> -> memref<192xi32, #tpu.memory_space<hbm>>
      tpu.wait_dma2 semaphore(%arg13 : memref<!tpu.dma_semaphore, #tpu.memory_space<semaphore_mem>>) src(%dma_wait3A_56 : memref<192xi32, #tpu.memory_space<hbm>>) dst(%arg7 : memref<192xi32, #tpu.memory_space<vmem>>)
      %dma_start3A_57 = arith.constant 0 : i32
      %dma_start3A_58 = arith.constant 0 : i32
      %dma_start3A_59 = tpu.memref_slice %arg2[%dma_start3A_57, %dma_start3A_58] : memref<10112x128xf32, #tpu.memory_space<hbm>> -> memref<10112x128xf32, #tpu.memory_space<hbm>>
      tpu.enqueue_indirect_dma source(%dma_start3A_59 : memref<10112x128xf32, #tpu.memory_space<hbm>>) target(%arg11 : memref<192x128xf32, #tpu.memory_space<vmem>>) offsets(%arg7 : memref<192xi32, #tpu.memory_space<vmem>>) semaphore(%arg17 : memref<!tpu.dma_semaphore, #tpu.memory_space<semaphore_mem>>)
      %dma_wait3A_60 = arith.constant 0 : i32
      %dma_wait3A_61 = arith.constant 0 : i32
      %dma_wait3A_62 = tpu.memref_slice %arg2[%dma_wait3A_60, %dma_wait3A_61] : memref<10112x128xf32, #tpu.memory_space<hbm>> -> memref<10112x128xf32, #tpu.memory_space<hbm>>
      tpu.wait_indirect_dma semaphore(%arg16 : memref<!tpu.dma_semaphore, #tpu.memory_space<semaphore_mem>>) src(%dma_wait3A_62 : memref<10112x128xf32, #tpu.memory_space<hbm>>) dst(%arg10 : memref<192x128xf32, #tpu.memory_space<vmem>>)
      %dma_wait3A_63 = tpu.memref_slice %arg4[%multiple_of3A] : memref<331776xi32, #tpu.memory_space<hbm>> -> memref<192xi32, #tpu.memory_space<hbm>>
      %dma_wait3A_64 = tpu.memref_slice %arg4[%multiple_of3A] : memref<331776xi32, #tpu.memory_space<hbm>> -> memref<192xi32, #tpu.memory_space<hbm>>
      tpu.wait_dma2 semaphore(%arg14 : memref<!tpu.dma_semaphore, #tpu.memory_space<semaphore_mem>>) src(%dma_wait3A_64 : memref<192xi32, #tpu.memory_space<hbm>>) dst(%arg8 : memref<192xi32, #tpu.memory_space<vmem>>)
      "tpu.region"() ({
        %run_scoped3A = tpu.sem_alloc : memref<!tpu.dma_semaphore, #tpu.memory_space<semaphore_mem>>
        %dma_start3A_70 = arith.constant 0 : i32
        %dma_start3A_71 = arith.constant 0 : i32
        %dma_start3A_72 = tpu.memref_slice %arg18[%dma_start3A_70, %dma_start3A_71] : memref<10112x128xf32, #tpu.memory_space<vmem_shared>> -> memref<10112x128xf32, #tpu.memory_space<vmem_shared>>
        tpu.enqueue_indirect_dma source(%arg10 : memref<192x128xf32, #tpu.memory_space<vmem>>) target(%dma_start3A_72 : memref<10112x128xf32, #tpu.memory_space<vmem_shared>>) offsets(%arg8 : memref<192xi32, #tpu.memory_space<vmem>>) semaphore(%run_scoped3A : memref<!tpu.dma_semaphore, #tpu.memory_space<semaphore_mem>>) {add = true}
        %dma_wait3A_73 = arith.constant 0 : i32
        %dma_wait3A_74 = arith.constant 0 : i32
        %dma_wait3A_75 = tpu.memref_slice %arg18[%dma_wait3A_73, %dma_wait3A_74] : memref<10112x128xf32, #tpu.memory_space<vmem_shared>> -> memref<10112x128xf32, #tpu.memory_space<vmem_shared>>
        tpu.wait_indirect_dma semaphore(%run_scoped3A : memref<!tpu.dma_semaphore, #tpu.memory_space<semaphore_mem>>) src(%arg10 : memref<192x128xf32, #tpu.memory_space<vmem>>) dst(%dma_wait3A_75 : memref<10112x128xf32, #tpu.memory_space<vmem_shared>>)
        tpu.yield
      }) : () -> ()
      %dma_wait3A_65 = arith.constant 0 : i32
      %dma_wait3A_66 = arith.constant 0 : i32
      %dma_wait3A_67 = tpu.memref_slice %arg2[%dma_wait3A_65, %dma_wait3A_66] : memref<10112x128xf32, #tpu.memory_space<hbm>> -> memref<10112x128xf32, #tpu.memory_space<hbm>>
      tpu.wait_indirect_dma semaphore(%arg17 : memref<!tpu.dma_semaphore, #tpu.memory_space<semaphore_mem>>) src(%dma_wait3A_67 : memref<10112x128xf32, #tpu.memory_space<hbm>>) dst(%arg11 : memref<192x128xf32, #tpu.memory_space<vmem>>)
      %dma_wait3A_68 = tpu.memref_slice %arg4[%multiple_of3A_46] : memref<331776xi32, #tpu.memory_space<hbm>> -> memref<192xi32, #tpu.memory_space<hbm>>
      %dma_wait3A_69 = tpu.memref_slice %arg4[%multiple_of3A_46] : memref<331776xi32, #tpu.memory_space<hbm>> -> memref<192xi32, #tpu.memory_space<hbm>>
      tpu.wait_dma2 semaphore(%arg15 : memref<!tpu.dma_semaphore, #tpu.memory_space<semaphore_mem>>) src(%dma_wait3A_69 : memref<192xi32, #tpu.memory_space<hbm>>) dst(%arg9 : memref<192xi32, #tpu.memory_space<vmem>>)
      "tpu.region"() ({
        %run_scoped3A = tpu.sem_alloc : memref<!tpu.dma_semaphore, #tpu.memory_space<semaphore_mem>>
        %dma_start3A_70 = arith.constant 0 : i32
        %dma_start3A_71 = arith.constant 0 : i32
        %dma_start3A_72 = tpu.memref_slice %arg18[%dma_start3A_70, %dma_start3A_71] : memref<10112x128xf32, #tpu.memory_space<vmem_shared>> -> memref<10112x128xf32, #tpu.memory_space<vmem_shared>>
        tpu.enqueue_indirect_dma source(%arg11 : memref<192x128xf32, #tpu.memory_space<vmem>>) target(%dma_start3A_72 : memref<10112x128xf32, #tpu.memory_space<vmem_shared>>) offsets(%arg9 : memref<192xi32, #tpu.memory_space<vmem>>) semaphore(%run_scoped3A : memref<!tpu.dma_semaphore, #tpu.memory_space<semaphore_mem>>) {add = true}
        %dma_wait3A_73 = arith.constant 0 : i32
        %dma_wait3A_74 = arith.constant 0 : i32
        %dma_wait3A_75 = tpu.memref_slice %arg18[%dma_wait3A_73, %dma_wait3A_74] : memref<10112x128xf32, #tpu.memory_space<vmem_shared>> -> memref<10112x128xf32, #tpu.memory_space<vmem_shared>>
        tpu.wait_indirect_dma semaphore(%run_scoped3A : memref<!tpu.dma_semaphore, #tpu.memory_space<semaphore_mem>>) src(%arg11 : memref<192x128xf32, #tpu.memory_space<vmem>>) dst(%dma_wait3A_75 : memref<10112x128xf32, #tpu.memory_space<vmem_shared>>)
        tpu.yield
      }) : () -> ()
    }
    %scan3A_20 = arith.constant 27 : i32
    %barrier3A_21 = arith.constant 0 : index
    tpu.barrier barrier_id(%barrier3A_21)
    %mul3A_22 = arith.constant 632 : i32
    %mul3A_23 = arith.muli %arg1, %mul3A_22 : i32
    "tpu.region"() ({
      %run_scoped3A = tpu.sem_alloc : memref<!tpu.dma_semaphore, #tpu.memory_space<semaphore_mem>>
      %dma_start3A = arith.constant 0 : i32
      %dma_start3A_24 = tpu.memref_slice %arg5[%arg0, %mul3A_23, %dma_start3A] : memref<2x10112x128xf32, #tpu.memory_space<hbm>> -> memref<1x632x128xf32, #tpu.memory_space<hbm>>
      %dma_start3A_25 = tpu.memref_squeeze %dma_start3A_24 : memref<1x632x128xf32, #tpu.memory_space<hbm>> -> memref<632x128xf32, #tpu.memory_space<hbm>>
      %dma_start3A_26 = arith.constant 0 : i32
      %dma_start3A_27 = tpu.memref_slice %arg18[%mul3A_23, %dma_start3A_26] : memref<10112x128xf32, #tpu.memory_space<vmem_shared>> -> memref<632x128xf32, #tpu.memory_space<vmem_shared>>
      tpu.enqueue_dma source(%dma_start3A_27 : memref<632x128xf32, #tpu.memory_space<vmem_shared>>) target(%dma_start3A_25 : memref<632x128xf32, #tpu.memory_space<hbm>>) target_semaphore(%run_scoped3A : memref<!tpu.dma_semaphore, #tpu.memory_space<semaphore_mem>>)
      %dma_wait3A = arith.constant 0 : i32
      %dma_wait3A_28 = tpu.memref_slice %arg5[%arg0, %mul3A_23, %dma_wait3A] : memref<2x10112x128xf32, #tpu.memory_space<hbm>> -> memref<1x632x128xf32, #tpu.memory_space<hbm>>
      %dma_wait3A_29 = tpu.memref_squeeze %dma_wait3A_28 : memref<1x632x128xf32, #tpu.memory_space<hbm>> -> memref<632x128xf32, #tpu.memory_space<hbm>>
      %dma_wait3A_30 = arith.constant 0 : i32
      %dma_wait3A_31 = tpu.memref_slice %arg18[%mul3A_23, %dma_wait3A_30] : memref<10112x128xf32, #tpu.memory_space<vmem_shared>> -> memref<632x128xf32, #tpu.memory_space<vmem_shared>>
      tpu.wait_dma2 semaphore(%run_scoped3A : memref<!tpu.dma_semaphore, #tpu.memory_space<semaphore_mem>>) src(%dma_wait3A_31 : memref<632x128xf32, #tpu.memory_space<vmem_shared>>) dst(%dma_wait3A_29 : memref<632x128xf32, #tpu.memory_space<hbm>>)
      tpu.yield
    }) : () -> ()
    return
  }
}

#map = affine_map<(d0, d1) -> (0, 0)>
#map1 = affine_map<(d0, d1) -> (0)>
#map2 = affine_map<(d0, d1) -> (0, 0, 0)>
module attributes {stable_mosaic.version = 14 : i64} {
  func.func @_sc_agg_body(%arg0: i32, %arg1: i32, %arg2: memref<10112x128xf32, #tpu.memory_space<hbm>>, %arg3: memref<331776xi32, #tpu.memory_space<hbm>>, %arg4: memref<331776xi32, #tpu.memory_space<hbm>>, %arg5: memref<2x10112x128xf32, #tpu.memory_space<hbm>>, %arg6: memref<192xi32, #tpu.memory_space<vmem>>, %arg7: memref<192xi32, #tpu.memory_space<vmem>>, %arg8: memref<192xi32, #tpu.memory_space<vmem>>, %arg9: memref<192xi32, #tpu.memory_space<vmem>>, %arg10: memref<192x128xf32, #tpu.memory_space<vmem>>, %arg11: memref<192x128xf32, #tpu.memory_space<vmem>>, %arg12: memref<!tpu.dma_semaphore, #tpu.memory_space<semaphore_mem>>, %arg13: memref<!tpu.dma_semaphore, #tpu.memory_space<semaphore_mem>>, %arg14: memref<!tpu.dma_semaphore, #tpu.memory_space<semaphore_mem>>, %arg15: memref<!tpu.dma_semaphore, #tpu.memory_space<semaphore_mem>>, %arg16: memref<!tpu.dma_semaphore, #tpu.memory_space<semaphore_mem>>, %arg17: memref<!tpu.dma_semaphore, #tpu.memory_space<semaphore_mem>>, %arg18: memref<10112x128xf32, #tpu.memory_space<vmem_shared>>) attributes {dimension_semantics = [#tpu.dimension_semantics<core_parallel>, #tpu.dimension_semantics<subcore_parallel>], iteration_bounds = array<i64: 2, 16>, scalar_prefetch = 0 : i64, scratch_operands = 13 : i64, tpu.core_type = #tpu.core_type<sc_vector_subcore>, window_params = [{transform_indices = #map}, {transform_indices = #map1}, {transform_indices = #map1}, {transform_indices = #map2}]} {
    %mul3A = arith.constant 16 : i32
    %mul3A_0 = arith.muli %arg0, %mul3A : i32
    %add3A = arith.addi %mul3A_0, %arg1 : i32
    %broadcast_in_dim3A = arith.constant 0.000000e+00 : f32
    %broadcast_in_dim3A_1 = vector.broadcast %broadcast_in_dim3A : f32 to vector<16xf32>
    %scan3A = arith.constant 0 : i32
    %scan3A_2 = arith.constant 192 : i32
    %scan3A_3 = arith.addi %scan3A, %scan3A_2 : i32
    %scan3A_4 = arith.constant 1 : i32
    scf.for %scan3A_24 = %scan3A to %scan3A_3 step %scan3A_4  : i32 {
      %mul3A_25 = arith.constant 1 : i32
      %mul3A_26 = arith.muli %scan3A_24, %mul3A_25 : i32
      %add3A_27 = arith.constant 0 : i32
      %add3A_28 = arith.addi %add3A_27, %mul3A_26 : i32
      %swap3A = arith.index_cast %add3A_28 : i32 to index
      %swap3A_29 = arith.constant 0 : index
      %swap3A_30 = tpu.vector_load %arg10[%swap3A, %swap3A_29] {strides = array<i32>} : memref<192x128xf32, #tpu.memory_space<vmem>>, vector<1x16xf32>,
      %swap3A_31 = vector.shape_cast %swap3A_30 : vector<1x16xf32> to vector<16xf32>
      %swap3A_32 = vector.shape_cast %broadcast_in_dim3A_1 : vector<16xf32> to vector<1x16xf32>
      tpu.vector_store %arg10[%swap3A, %swap3A_29], %swap3A_32 {strides = array<i32>} : memref<192x128xf32, #tpu.memory_space<vmem>>, vector<1x16xf32>,
      %swap3A_33 = arith.index_cast %add3A_28 : i32 to index
      %swap3A_34 = arith.constant 16 : index
      %swap3A_35 = tpu.vector_load %arg10[%swap3A_33, %swap3A_34] {strides = array<i32>} : memref<192x128xf32, #tpu.memory_space<vmem>>, vector<1x16xf32>,
      %swap3A_36 = vector.shape_cast %swap3A_35 : vector<1x16xf32> to vector<16xf32>
      %swap3A_37 = vector.shape_cast %broadcast_in_dim3A_1 : vector<16xf32> to vector<1x16xf32>
      tpu.vector_store %arg10[%swap3A_33, %swap3A_34], %swap3A_37 {strides = array<i32>} : memref<192x128xf32, #tpu.memory_space<vmem>>, vector<1x16xf32>,
      %swap3A_38 = arith.index_cast %add3A_28 : i32 to index
      %swap3A_39 = arith.constant 32 : index
      %swap3A_40 = tpu.vector_load %arg10[%swap3A_38, %swap3A_39] {strides = array<i32>} : memref<192x128xf32, #tpu.memory_space<vmem>>, vector<1x16xf32>,
      %swap3A_41 = vector.shape_cast %swap3A_40 : vector<1x16xf32> to vector<16xf32>
      %swap3A_42 = vector.shape_cast %broadcast_in_dim3A_1 : vector<16xf32> to vector<1x16xf32>
      tpu.vector_store %arg10[%swap3A_38, %swap3A_39], %swap3A_42 {strides = array<i32>} : memref<192x128xf32, #tpu.memory_space<vmem>>, vector<1x16xf32>,
      %swap3A_43 = arith.index_cast %add3A_28 : i32 to index
      %swap3A_44 = arith.constant 48 : index
      %swap3A_45 = tpu.vector_load %arg10[%swap3A_43, %swap3A_44] {strides = array<i32>} : memref<192x128xf32, #tpu.memory_space<vmem>>, vector<1x16xf32>,
      %swap3A_46 = vector.shape_cast %swap3A_45 : vector<1x16xf32> to vector<16xf32>
      %swap3A_47 = vector.shape_cast %broadcast_in_dim3A_1 : vector<16xf32> to vector<1x16xf32>
      tpu.vector_store %arg10[%swap3A_43, %swap3A_44], %swap3A_47 {strides = array<i32>} : memref<192x128xf32, #tpu.memory_space<vmem>>, vector<1x16xf32>,
      %swap3A_48 = arith.index_cast %add3A_28 : i32 to index
      %swap3A_49 = arith.constant 64 : index
      %swap3A_50 = tpu.vector_load %arg10[%swap3A_48, %swap3A_49] {strides = array<i32>} : memref<192x128xf32, #tpu.memory_space<vmem>>, vector<1x16xf32>,
      %swap3A_51 = vector.shape_cast %swap3A_50 : vector<1x16xf32> to vector<16xf32>
      %swap3A_52 = vector.shape_cast %broadcast_in_dim3A_1 : vector<16xf32> to vector<1x16xf32>
      tpu.vector_store %arg10[%swap3A_48, %swap3A_49], %swap3A_52 {strides = array<i32>} : memref<192x128xf32, #tpu.memory_space<vmem>>, vector<1x16xf32>,
      %swap3A_53 = arith.index_cast %add3A_28 : i32 to index
      %swap3A_54 = arith.constant 80 : index
      %swap3A_55 = tpu.vector_load %arg10[%swap3A_53, %swap3A_54] {strides = array<i32>} : memref<192x128xf32, #tpu.memory_space<vmem>>, vector<1x16xf32>,
      %swap3A_56 = vector.shape_cast %swap3A_55 : vector<1x16xf32> to vector<16xf32>
      %swap3A_57 = vector.shape_cast %broadcast_in_dim3A_1 : vector<16xf32> to vector<1x16xf32>
      tpu.vector_store %arg10[%swap3A_53, %swap3A_54], %swap3A_57 {strides = array<i32>} : memref<192x128xf32, #tpu.memory_space<vmem>>, vector<1x16xf32>,
      %swap3A_58 = arith.index_cast %add3A_28 : i32 to index
      %swap3A_59 = arith.constant 96 : index
      %swap3A_60 = tpu.vector_load %arg10[%swap3A_58, %swap3A_59] {strides = array<i32>} : memref<192x128xf32, #tpu.memory_space<vmem>>, vector<1x16xf32>,
      %swap3A_61 = vector.shape_cast %swap3A_60 : vector<1x16xf32> to vector<16xf32>
      %swap3A_62 = vector.shape_cast %broadcast_in_dim3A_1 : vector<16xf32> to vector<1x16xf32>
      tpu.vector_store %arg10[%swap3A_58, %swap3A_59], %swap3A_62 {strides = array<i32>} : memref<192x128xf32, #tpu.memory_space<vmem>>, vector<1x16xf32>,
      %swap3A_63 = arith.index_cast %add3A_28 : i32 to index
      %swap3A_64 = arith.constant 112 : index
      %swap3A_65 = tpu.vector_load %arg10[%swap3A_63, %swap3A_64] {strides = array<i32>} : memref<192x128xf32, #tpu.memory_space<vmem>>, vector<1x16xf32>,
      %swap3A_66 = vector.shape_cast %swap3A_65 : vector<1x16xf32> to vector<16xf32>
      %swap3A_67 = vector.shape_cast %broadcast_in_dim3A_1 : vector<16xf32> to vector<1x16xf32>
      tpu.vector_store %arg10[%swap3A_63, %swap3A_64], %swap3A_67 {strides = array<i32>} : memref<192x128xf32, #tpu.memory_space<vmem>>, vector<1x16xf32>,
    }
    %scan3A_5 = arith.constant 192 : i32
    %mul3A_6 = arith.constant 632 : i32
    %mul3A_7 = arith.muli %arg1, %mul3A_6 : i32
    "tpu.region"() ({
      %run_scoped3A = tpu.sem_alloc : memref<!tpu.dma_semaphore, #tpu.memory_space<semaphore_mem>>
      %dma_start3A = arith.constant 0 : i32
      %dma_start3A_24 = arith.constant 0 : i32
      %dma_start3A_25 = tpu.memref_slice %arg10[%dma_start3A, %dma_start3A_24] : memref<192x128xf32, #tpu.memory_space<vmem>> -> memref<192x128xf32, #tpu.memory_space<vmem>>
      %dma_start3A_26 = arith.constant 0 : i32
      %dma_start3A_27 = tpu.memref_slice %arg18[%mul3A_7, %dma_start3A_26] : memref<10112x128xf32, #tpu.memory_space<vmem_shared>> -> memref<192x128xf32, #tpu.memory_space<vmem_shared>>
      %dma_start3A_28 = arith.constant 0 : i32
      %dma_start3A_29 = tpu.memref_slice %arg18[%mul3A_7, %dma_start3A_28] : memref<10112x128xf32, #tpu.memory_space<vmem_shared>> -> memref<192x128xf32, #tpu.memory_space<vmem_shared>>
      %dma_start3A_30 = arith.constant 0 : i32
      %dma_start3A_31 = arith.constant 0 : i32
      %dma_start3A_32 = tpu.memref_slice %arg10[%dma_start3A_30, %dma_start3A_31] : memref<192x128xf32, #tpu.memory_space<vmem>> -> memref<192x128xf32, #tpu.memory_space<vmem>>
      tpu.enqueue_dma source(%dma_start3A_32 : memref<192x128xf32, #tpu.memory_space<vmem>>) target(%dma_start3A_29 : memref<192x128xf32, #tpu.memory_space<vmem_shared>>) target_semaphore(%run_scoped3A : memref<!tpu.dma_semaphore, #tpu.memory_space<semaphore_mem>>)
      %dma_wait3A = arith.constant 0 : i32
      %dma_wait3A_33 = arith.constant 0 : i32
      %dma_wait3A_34 = tpu.memref_slice %arg10[%dma_wait3A, %dma_wait3A_33] : memref<192x128xf32, #tpu.memory_space<vmem>> -> memref<192x128xf32, #tpu.memory_space<vmem>>
      %dma_wait3A_35 = arith.constant 0 : i32
      %dma_wait3A_36 = tpu.memref_slice %arg18[%mul3A_7, %dma_wait3A_35] : memref<10112x128xf32, #tpu.memory_space<vmem_shared>> -> memref<192x128xf32, #tpu.memory_space<vmem_shared>>
      %dma_wait3A_37 = arith.constant 0 : i32
      %dma_wait3A_38 = tpu.memref_slice %arg18[%mul3A_7, %dma_wait3A_37] : memref<10112x128xf32, #tpu.memory_space<vmem_shared>> -> memref<192x128xf32, #tpu.memory_space<vmem_shared>>
      %dma_wait3A_39 = arith.constant 0 : i32
      %dma_wait3A_40 = arith.constant 0 : i32
      %dma_wait3A_41 = tpu.memref_slice %arg10[%dma_wait3A_39, %dma_wait3A_40] : memref<192x128xf32, #tpu.memory_space<vmem>> -> memref<192x128xf32, #tpu.memory_space<vmem>>
      tpu.wait_dma2 semaphore(%run_scoped3A : memref<!tpu.dma_semaphore, #tpu.memory_space<semaphore_mem>>) src(%dma_wait3A_41 : memref<192x128xf32, #tpu.memory_space<vmem>>) dst(%dma_wait3A_38 : memref<192x128xf32, #tpu.memory_space<vmem_shared>>)
      tpu.yield
    }) : () -> ()
    %add3A_8 = arith.constant 192 : i32
    %add3A_9 = arith.addi %mul3A_7, %add3A_8 : i32
    "tpu.region"() ({
      %run_scoped3A = tpu.sem_alloc : memref<!tpu.dma_semaphore, #tpu.memory_space<semaphore_mem>>
      %dma_start3A = arith.constant 0 : i32
      %dma_start3A_24 = arith.constant 0 : i32
      %dma_start3A_25 = tpu.memref_slice %arg10[%dma_start3A, %dma_start3A_24] : memref<192x128xf32, #tpu.memory_space<vmem>> -> memref<192x128xf32, #tpu.memory_space<vmem>>
      %dma_start3A_26 = arith.constant 0 : i32
      %dma_start3A_27 = tpu.memref_slice %arg18[%add3A_9, %dma_start3A_26] : memref<10112x128xf32, #tpu.memory_space<vmem_shared>> -> memref<192x128xf32, #tpu.memory_space<vmem_shared>>
      %dma_start3A_28 = arith.constant 0 : i32
      %dma_start3A_29 = tpu.memref_slice %arg18[%add3A_9, %dma_start3A_28] : memref<10112x128xf32, #tpu.memory_space<vmem_shared>> -> memref<192x128xf32, #tpu.memory_space<vmem_shared>>
      %dma_start3A_30 = arith.constant 0 : i32
      %dma_start3A_31 = arith.constant 0 : i32
      %dma_start3A_32 = tpu.memref_slice %arg10[%dma_start3A_30, %dma_start3A_31] : memref<192x128xf32, #tpu.memory_space<vmem>> -> memref<192x128xf32, #tpu.memory_space<vmem>>
      tpu.enqueue_dma source(%dma_start3A_32 : memref<192x128xf32, #tpu.memory_space<vmem>>) target(%dma_start3A_29 : memref<192x128xf32, #tpu.memory_space<vmem_shared>>) target_semaphore(%run_scoped3A : memref<!tpu.dma_semaphore, #tpu.memory_space<semaphore_mem>>)
      %dma_wait3A = arith.constant 0 : i32
      %dma_wait3A_33 = arith.constant 0 : i32
      %dma_wait3A_34 = tpu.memref_slice %arg10[%dma_wait3A, %dma_wait3A_33] : memref<192x128xf32, #tpu.memory_space<vmem>> -> memref<192x128xf32, #tpu.memory_space<vmem>>
      %dma_wait3A_35 = arith.constant 0 : i32
      %dma_wait3A_36 = tpu.memref_slice %arg18[%add3A_9, %dma_wait3A_35] : memref<10112x128xf32, #tpu.memory_space<vmem_shared>> -> memref<192x128xf32, #tpu.memory_space<vmem_shared>>
      %dma_wait3A_37 = arith.constant 0 : i32
      %dma_wait3A_38 = tpu.memref_slice %arg18[%add3A_9, %dma_wait3A_37] : memref<10112x128xf32, #tpu.memory_space<vmem_shared>> -> memref<192x128xf32, #tpu.memory_space<vmem_shared>>
      %dma_wait3A_39 = arith.constant 0 : i32
      %dma_wait3A_40 = arith.constant 0 : i32
      %dma_wait3A_41 = tpu.memref_slice %arg10[%dma_wait3A_39, %dma_wait3A_40] : memref<192x128xf32, #tpu.memory_space<vmem>> -> memref<192x128xf32, #tpu.memory_space<vmem>>
      tpu.wait_dma2 semaphore(%run_scoped3A : memref<!tpu.dma_semaphore, #tpu.memory_space<semaphore_mem>>) src(%dma_wait3A_41 : memref<192x128xf32, #tpu.memory_space<vmem>>) dst(%dma_wait3A_38 : memref<192x128xf32, #tpu.memory_space<vmem_shared>>)
      tpu.yield
    }) : () -> ()
    %add3A_10 = arith.constant 192 : i32
    %add3A_11 = arith.addi %add3A_9, %add3A_10 : i32
    "tpu.region"() ({
      %run_scoped3A = tpu.sem_alloc : memref<!tpu.dma_semaphore, #tpu.memory_space<semaphore_mem>>
      %dma_start3A = arith.constant 0 : i32
      %dma_start3A_24 = arith.constant 0 : i32
      %dma_start3A_25 = tpu.memref_slice %arg10[%dma_start3A, %dma_start3A_24] : memref<192x128xf32, #tpu.memory_space<vmem>> -> memref<192x128xf32, #tpu.memory_space<vmem>>
      %dma_start3A_26 = arith.constant 0 : i32
      %dma_start3A_27 = tpu.memref_slice %arg18[%add3A_11, %dma_start3A_26] : memref<10112x128xf32, #tpu.memory_space<vmem_shared>> -> memref<192x128xf32, #tpu.memory_space<vmem_shared>>
      %dma_start3A_28 = arith.constant 0 : i32
      %dma_start3A_29 = tpu.memref_slice %arg18[%add3A_11, %dma_start3A_28] : memref<10112x128xf32, #tpu.memory_space<vmem_shared>> -> memref<192x128xf32, #tpu.memory_space<vmem_shared>>
      %dma_start3A_30 = arith.constant 0 : i32
      %dma_start3A_31 = arith.constant 0 : i32
      %dma_start3A_32 = tpu.memref_slice %arg10[%dma_start3A_30, %dma_start3A_31] : memref<192x128xf32, #tpu.memory_space<vmem>> -> memref<192x128xf32, #tpu.memory_space<vmem>>
      tpu.enqueue_dma source(%dma_start3A_32 : memref<192x128xf32, #tpu.memory_space<vmem>>) target(%dma_start3A_29 : memref<192x128xf32, #tpu.memory_space<vmem_shared>>) target_semaphore(%run_scoped3A : memref<!tpu.dma_semaphore, #tpu.memory_space<semaphore_mem>>)
      %dma_wait3A = arith.constant 0 : i32
      %dma_wait3A_33 = arith.constant 0 : i32
      %dma_wait3A_34 = tpu.memref_slice %arg10[%dma_wait3A, %dma_wait3A_33] : memref<192x128xf32, #tpu.memory_space<vmem>> -> memref<192x128xf32, #tpu.memory_space<vmem>>
      %dma_wait3A_35 = arith.constant 0 : i32
      %dma_wait3A_36 = tpu.memref_slice %arg18[%add3A_11, %dma_wait3A_35] : memref<10112x128xf32, #tpu.memory_space<vmem_shared>> -> memref<192x128xf32, #tpu.memory_space<vmem_shared>>
      %dma_wait3A_37 = arith.constant 0 : i32
      %dma_wait3A_38 = tpu.memref_slice %arg18[%add3A_11, %dma_wait3A_37] : memref<10112x128xf32, #tpu.memory_space<vmem_shared>> -> memref<192x128xf32, #tpu.memory_space<vmem_shared>>
      %dma_wait3A_39 = arith.constant 0 : i32
      %dma_wait3A_40 = arith.constant 0 : i32
      %dma_wait3A_41 = tpu.memref_slice %arg10[%dma_wait3A_39, %dma_wait3A_40] : memref<192x128xf32, #tpu.memory_space<vmem>> -> memref<192x128xf32, #tpu.memory_space<vmem>>
      tpu.wait_dma2 semaphore(%run_scoped3A : memref<!tpu.dma_semaphore, #tpu.memory_space<semaphore_mem>>) src(%dma_wait3A_41 : memref<192x128xf32, #tpu.memory_space<vmem>>) dst(%dma_wait3A_38 : memref<192x128xf32, #tpu.memory_space<vmem_shared>>)
      tpu.yield
    }) : () -> ()
    %add3A_12 = arith.constant 192 : i32
    %add3A_13 = arith.addi %add3A_11, %add3A_12 : i32
    "tpu.region"() ({
      %run_scoped3A = tpu.sem_alloc : memref<!tpu.dma_semaphore, #tpu.memory_space<semaphore_mem>>
      %dma_start3A = arith.constant 0 : i32
      %dma_start3A_24 = arith.constant 0 : i32
      %dma_start3A_25 = tpu.memref_slice %arg10[%dma_start3A, %dma_start3A_24] : memref<192x128xf32, #tpu.memory_space<vmem>> -> memref<56x128xf32, #tpu.memory_space<vmem>>
      %dma_start3A_26 = arith.constant 0 : i32
      %dma_start3A_27 = tpu.memref_slice %arg18[%add3A_13, %dma_start3A_26] : memref<10112x128xf32, #tpu.memory_space<vmem_shared>> -> memref<56x128xf32, #tpu.memory_space<vmem_shared>>
      %dma_start3A_28 = arith.constant 0 : i32
      %dma_start3A_29 = tpu.memref_slice %arg18[%add3A_13, %dma_start3A_28] : memref<10112x128xf32, #tpu.memory_space<vmem_shared>> -> memref<56x128xf32, #tpu.memory_space<vmem_shared>>
      %dma_start3A_30 = arith.constant 0 : i32
      %dma_start3A_31 = arith.constant 0 : i32
      %dma_start3A_32 = tpu.memref_slice %arg10[%dma_start3A_30, %dma_start3A_31] : memref<192x128xf32, #tpu.memory_space<vmem>> -> memref<56x128xf32, #tpu.memory_space<vmem>>
      tpu.enqueue_dma source(%dma_start3A_32 : memref<56x128xf32, #tpu.memory_space<vmem>>) target(%dma_start3A_29 : memref<56x128xf32, #tpu.memory_space<vmem_shared>>) target_semaphore(%run_scoped3A : memref<!tpu.dma_semaphore, #tpu.memory_space<semaphore_mem>>)
      %dma_wait3A = arith.constant 0 : i32
      %dma_wait3A_33 = arith.constant 0 : i32
      %dma_wait3A_34 = tpu.memref_slice %arg10[%dma_wait3A, %dma_wait3A_33] : memref<192x128xf32, #tpu.memory_space<vmem>> -> memref<56x128xf32, #tpu.memory_space<vmem>>
      %dma_wait3A_35 = arith.constant 0 : i32
      %dma_wait3A_36 = tpu.memref_slice %arg18[%add3A_13, %dma_wait3A_35] : memref<10112x128xf32, #tpu.memory_space<vmem_shared>> -> memref<56x128xf32, #tpu.memory_space<vmem_shared>>
      %dma_wait3A_37 = arith.constant 0 : i32
      %dma_wait3A_38 = tpu.memref_slice %arg18[%add3A_13, %dma_wait3A_37] : memref<10112x128xf32, #tpu.memory_space<vmem_shared>> -> memref<56x128xf32, #tpu.memory_space<vmem_shared>>
      %dma_wait3A_39 = arith.constant 0 : i32
      %dma_wait3A_40 = arith.constant 0 : i32
      %dma_wait3A_41 = tpu.memref_slice %arg10[%dma_wait3A_39, %dma_wait3A_40] : memref<192x128xf32, #tpu.memory_space<vmem>> -> memref<56x128xf32, #tpu.memory_space<vmem>>
      tpu.wait_dma2 semaphore(%run_scoped3A : memref<!tpu.dma_semaphore, #tpu.memory_space<semaphore_mem>>) src(%dma_wait3A_41 : memref<56x128xf32, #tpu.memory_space<vmem>>) dst(%dma_wait3A_38 : memref<56x128xf32, #tpu.memory_space<vmem_shared>>)
      tpu.yield
    }) : () -> ()
    %add3A_14 = arith.constant 56 : i32
    %add3A_15 = arith.addi %add3A_13, %add3A_14 : i32
    %barrier3A = arith.constant 0 : index
    tpu.barrier barrier_id(%barrier3A)
    %scan3A_16 = arith.constant 0 : i32
    %scan3A_17 = arith.constant 27 : i32
    %scan3A_18 = arith.addi %scan3A_16, %scan3A_17 : i32
    %scan3A_19 = arith.constant 1 : i32
    scf.for %scan3A_24 = %scan3A_16 to %scan3A_18 step %scan3A_19  : i32 {
      %mul3A_25 = arith.constant 2 : i32
      %mul3A_26 = arith.muli %scan3A_24, %mul3A_25 : i32
      %add3A_27 = arith.constant 0 : i32
      %add3A_28 = arith.addi %add3A_27, %mul3A_26 : i32
      %mul3A_29 = arith.constant 10368 : i32
      %mul3A_30 = arith.muli %add3A, %mul3A_29 : i32
      %add3A_31 = arith.constant 0 : i32
      %add3A_32 = arith.addi %add3A_28, %add3A_31 : i32
      %mul3A_33 = arith.constant 192 : i32
      %mul3A_34 = arith.muli %add3A_32, %mul3A_33 : i32
      %add3A_35 = arith.addi %mul3A_30, %mul3A_34 : i32
      %multiple_of3A = tpu.assume_multiple %add3A_35, 192 : i32
      %dma_start3A = tpu.memref_slice %arg3[%multiple_of3A] : memref<331776xi32, #tpu.memory_space<hbm>> -> memref<192xi32, #tpu.memory_space<hbm>>
      %dma_start3A_36 = tpu.memref_slice %arg3[%multiple_of3A] : memref<331776xi32, #tpu.memory_space<hbm>> -> memref<192xi32, #tpu.memory_space<hbm>>
      tpu.enqueue_dma source(%dma_start3A_36 : memref<192xi32, #tpu.memory_space<hbm>>) target(%arg6 : memref<192xi32, #tpu.memory_space<vmem>>) target_semaphore(%arg12 : memref<!tpu.dma_semaphore, #tpu.memory_space<semaphore_mem>>)
      %dma_start3A_37 = tpu.memref_slice %arg4[%multiple_of3A] : memref<331776xi32, #tpu.memory_space<hbm>> -> memref<192xi32, #tpu.memory_space<hbm>>
      %dma_start3A_38 = tpu.memref_slice %arg4[%multiple_of3A] : memref<331776xi32, #tpu.memory_space<hbm>> -> memref<192xi32, #tpu.memory_space<hbm>>
      tpu.enqueue_dma source(%dma_start3A_38 : memref<192xi32, #tpu.memory_space<hbm>>) target(%arg8 : memref<192xi32, #tpu.memory_space<vmem>>) target_semaphore(%arg14 : memref<!tpu.dma_semaphore, #tpu.memory_space<semaphore_mem>>)
      %mul3A_39 = arith.constant 10368 : i32
      %mul3A_40 = arith.muli %add3A, %mul3A_39 : i32
      %add3A_41 = arith.constant 1 : i32
      %add3A_42 = arith.addi %add3A_28, %add3A_41 : i32
      %mul3A_43 = arith.constant 192 : i32
      %mul3A_44 = arith.muli %add3A_42, %mul3A_43 : i32
      %add3A_45 = arith.addi %mul3A_40, %mul3A_44 : i32
      %multiple_of3A_46 = tpu.assume_multiple %add3A_45, 192 : i32
      %dma_start3A_47 = tpu.memref_slice %arg3[%multiple_of3A_46] : memref<331776xi32, #tpu.memory_space<hbm>> -> memref<192xi32, #tpu.memory_space<hbm>>
      %dma_start3A_48 = tpu.memref_slice %arg3[%multiple_of3A_46] : memref<331776xi32, #tpu.memory_space<hbm>> -> memref<192xi32, #tpu.memory_space<hbm>>
      tpu.enqueue_dma source(%dma_start3A_48 : memref<192xi32, #tpu.memory_space<hbm>>) target(%arg7 : memref<192xi32, #tpu.memory_space<vmem>>) target_semaphore(%arg13 : memref<!tpu.dma_semaphore, #tpu.memory_space<semaphore_mem>>)
      %dma_start3A_49 = tpu.memref_slice %arg4[%multiple_of3A_46] : memref<331776xi32, #tpu.memory_space<hbm>> -> memref<192xi32, #tpu.memory_space<hbm>>
      %dma_start3A_50 = tpu.memref_slice %arg4[%multiple_of3A_46] : memref<331776xi32, #tpu.memory_space<hbm>> -> memref<192xi32, #tpu.memory_space<hbm>>
      tpu.enqueue_dma source(%dma_start3A_50 : memref<192xi32, #tpu.memory_space<hbm>>) target(%arg9 : memref<192xi32, #tpu.memory_space<vmem>>) target_semaphore(%arg15 : memref<!tpu.dma_semaphore, #tpu.memory_space<semaphore_mem>>)
      %dma_wait3A = tpu.memref_slice %arg3[%multiple_of3A] : memref<331776xi32, #tpu.memory_space<hbm>> -> memref<192xi32, #tpu.memory_space<hbm>>
      %dma_wait3A_51 = tpu.memref_slice %arg3[%multiple_of3A] : memref<331776xi32, #tpu.memory_space<hbm>> -> memref<192xi32, #tpu.memory_space<hbm>>
      tpu.wait_dma2 semaphore(%arg12 : memref<!tpu.dma_semaphore, #tpu.memory_space<semaphore_mem>>) src(%dma_wait3A_51 : memref<192xi32, #tpu.memory_space<hbm>>) dst(%arg6 : memref<192xi32, #tpu.memory_space<vmem>>)
      %dma_start3A_52 = arith.constant 0 : i32
      %dma_start3A_53 = arith.constant 0 : i32
      %dma_start3A_54 = tpu.memref_slice %arg2[%dma_start3A_52, %dma_start3A_53] : memref<10112x128xf32, #tpu.memory_space<hbm>> -> memref<10112x128xf32, #tpu.memory_space<hbm>>
      tpu.enqueue_indirect_dma source(%dma_start3A_54 : memref<10112x128xf32, #tpu.memory_space<hbm>>) target(%arg10 : memref<192x128xf32, #tpu.memory_space<vmem>>) offsets(%arg6 : memref<192xi32, #tpu.memory_space<vmem>>) semaphore(%arg16 : memref<!tpu.dma_semaphore, #tpu.memory_space<semaphore_mem>>)
      %dma_wait3A_55 = tpu.memref_slice %arg3[%multiple_of3A_46] : memref<331776xi32, #tpu.memory_space<hbm>> -> memref<192xi32, #tpu.memory_space<hbm>>
      %dma_wait3A_56 = tpu.memref_slice %arg3[%multiple_of3A_46] : memref<331776xi32, #tpu.memory_space<hbm>> -> memref<192xi32, #tpu.memory_space<hbm>>
      tpu.wait_dma2 semaphore(%arg13 : memref<!tpu.dma_semaphore, #tpu.memory_space<semaphore_mem>>) src(%dma_wait3A_56 : memref<192xi32, #tpu.memory_space<hbm>>) dst(%arg7 : memref<192xi32, #tpu.memory_space<vmem>>)
      %dma_start3A_57 = arith.constant 0 : i32
      %dma_start3A_58 = arith.constant 0 : i32
      %dma_start3A_59 = tpu.memref_slice %arg2[%dma_start3A_57, %dma_start3A_58] : memref<10112x128xf32, #tpu.memory_space<hbm>> -> memref<10112x128xf32, #tpu.memory_space<hbm>>
      tpu.enqueue_indirect_dma source(%dma_start3A_59 : memref<10112x128xf32, #tpu.memory_space<hbm>>) target(%arg11 : memref<192x128xf32, #tpu.memory_space<vmem>>) offsets(%arg7 : memref<192xi32, #tpu.memory_space<vmem>>) semaphore(%arg17 : memref<!tpu.dma_semaphore, #tpu.memory_space<semaphore_mem>>)
      %dma_wait3A_60 = arith.constant 0 : i32
      %dma_wait3A_61 = arith.constant 0 : i32
      %dma_wait3A_62 = tpu.memref_slice %arg2[%dma_wait3A_60, %dma_wait3A_61] : memref<10112x128xf32, #tpu.memory_space<hbm>> -> memref<10112x128xf32, #tpu.memory_space<hbm>>
      tpu.wait_indirect_dma semaphore(%arg16 : memref<!tpu.dma_semaphore, #tpu.memory_space<semaphore_mem>>) src(%dma_wait3A_62 : memref<10112x128xf32, #tpu.memory_space<hbm>>) dst(%arg10 : memref<192x128xf32, #tpu.memory_space<vmem>>)
      %dma_wait3A_63 = tpu.memref_slice %arg4[%multiple_of3A] : memref<331776xi32, #tpu.memory_space<hbm>> -> memref<192xi32, #tpu.memory_space<hbm>>
      %dma_wait3A_64 = tpu.memref_slice %arg4[%multiple_of3A] : memref<331776xi32, #tpu.memory_space<hbm>> -> memref<192xi32, #tpu.memory_space<hbm>>
      tpu.wait_dma2 semaphore(%arg14 : memref<!tpu.dma_semaphore, #tpu.memory_space<semaphore_mem>>) src(%dma_wait3A_64 : memref<192xi32, #tpu.memory_space<hbm>>) dst(%arg8 : memref<192xi32, #tpu.memory_space<vmem>>)
      "tpu.region"() ({
        %run_scoped3A = tpu.sem_alloc : memref<!tpu.dma_semaphore, #tpu.memory_space<semaphore_mem>>
        %dma_start3A_70 = arith.constant 0 : i32
        %dma_start3A_71 = arith.constant 0 : i32
        %dma_start3A_72 = tpu.memref_slice %arg18[%dma_start3A_70, %dma_start3A_71] : memref<10112x128xf32, #tpu.memory_space<vmem_shared>> -> memref<10112x128xf32, #tpu.memory_space<vmem_shared>>
        tpu.enqueue_indirect_dma source(%arg10 : memref<192x128xf32, #tpu.memory_space<vmem>>) target(%dma_start3A_72 : memref<10112x128xf32, #tpu.memory_space<vmem_shared>>) offsets(%arg8 : memref<192xi32, #tpu.memory_space<vmem>>) semaphore(%run_scoped3A : memref<!tpu.dma_semaphore, #tpu.memory_space<semaphore_mem>>) {add = true}
        %dma_wait3A_73 = arith.constant 0 : i32
        %dma_wait3A_74 = arith.constant 0 : i32
        %dma_wait3A_75 = tpu.memref_slice %arg18[%dma_wait3A_73, %dma_wait3A_74] : memref<10112x128xf32, #tpu.memory_space<vmem_shared>> -> memref<10112x128xf32, #tpu.memory_space<vmem_shared>>
        tpu.wait_indirect_dma semaphore(%run_scoped3A : memref<!tpu.dma_semaphore, #tpu.memory_space<semaphore_mem>>) src(%arg10 : memref<192x128xf32, #tpu.memory_space<vmem>>) dst(%dma_wait3A_75 : memref<10112x128xf32, #tpu.memory_space<vmem_shared>>)
        tpu.yield
      }) : () -> ()
      %dma_wait3A_65 = arith.constant 0 : i32
      %dma_wait3A_66 = arith.constant 0 : i32
      %dma_wait3A_67 = tpu.memref_slice %arg2[%dma_wait3A_65, %dma_wait3A_66] : memref<10112x128xf32, #tpu.memory_space<hbm>> -> memref<10112x128xf32, #tpu.memory_space<hbm>>
      tpu.wait_indirect_dma semaphore(%arg17 : memref<!tpu.dma_semaphore, #tpu.memory_space<semaphore_mem>>) src(%dma_wait3A_67 : memref<10112x128xf32, #tpu.memory_space<hbm>>) dst(%arg11 : memref<192x128xf32, #tpu.memory_space<vmem>>)
      %dma_wait3A_68 = tpu.memref_slice %arg4[%multiple_of3A_46] : memref<331776xi32, #tpu.memory_space<hbm>> -> memref<192xi32, #tpu.memory_space<hbm>>
      %dma_wait3A_69 = tpu.memref_slice %arg4[%multiple_of3A_46] : memref<331776xi32, #tpu.memory_space<hbm>> -> memref<192xi32, #tpu.memory_space<hbm>>
      tpu.wait_dma2 semaphore(%arg15 : memref<!tpu.dma_semaphore, #tpu.memory_space<semaphore_mem>>) src(%dma_wait3A_69 : memref<192xi32, #tpu.memory_space<hbm>>) dst(%arg9 : memref<192xi32, #tpu.memory_space<vmem>>)
      "tpu.region"() ({
        %run_scoped3A = tpu.sem_alloc : memref<!tpu.dma_semaphore, #tpu.memory_space<semaphore_mem>>
        %dma_start3A_70 = arith.constant 0 : i32
        %dma_start3A_71 = arith.constant 0 : i32
        %dma_start3A_72 = tpu.memref_slice %arg18[%dma_start3A_70, %dma_start3A_71] : memref<10112x128xf32, #tpu.memory_space<vmem_shared>> -> memref<10112x128xf32, #tpu.memory_space<vmem_shared>>
        tpu.enqueue_indirect_dma source(%arg11 : memref<192x128xf32, #tpu.memory_space<vmem>>) target(%dma_start3A_72 : memref<10112x128xf32, #tpu.memory_space<vmem_shared>>) offsets(%arg9 : memref<192xi32, #tpu.memory_space<vmem>>) semaphore(%run_scoped3A : memref<!tpu.dma_semaphore, #tpu.memory_space<semaphore_mem>>) {add = true}
        %dma_wait3A_73 = arith.constant 0 : i32
        %dma_wait3A_74 = arith.constant 0 : i32
        %dma_wait3A_75 = tpu.memref_slice %arg18[%dma_wait3A_73, %dma_wait3A_74] : memref<10112x128xf32, #tpu.memory_space<vmem_shared>> -> memref<10112x128xf32, #tpu.memory_space<vmem_shared>>
        tpu.wait_indirect_dma semaphore(%run_scoped3A : memref<!tpu.dma_semaphore, #tpu.memory_space<semaphore_mem>>) src(%arg11 : memref<192x128xf32, #tpu.memory_space<vmem>>) dst(%dma_wait3A_75 : memref<10112x128xf32, #tpu.memory_space<vmem_shared>>)
        tpu.yield
      }) : () -> ()
    }
    %scan3A_20 = arith.constant 27 : i32
    %barrier3A_21 = arith.constant 0 : index
    tpu.barrier barrier_id(%barrier3A_21)
    %mul3A_22 = arith.constant 632 : i32
    %mul3A_23 = arith.muli %arg1, %mul3A_22 : i32
    "tpu.region"() ({
      %run_scoped3A = tpu.sem_alloc : memref<!tpu.dma_semaphore, #tpu.memory_space<semaphore_mem>>
      %dma_start3A = arith.constant 0 : i32
      %dma_start3A_24 = tpu.memref_slice %arg5[%arg0, %mul3A_23, %dma_start3A] : memref<2x10112x128xf32, #tpu.memory_space<hbm>> -> memref<1x632x128xf32, #tpu.memory_space<hbm>>
      %dma_start3A_25 = tpu.memref_squeeze %dma_start3A_24 : memref<1x632x128xf32, #tpu.memory_space<hbm>> -> memref<632x128xf32, #tpu.memory_space<hbm>>
      %dma_start3A_26 = arith.constant 0 : i32
      %dma_start3A_27 = tpu.memref_slice %arg18[%mul3A_23, %dma_start3A_26] : memref<10112x128xf32, #tpu.memory_space<vmem_shared>> -> memref<632x128xf32, #tpu.memory_space<vmem_shared>>
      tpu.enqueue_dma source(%dma_start3A_27 : memref<632x128xf32, #tpu.memory_space<vmem_shared>>) target(%dma_start3A_25 : memref<632x128xf32, #tpu.memory_space<hbm>>) target_semaphore(%run_scoped3A : memref<!tpu.dma_semaphore, #tpu.memory_space<semaphore_mem>>)
      %dma_wait3A = arith.constant 0 : i32
      %dma_wait3A_28 = tpu.memref_slice %arg5[%arg0, %mul3A_23, %dma_wait3A] : memref<2x10112x128xf32, #tpu.memory_space<hbm>> -> memref<1x632x128xf32, #tpu.memory_space<hbm>>
      %dma_wait3A_29 = tpu.memref_squeeze %dma_wait3A_28 : memref<1x632x128xf32, #tpu.memory_space<hbm>> -> memref<632x128xf32, #tpu.memory_space<hbm>>
      %dma_wait3A_30 = arith.constant 0 : i32
      %dma_wait3A_31 = tpu.memref_slice %arg18[%mul3A_23, %dma_wait3A_30] : memref<10112x128xf32, #tpu.memory_space<vmem_shared>> -> memref<632x128xf32, #tpu.memory_space<vmem_shared>>
      tpu.wait_dma2 semaphore(%run_scoped3A : memref<!tpu.dma_semaphore, #tpu.memory_space<semaphore_mem>>) src(%dma_wait3A_31 : memref<632x128xf32, #tpu.memory_space<vmem_shared>>) dst(%dma_wait3A_29 : memref<632x128xf32, #tpu.memory_space<hbm>>)
      tpu.yield
    }) : () -> ()
    return
  }
}

#map = affine_map<(d0, d1) -> (0, 0)>
#map1 = affine_map<(d0, d1) -> (0)>
#map2 = affine_map<(d0, d1) -> (0, 0, 0)>
module attributes {stable_mosaic.version = 14 : i64} {
  func.func @_sc_agg_body(%arg0: i32, %arg1: i32, %arg2: memref<10112x128xf32, #tpu.memory_space<hbm>>, %arg3: memref<331776xi32, #tpu.memory_space<hbm>>, %arg4: memref<331776xi32, #tpu.memory_space<hbm>>, %arg5: memref<2x10112x128xf32, #tpu.memory_space<hbm>>, %arg6: memref<192xi32, #tpu.memory_space<vmem>>, %arg7: memref<192xi32, #tpu.memory_space<vmem>>, %arg8: memref<192xi32, #tpu.memory_space<vmem>>, %arg9: memref<192xi32, #tpu.memory_space<vmem>>, %arg10: memref<192x128xf32, #tpu.memory_space<vmem>>, %arg11: memref<192x128xf32, #tpu.memory_space<vmem>>, %arg12: memref<!tpu.dma_semaphore, #tpu.memory_space<semaphore_mem>>, %arg13: memref<!tpu.dma_semaphore, #tpu.memory_space<semaphore_mem>>, %arg14: memref<!tpu.dma_semaphore, #tpu.memory_space<semaphore_mem>>, %arg15: memref<!tpu.dma_semaphore, #tpu.memory_space<semaphore_mem>>, %arg16: memref<!tpu.dma_semaphore, #tpu.memory_space<semaphore_mem>>, %arg17: memref<!tpu.dma_semaphore, #tpu.memory_space<semaphore_mem>>, %arg18: memref<10112x128xf32, #tpu.memory_space<vmem_shared>>) attributes {dimension_semantics = [#tpu.dimension_semantics<core_parallel>, #tpu.dimension_semantics<subcore_parallel>], iteration_bounds = array<i64: 2, 16>, scalar_prefetch = 0 : i64, scratch_operands = 13 : i64, tpu.core_type = #tpu.core_type<sc_vector_subcore>, window_params = [{transform_indices = #map}, {transform_indices = #map1}, {transform_indices = #map1}, {transform_indices = #map2}]} {
    %mul3A = arith.constant 16 : i32
    %mul3A_0 = arith.muli %arg0, %mul3A : i32
    %add3A = arith.addi %mul3A_0, %arg1 : i32
    %broadcast_in_dim3A = arith.constant 0.000000e+00 : f32
    %broadcast_in_dim3A_1 = vector.broadcast %broadcast_in_dim3A : f32 to vector<16xf32>
    %scan3A = arith.constant 0 : i32
    %scan3A_2 = arith.constant 192 : i32
    %scan3A_3 = arith.addi %scan3A, %scan3A_2 : i32
    %scan3A_4 = arith.constant 1 : i32
    scf.for %scan3A_24 = %scan3A to %scan3A_3 step %scan3A_4  : i32 {
      %mul3A_25 = arith.constant 1 : i32
      %mul3A_26 = arith.muli %scan3A_24, %mul3A_25 : i32
      %add3A_27 = arith.constant 0 : i32
      %add3A_28 = arith.addi %add3A_27, %mul3A_26 : i32
      %swap3A = arith.index_cast %add3A_28 : i32 to index
      %swap3A_29 = arith.constant 0 : index
      %swap3A_30 = tpu.vector_load %arg10[%swap3A, %swap3A_29] {strides = array<i32>} : memref<192x128xf32, #tpu.memory_space<vmem>>, vector<1x16xf32>,
      %swap3A_31 = vector.shape_cast %swap3A_30 : vector<1x16xf32> to vector<16xf32>
      %swap3A_32 = vector.shape_cast %broadcast_in_dim3A_1 : vector<16xf32> to vector<1x16xf32>
      tpu.vector_store %arg10[%swap3A, %swap3A_29], %swap3A_32 {strides = array<i32>} : memref<192x128xf32, #tpu.memory_space<vmem>>, vector<1x16xf32>,
      %swap3A_33 = arith.index_cast %add3A_28 : i32 to index
      %swap3A_34 = arith.constant 16 : index
      %swap3A_35 = tpu.vector_load %arg10[%swap3A_33, %swap3A_34] {strides = array<i32>} : memref<192x128xf32, #tpu.memory_space<vmem>>, vector<1x16xf32>,
      %swap3A_36 = vector.shape_cast %swap3A_35 : vector<1x16xf32> to vector<16xf32>
      %swap3A_37 = vector.shape_cast %broadcast_in_dim3A_1 : vector<16xf32> to vector<1x16xf32>
      tpu.vector_store %arg10[%swap3A_33, %swap3A_34], %swap3A_37 {strides = array<i32>} : memref<192x128xf32, #tpu.memory_space<vmem>>, vector<1x16xf32>,
      %swap3A_38 = arith.index_cast %add3A_28 : i32 to index
      %swap3A_39 = arith.constant 32 : index
      %swap3A_40 = tpu.vector_load %arg10[%swap3A_38, %swap3A_39] {strides = array<i32>} : memref<192x128xf32, #tpu.memory_space<vmem>>, vector<1x16xf32>,
      %swap3A_41 = vector.shape_cast %swap3A_40 : vector<1x16xf32> to vector<16xf32>
      %swap3A_42 = vector.shape_cast %broadcast_in_dim3A_1 : vector<16xf32> to vector<1x16xf32>
      tpu.vector_store %arg10[%swap3A_38, %swap3A_39], %swap3A_42 {strides = array<i32>} : memref<192x128xf32, #tpu.memory_space<vmem>>, vector<1x16xf32>,
      %swap3A_43 = arith.index_cast %add3A_28 : i32 to index
      %swap3A_44 = arith.constant 48 : index
      %swap3A_45 = tpu.vector_load %arg10[%swap3A_43, %swap3A_44] {strides = array<i32>} : memref<192x128xf32, #tpu.memory_space<vmem>>, vector<1x16xf32>,
      %swap3A_46 = vector.shape_cast %swap3A_45 : vector<1x16xf32> to vector<16xf32>
      %swap3A_47 = vector.shape_cast %broadcast_in_dim3A_1 : vector<16xf32> to vector<1x16xf32>
      tpu.vector_store %arg10[%swap3A_43, %swap3A_44], %swap3A_47 {strides = array<i32>} : memref<192x128xf32, #tpu.memory_space<vmem>>, vector<1x16xf32>,
      %swap3A_48 = arith.index_cast %add3A_28 : i32 to index
      %swap3A_49 = arith.constant 64 : index
      %swap3A_50 = tpu.vector_load %arg10[%swap3A_48, %swap3A_49] {strides = array<i32>} : memref<192x128xf32, #tpu.memory_space<vmem>>, vector<1x16xf32>,
      %swap3A_51 = vector.shape_cast %swap3A_50 : vector<1x16xf32> to vector<16xf32>
      %swap3A_52 = vector.shape_cast %broadcast_in_dim3A_1 : vector<16xf32> to vector<1x16xf32>
      tpu.vector_store %arg10[%swap3A_48, %swap3A_49], %swap3A_52 {strides = array<i32>} : memref<192x128xf32, #tpu.memory_space<vmem>>, vector<1x16xf32>,
      %swap3A_53 = arith.index_cast %add3A_28 : i32 to index
      %swap3A_54 = arith.constant 80 : index
      %swap3A_55 = tpu.vector_load %arg10[%swap3A_53, %swap3A_54] {strides = array<i32>} : memref<192x128xf32, #tpu.memory_space<vmem>>, vector<1x16xf32>,
      %swap3A_56 = vector.shape_cast %swap3A_55 : vector<1x16xf32> to vector<16xf32>
      %swap3A_57 = vector.shape_cast %broadcast_in_dim3A_1 : vector<16xf32> to vector<1x16xf32>
      tpu.vector_store %arg10[%swap3A_53, %swap3A_54], %swap3A_57 {strides = array<i32>} : memref<192x128xf32, #tpu.memory_space<vmem>>, vector<1x16xf32>,
      %swap3A_58 = arith.index_cast %add3A_28 : i32 to index
      %swap3A_59 = arith.constant 96 : index
      %swap3A_60 = tpu.vector_load %arg10[%swap3A_58, %swap3A_59] {strides = array<i32>} : memref<192x128xf32, #tpu.memory_space<vmem>>, vector<1x16xf32>,
      %swap3A_61 = vector.shape_cast %swap3A_60 : vector<1x16xf32> to vector<16xf32>
      %swap3A_62 = vector.shape_cast %broadcast_in_dim3A_1 : vector<16xf32> to vector<1x16xf32>
      tpu.vector_store %arg10[%swap3A_58, %swap3A_59], %swap3A_62 {strides = array<i32>} : memref<192x128xf32, #tpu.memory_space<vmem>>, vector<1x16xf32>,
      %swap3A_63 = arith.index_cast %add3A_28 : i32 to index
      %swap3A_64 = arith.constant 112 : index
      %swap3A_65 = tpu.vector_load %arg10[%swap3A_63, %swap3A_64] {strides = array<i32>} : memref<192x128xf32, #tpu.memory_space<vmem>>, vector<1x16xf32>,
      %swap3A_66 = vector.shape_cast %swap3A_65 : vector<1x16xf32> to vector<16xf32>
      %swap3A_67 = vector.shape_cast %broadcast_in_dim3A_1 : vector<16xf32> to vector<1x16xf32>
      tpu.vector_store %arg10[%swap3A_63, %swap3A_64], %swap3A_67 {strides = array<i32>} : memref<192x128xf32, #tpu.memory_space<vmem>>, vector<1x16xf32>,
    }
    %scan3A_5 = arith.constant 192 : i32
    %mul3A_6 = arith.constant 632 : i32
    %mul3A_7 = arith.muli %arg1, %mul3A_6 : i32
    "tpu.region"() ({
      %run_scoped3A = tpu.sem_alloc : memref<!tpu.dma_semaphore, #tpu.memory_space<semaphore_mem>>
      %dma_start3A = arith.constant 0 : i32
      %dma_start3A_24 = arith.constant 0 : i32
      %dma_start3A_25 = tpu.memref_slice %arg10[%dma_start3A, %dma_start3A_24] : memref<192x128xf32, #tpu.memory_space<vmem>> -> memref<192x128xf32, #tpu.memory_space<vmem>>
      %dma_start3A_26 = arith.constant 0 : i32
      %dma_start3A_27 = tpu.memref_slice %arg18[%mul3A_7, %dma_start3A_26] : memref<10112x128xf32, #tpu.memory_space<vmem_shared>> -> memref<192x128xf32, #tpu.memory_space<vmem_shared>>
      %dma_start3A_28 = arith.constant 0 : i32
      %dma_start3A_29 = tpu.memref_slice %arg18[%mul3A_7, %dma_start3A_28] : memref<10112x128xf32, #tpu.memory_space<vmem_shared>> -> memref<192x128xf32, #tpu.memory_space<vmem_shared>>
      %dma_start3A_30 = arith.constant 0 : i32
      %dma_start3A_31 = arith.constant 0 : i32
      %dma_start3A_32 = tpu.memref_slice %arg10[%dma_start3A_30, %dma_start3A_31] : memref<192x128xf32, #tpu.memory_space<vmem>> -> memref<192x128xf32, #tpu.memory_space<vmem>>
      tpu.enqueue_dma source(%dma_start3A_32 : memref<192x128xf32, #tpu.memory_space<vmem>>) target(%dma_start3A_29 : memref<192x128xf32, #tpu.memory_space<vmem_shared>>) target_semaphore(%run_scoped3A : memref<!tpu.dma_semaphore, #tpu.memory_space<semaphore_mem>>)
      %dma_wait3A = arith.constant 0 : i32
      %dma_wait3A_33 = arith.constant 0 : i32
      %dma_wait3A_34 = tpu.memref_slice %arg10[%dma_wait3A, %dma_wait3A_33] : memref<192x128xf32, #tpu.memory_space<vmem>> -> memref<192x128xf32, #tpu.memory_space<vmem>>
      %dma_wait3A_35 = arith.constant 0 : i32
      %dma_wait3A_36 = tpu.memref_slice %arg18[%mul3A_7, %dma_wait3A_35] : memref<10112x128xf32, #tpu.memory_space<vmem_shared>> -> memref<192x128xf32, #tpu.memory_space<vmem_shared>>
      %dma_wait3A_37 = arith.constant 0 : i32
      %dma_wait3A_38 = tpu.memref_slice %arg18[%mul3A_7, %dma_wait3A_37] : memref<10112x128xf32, #tpu.memory_space<vmem_shared>> -> memref<192x128xf32, #tpu.memory_space<vmem_shared>>
      %dma_wait3A_39 = arith.constant 0 : i32
      %dma_wait3A_40 = arith.constant 0 : i32
      %dma_wait3A_41 = tpu.memref_slice %arg10[%dma_wait3A_39, %dma_wait3A_40] : memref<192x128xf32, #tpu.memory_space<vmem>> -> memref<192x128xf32, #tpu.memory_space<vmem>>
      tpu.wait_dma2 semaphore(%run_scoped3A : memref<!tpu.dma_semaphore, #tpu.memory_space<semaphore_mem>>) src(%dma_wait3A_41 : memref<192x128xf32, #tpu.memory_space<vmem>>) dst(%dma_wait3A_38 : memref<192x128xf32, #tpu.memory_space<vmem_shared>>)
      tpu.yield
    }) : () -> ()
    %add3A_8 = arith.constant 192 : i32
    %add3A_9 = arith.addi %mul3A_7, %add3A_8 : i32
    "tpu.region"() ({
      %run_scoped3A = tpu.sem_alloc : memref<!tpu.dma_semaphore, #tpu.memory_space<semaphore_mem>>
      %dma_start3A = arith.constant 0 : i32
      %dma_start3A_24 = arith.constant 0 : i32
      %dma_start3A_25 = tpu.memref_slice %arg10[%dma_start3A, %dma_start3A_24] : memref<192x128xf32, #tpu.memory_space<vmem>> -> memref<192x128xf32, #tpu.memory_space<vmem>>
      %dma_start3A_26 = arith.constant 0 : i32
      %dma_start3A_27 = tpu.memref_slice %arg18[%add3A_9, %dma_start3A_26] : memref<10112x128xf32, #tpu.memory_space<vmem_shared>> -> memref<192x128xf32, #tpu.memory_space<vmem_shared>>
      %dma_start3A_28 = arith.constant 0 : i32
      %dma_start3A_29 = tpu.memref_slice %arg18[%add3A_9, %dma_start3A_28] : memref<10112x128xf32, #tpu.memory_space<vmem_shared>> -> memref<192x128xf32, #tpu.memory_space<vmem_shared>>
      %dma_start3A_30 = arith.constant 0 : i32
      %dma_start3A_31 = arith.constant 0 : i32
      %dma_start3A_32 = tpu.memref_slice %arg10[%dma_start3A_30, %dma_start3A_31] : memref<192x128xf32, #tpu.memory_space<vmem>> -> memref<192x128xf32, #tpu.memory_space<vmem>>
      tpu.enqueue_dma source(%dma_start3A_32 : memref<192x128xf32, #tpu.memory_space<vmem>>) target(%dma_start3A_29 : memref<192x128xf32, #tpu.memory_space<vmem_shared>>) target_semaphore(%run_scoped3A : memref<!tpu.dma_semaphore, #tpu.memory_space<semaphore_mem>>)
      %dma_wait3A = arith.constant 0 : i32
      %dma_wait3A_33 = arith.constant 0 : i32
      %dma_wait3A_34 = tpu.memref_slice %arg10[%dma_wait3A, %dma_wait3A_33] : memref<192x128xf32, #tpu.memory_space<vmem>> -> memref<192x128xf32, #tpu.memory_space<vmem>>
      %dma_wait3A_35 = arith.constant 0 : i32
      %dma_wait3A_36 = tpu.memref_slice %arg18[%add3A_9, %dma_wait3A_35] : memref<10112x128xf32, #tpu.memory_space<vmem_shared>> -> memref<192x128xf32, #tpu.memory_space<vmem_shared>>
      %dma_wait3A_37 = arith.constant 0 : i32
      %dma_wait3A_38 = tpu.memref_slice %arg18[%add3A_9, %dma_wait3A_37] : memref<10112x128xf32, #tpu.memory_space<vmem_shared>> -> memref<192x128xf32, #tpu.memory_space<vmem_shared>>
      %dma_wait3A_39 = arith.constant 0 : i32
      %dma_wait3A_40 = arith.constant 0 : i32
      %dma_wait3A_41 = tpu.memref_slice %arg10[%dma_wait3A_39, %dma_wait3A_40] : memref<192x128xf32, #tpu.memory_space<vmem>> -> memref<192x128xf32, #tpu.memory_space<vmem>>
      tpu.wait_dma2 semaphore(%run_scoped3A : memref<!tpu.dma_semaphore, #tpu.memory_space<semaphore_mem>>) src(%dma_wait3A_41 : memref<192x128xf32, #tpu.memory_space<vmem>>) dst(%dma_wait3A_38 : memref<192x128xf32, #tpu.memory_space<vmem_shared>>)
      tpu.yield
    }) : () -> ()
    %add3A_10 = arith.constant 192 : i32
    %add3A_11 = arith.addi %add3A_9, %add3A_10 : i32
    "tpu.region"() ({
      %run_scoped3A = tpu.sem_alloc : memref<!tpu.dma_semaphore, #tpu.memory_space<semaphore_mem>>
      %dma_start3A = arith.constant 0 : i32
      %dma_start3A_24 = arith.constant 0 : i32
      %dma_start3A_25 = tpu.memref_slice %arg10[%dma_start3A, %dma_start3A_24] : memref<192x128xf32, #tpu.memory_space<vmem>> -> memref<192x128xf32, #tpu.memory_space<vmem>>
      %dma_start3A_26 = arith.constant 0 : i32
      %dma_start3A_27 = tpu.memref_slice %arg18[%add3A_11, %dma_start3A_26] : memref<10112x128xf32, #tpu.memory_space<vmem_shared>> -> memref<192x128xf32, #tpu.memory_space<vmem_shared>>
      %dma_start3A_28 = arith.constant 0 : i32
      %dma_start3A_29 = tpu.memref_slice %arg18[%add3A_11, %dma_start3A_28] : memref<10112x128xf32, #tpu.memory_space<vmem_shared>> -> memref<192x128xf32, #tpu.memory_space<vmem_shared>>
      %dma_start3A_30 = arith.constant 0 : i32
      %dma_start3A_31 = arith.constant 0 : i32
      %dma_start3A_32 = tpu.memref_slice %arg10[%dma_start3A_30, %dma_start3A_31] : memref<192x128xf32, #tpu.memory_space<vmem>> -> memref<192x128xf32, #tpu.memory_space<vmem>>
      tpu.enqueue_dma source(%dma_start3A_32 : memref<192x128xf32, #tpu.memory_space<vmem>>) target(%dma_start3A_29 : memref<192x128xf32, #tpu.memory_space<vmem_shared>>) target_semaphore(%run_scoped3A : memref<!tpu.dma_semaphore, #tpu.memory_space<semaphore_mem>>)
      %dma_wait3A = arith.constant 0 : i32
      %dma_wait3A_33 = arith.constant 0 : i32
      %dma_wait3A_34 = tpu.memref_slice %arg10[%dma_wait3A, %dma_wait3A_33] : memref<192x128xf32, #tpu.memory_space<vmem>> -> memref<192x128xf32, #tpu.memory_space<vmem>>
      %dma_wait3A_35 = arith.constant 0 : i32
      %dma_wait3A_36 = tpu.memref_slice %arg18[%add3A_11, %dma_wait3A_35] : memref<10112x128xf32, #tpu.memory_space<vmem_shared>> -> memref<192x128xf32, #tpu.memory_space<vmem_shared>>
      %dma_wait3A_37 = arith.constant 0 : i32
      %dma_wait3A_38 = tpu.memref_slice %arg18[%add3A_11, %dma_wait3A_37] : memref<10112x128xf32, #tpu.memory_space<vmem_shared>> -> memref<192x128xf32, #tpu.memory_space<vmem_shared>>
      %dma_wait3A_39 = arith.constant 0 : i32
      %dma_wait3A_40 = arith.constant 0 : i32
      %dma_wait3A_41 = tpu.memref_slice %arg10[%dma_wait3A_39, %dma_wait3A_40] : memref<192x128xf32, #tpu.memory_space<vmem>> -> memref<192x128xf32, #tpu.memory_space<vmem>>
      tpu.wait_dma2 semaphore(%run_scoped3A : memref<!tpu.dma_semaphore, #tpu.memory_space<semaphore_mem>>) src(%dma_wait3A_41 : memref<192x128xf32, #tpu.memory_space<vmem>>) dst(%dma_wait3A_38 : memref<192x128xf32, #tpu.memory_space<vmem_shared>>)
      tpu.yield
    }) : () -> ()
    %add3A_12 = arith.constant 192 : i32
    %add3A_13 = arith.addi %add3A_11, %add3A_12 : i32
    "tpu.region"() ({
      %run_scoped3A = tpu.sem_alloc : memref<!tpu.dma_semaphore, #tpu.memory_space<semaphore_mem>>
      %dma_start3A = arith.constant 0 : i32
      %dma_start3A_24 = arith.constant 0 : i32
      %dma_start3A_25 = tpu.memref_slice %arg10[%dma_start3A, %dma_start3A_24] : memref<192x128xf32, #tpu.memory_space<vmem>> -> memref<56x128xf32, #tpu.memory_space<vmem>>
      %dma_start3A_26 = arith.constant 0 : i32
      %dma_start3A_27 = tpu.memref_slice %arg18[%add3A_13, %dma_start3A_26] : memref<10112x128xf32, #tpu.memory_space<vmem_shared>> -> memref<56x128xf32, #tpu.memory_space<vmem_shared>>
      %dma_start3A_28 = arith.constant 0 : i32
      %dma_start3A_29 = tpu.memref_slice %arg18[%add3A_13, %dma_start3A_28] : memref<10112x128xf32, #tpu.memory_space<vmem_shared>> -> memref<56x128xf32, #tpu.memory_space<vmem_shared>>
      %dma_start3A_30 = arith.constant 0 : i32
      %dma_start3A_31 = arith.constant 0 : i32
      %dma_start3A_32 = tpu.memref_slice %arg10[%dma_start3A_30, %dma_start3A_31] : memref<192x128xf32, #tpu.memory_space<vmem>> -> memref<56x128xf32, #tpu.memory_space<vmem>>
      tpu.enqueue_dma source(%dma_start3A_32 : memref<56x128xf32, #tpu.memory_space<vmem>>) target(%dma_start3A_29 : memref<56x128xf32, #tpu.memory_space<vmem_shared>>) target_semaphore(%run_scoped3A : memref<!tpu.dma_semaphore, #tpu.memory_space<semaphore_mem>>)
      %dma_wait3A = arith.constant 0 : i32
      %dma_wait3A_33 = arith.constant 0 : i32
      %dma_wait3A_34 = tpu.memref_slice %arg10[%dma_wait3A, %dma_wait3A_33] : memref<192x128xf32, #tpu.memory_space<vmem>> -> memref<56x128xf32, #tpu.memory_space<vmem>>
      %dma_wait3A_35 = arith.constant 0 : i32
      %dma_wait3A_36 = tpu.memref_slice %arg18[%add3A_13, %dma_wait3A_35] : memref<10112x128xf32, #tpu.memory_space<vmem_shared>> -> memref<56x128xf32, #tpu.memory_space<vmem_shared>>
      %dma_wait3A_37 = arith.constant 0 : i32
      %dma_wait3A_38 = tpu.memref_slice %arg18[%add3A_13, %dma_wait3A_37] : memref<10112x128xf32, #tpu.memory_space<vmem_shared>> -> memref<56x128xf32, #tpu.memory_space<vmem_shared>>
      %dma_wait3A_39 = arith.constant 0 : i32
      %dma_wait3A_40 = arith.constant 0 : i32
      %dma_wait3A_41 = tpu.memref_slice %arg10[%dma_wait3A_39, %dma_wait3A_40] : memref<192x128xf32, #tpu.memory_space<vmem>> -> memref<56x128xf32, #tpu.memory_space<vmem>>
      tpu.wait_dma2 semaphore(%run_scoped3A : memref<!tpu.dma_semaphore, #tpu.memory_space<semaphore_mem>>) src(%dma_wait3A_41 : memref<56x128xf32, #tpu.memory_space<vmem>>) dst(%dma_wait3A_38 : memref<56x128xf32, #tpu.memory_space<vmem_shared>>)
      tpu.yield
    }) : () -> ()
    %add3A_14 = arith.constant 56 : i32
    %add3A_15 = arith.addi %add3A_13, %add3A_14 : i32
    %barrier3A = arith.constant 0 : index
    tpu.barrier barrier_id(%barrier3A)
    %scan3A_16 = arith.constant 0 : i32
    %scan3A_17 = arith.constant 27 : i32
    %scan3A_18 = arith.addi %scan3A_16, %scan3A_17 : i32
    %scan3A_19 = arith.constant 1 : i32
    scf.for %scan3A_24 = %scan3A_16 to %scan3A_18 step %scan3A_19  : i32 {
      %mul3A_25 = arith.constant 2 : i32
      %mul3A_26 = arith.muli %scan3A_24, %mul3A_25 : i32
      %add3A_27 = arith.constant 0 : i32
      %add3A_28 = arith.addi %add3A_27, %mul3A_26 : i32
      %mul3A_29 = arith.constant 10368 : i32
      %mul3A_30 = arith.muli %add3A, %mul3A_29 : i32
      %add3A_31 = arith.constant 0 : i32
      %add3A_32 = arith.addi %add3A_28, %add3A_31 : i32
      %mul3A_33 = arith.constant 192 : i32
      %mul3A_34 = arith.muli %add3A_32, %mul3A_33 : i32
      %add3A_35 = arith.addi %mul3A_30, %mul3A_34 : i32
      %multiple_of3A = tpu.assume_multiple %add3A_35, 192 : i32
      %dma_start3A = tpu.memref_slice %arg3[%multiple_of3A] : memref<331776xi32, #tpu.memory_space<hbm>> -> memref<192xi32, #tpu.memory_space<hbm>>
      %dma_start3A_36 = tpu.memref_slice %arg3[%multiple_of3A] : memref<331776xi32, #tpu.memory_space<hbm>> -> memref<192xi32, #tpu.memory_space<hbm>>
      tpu.enqueue_dma source(%dma_start3A_36 : memref<192xi32, #tpu.memory_space<hbm>>) target(%arg6 : memref<192xi32, #tpu.memory_space<vmem>>) target_semaphore(%arg12 : memref<!tpu.dma_semaphore, #tpu.memory_space<semaphore_mem>>)
      %dma_start3A_37 = tpu.memref_slice %arg4[%multiple_of3A] : memref<331776xi32, #tpu.memory_space<hbm>> -> memref<192xi32, #tpu.memory_space<hbm>>
      %dma_start3A_38 = tpu.memref_slice %arg4[%multiple_of3A] : memref<331776xi32, #tpu.memory_space<hbm>> -> memref<192xi32, #tpu.memory_space<hbm>>
      tpu.enqueue_dma source(%dma_start3A_38 : memref<192xi32, #tpu.memory_space<hbm>>) target(%arg8 : memref<192xi32, #tpu.memory_space<vmem>>) target_semaphore(%arg14 : memref<!tpu.dma_semaphore, #tpu.memory_space<semaphore_mem>>)
      %mul3A_39 = arith.constant 10368 : i32
      %mul3A_40 = arith.muli %add3A, %mul3A_39 : i32
      %add3A_41 = arith.constant 1 : i32
      %add3A_42 = arith.addi %add3A_28, %add3A_41 : i32
      %mul3A_43 = arith.constant 192 : i32
      %mul3A_44 = arith.muli %add3A_42, %mul3A_43 : i32
      %add3A_45 = arith.addi %mul3A_40, %mul3A_44 : i32
      %multiple_of3A_46 = tpu.assume_multiple %add3A_45, 192 : i32
      %dma_start3A_47 = tpu.memref_slice %arg3[%multiple_of3A_46] : memref<331776xi32, #tpu.memory_space<hbm>> -> memref<192xi32, #tpu.memory_space<hbm>>
      %dma_start3A_48 = tpu.memref_slice %arg3[%multiple_of3A_46] : memref<331776xi32, #tpu.memory_space<hbm>> -> memref<192xi32, #tpu.memory_space<hbm>>
      tpu.enqueue_dma source(%dma_start3A_48 : memref<192xi32, #tpu.memory_space<hbm>>) target(%arg7 : memref<192xi32, #tpu.memory_space<vmem>>) target_semaphore(%arg13 : memref<!tpu.dma_semaphore, #tpu.memory_space<semaphore_mem>>)
      %dma_start3A_49 = tpu.memref_slice %arg4[%multiple_of3A_46] : memref<331776xi32, #tpu.memory_space<hbm>> -> memref<192xi32, #tpu.memory_space<hbm>>
      %dma_start3A_50 = tpu.memref_slice %arg4[%multiple_of3A_46] : memref<331776xi32, #tpu.memory_space<hbm>> -> memref<192xi32, #tpu.memory_space<hbm>>
      tpu.enqueue_dma source(%dma_start3A_50 : memref<192xi32, #tpu.memory_space<hbm>>) target(%arg9 : memref<192xi32, #tpu.memory_space<vmem>>) target_semaphore(%arg15 : memref<!tpu.dma_semaphore, #tpu.memory_space<semaphore_mem>>)
      %dma_wait3A = tpu.memref_slice %arg3[%multiple_of3A] : memref<331776xi32, #tpu.memory_space<hbm>> -> memref<192xi32, #tpu.memory_space<hbm>>
      %dma_wait3A_51 = tpu.memref_slice %arg3[%multiple_of3A] : memref<331776xi32, #tpu.memory_space<hbm>> -> memref<192xi32, #tpu.memory_space<hbm>>
      tpu.wait_dma2 semaphore(%arg12 : memref<!tpu.dma_semaphore, #tpu.memory_space<semaphore_mem>>) src(%dma_wait3A_51 : memref<192xi32, #tpu.memory_space<hbm>>) dst(%arg6 : memref<192xi32, #tpu.memory_space<vmem>>)
      %dma_start3A_52 = arith.constant 0 : i32
      %dma_start3A_53 = arith.constant 0 : i32
      %dma_start3A_54 = tpu.memref_slice %arg2[%dma_start3A_52, %dma_start3A_53] : memref<10112x128xf32, #tpu.memory_space<hbm>> -> memref<10112x128xf32, #tpu.memory_space<hbm>>
      tpu.enqueue_indirect_dma source(%dma_start3A_54 : memref<10112x128xf32, #tpu.memory_space<hbm>>) target(%arg10 : memref<192x128xf32, #tpu.memory_space<vmem>>) offsets(%arg6 : memref<192xi32, #tpu.memory_space<vmem>>) semaphore(%arg16 : memref<!tpu.dma_semaphore, #tpu.memory_space<semaphore_mem>>)
      %dma_wait3A_55 = tpu.memref_slice %arg3[%multiple_of3A_46] : memref<331776xi32, #tpu.memory_space<hbm>> -> memref<192xi32, #tpu.memory_space<hbm>>
      %dma_wait3A_56 = tpu.memref_slice %arg3[%multiple_of3A_46] : memref<331776xi32, #tpu.memory_space<hbm>> -> memref<192xi32, #tpu.memory_space<hbm>>
      tpu.wait_dma2 semaphore(%arg13 : memref<!tpu.dma_semaphore, #tpu.memory_space<semaphore_mem>>) src(%dma_wait3A_56 : memref<192xi32, #tpu.memory_space<hbm>>) dst(%arg7 : memref<192xi32, #tpu.memory_space<vmem>>)
      %dma_start3A_57 = arith.constant 0 : i32
      %dma_start3A_58 = arith.constant 0 : i32
      %dma_start3A_59 = tpu.memref_slice %arg2[%dma_start3A_57, %dma_start3A_58] : memref<10112x128xf32, #tpu.memory_space<hbm>> -> memref<10112x128xf32, #tpu.memory_space<hbm>>
      tpu.enqueue_indirect_dma source(%dma_start3A_59 : memref<10112x128xf32, #tpu.memory_space<hbm>>) target(%arg11 : memref<192x128xf32, #tpu.memory_space<vmem>>) offsets(%arg7 : memref<192xi32, #tpu.memory_space<vmem>>) semaphore(%arg17 : memref<!tpu.dma_semaphore, #tpu.memory_space<semaphore_mem>>)
      %dma_wait3A_60 = arith.constant 0 : i32
      %dma_wait3A_61 = arith.constant 0 : i32
      %dma_wait3A_62 = tpu.memref_slice %arg2[%dma_wait3A_60, %dma_wait3A_61] : memref<10112x128xf32, #tpu.memory_space<hbm>> -> memref<10112x128xf32, #tpu.memory_space<hbm>>
      tpu.wait_indirect_dma semaphore(%arg16 : memref<!tpu.dma_semaphore, #tpu.memory_space<semaphore_mem>>) src(%dma_wait3A_62 : memref<10112x128xf32, #tpu.memory_space<hbm>>) dst(%arg10 : memref<192x128xf32, #tpu.memory_space<vmem>>)
      %dma_wait3A_63 = tpu.memref_slice %arg4[%multiple_of3A] : memref<331776xi32, #tpu.memory_space<hbm>> -> memref<192xi32, #tpu.memory_space<hbm>>
      %dma_wait3A_64 = tpu.memref_slice %arg4[%multiple_of3A] : memref<331776xi32, #tpu.memory_space<hbm>> -> memref<192xi32, #tpu.memory_space<hbm>>
      tpu.wait_dma2 semaphore(%arg14 : memref<!tpu.dma_semaphore, #tpu.memory_space<semaphore_mem>>) src(%dma_wait3A_64 : memref<192xi32, #tpu.memory_space<hbm>>) dst(%arg8 : memref<192xi32, #tpu.memory_space<vmem>>)
      "tpu.region"() ({
        %run_scoped3A = tpu.sem_alloc : memref<!tpu.dma_semaphore, #tpu.memory_space<semaphore_mem>>
        %dma_start3A_70 = arith.constant 0 : i32
        %dma_start3A_71 = arith.constant 0 : i32
        %dma_start3A_72 = tpu.memref_slice %arg18[%dma_start3A_70, %dma_start3A_71] : memref<10112x128xf32, #tpu.memory_space<vmem_shared>> -> memref<10112x128xf32, #tpu.memory_space<vmem_shared>>
        tpu.enqueue_indirect_dma source(%arg10 : memref<192x128xf32, #tpu.memory_space<vmem>>) target(%dma_start3A_72 : memref<10112x128xf32, #tpu.memory_space<vmem_shared>>) offsets(%arg8 : memref<192xi32, #tpu.memory_space<vmem>>) semaphore(%run_scoped3A : memref<!tpu.dma_semaphore, #tpu.memory_space<semaphore_mem>>) {add = true}
        %dma_wait3A_73 = arith.constant 0 : i32
        %dma_wait3A_74 = arith.constant 0 : i32
        %dma_wait3A_75 = tpu.memref_slice %arg18[%dma_wait3A_73, %dma_wait3A_74] : memref<10112x128xf32, #tpu.memory_space<vmem_shared>> -> memref<10112x128xf32, #tpu.memory_space<vmem_shared>>
        tpu.wait_indirect_dma semaphore(%run_scoped3A : memref<!tpu.dma_semaphore, #tpu.memory_space<semaphore_mem>>) src(%arg10 : memref<192x128xf32, #tpu.memory_space<vmem>>) dst(%dma_wait3A_75 : memref<10112x128xf32, #tpu.memory_space<vmem_shared>>)
        tpu.yield
      }) : () -> ()
      %dma_wait3A_65 = arith.constant 0 : i32
      %dma_wait3A_66 = arith.constant 0 : i32
      %dma_wait3A_67 = tpu.memref_slice %arg2[%dma_wait3A_65, %dma_wait3A_66] : memref<10112x128xf32, #tpu.memory_space<hbm>> -> memref<10112x128xf32, #tpu.memory_space<hbm>>
      tpu.wait_indirect_dma semaphore(%arg17 : memref<!tpu.dma_semaphore, #tpu.memory_space<semaphore_mem>>) src(%dma_wait3A_67 : memref<10112x128xf32, #tpu.memory_space<hbm>>) dst(%arg11 : memref<192x128xf32, #tpu.memory_space<vmem>>)
      %dma_wait3A_68 = tpu.memref_slice %arg4[%multiple_of3A_46] : memref<331776xi32, #tpu.memory_space<hbm>> -> memref<192xi32, #tpu.memory_space<hbm>>
      %dma_wait3A_69 = tpu.memref_slice %arg4[%multiple_of3A_46] : memref<331776xi32, #tpu.memory_space<hbm>> -> memref<192xi32, #tpu.memory_space<hbm>>
      tpu.wait_dma2 semaphore(%arg15 : memref<!tpu.dma_semaphore, #tpu.memory_space<semaphore_mem>>) src(%dma_wait3A_69 : memref<192xi32, #tpu.memory_space<hbm>>) dst(%arg9 : memref<192xi32, #tpu.memory_space<vmem>>)
      "tpu.region"() ({
        %run_scoped3A = tpu.sem_alloc : memref<!tpu.dma_semaphore, #tpu.memory_space<semaphore_mem>>
        %dma_start3A_70 = arith.constant 0 : i32
        %dma_start3A_71 = arith.constant 0 : i32
        %dma_start3A_72 = tpu.memref_slice %arg18[%dma_start3A_70, %dma_start3A_71] : memref<10112x128xf32, #tpu.memory_space<vmem_shared>> -> memref<10112x128xf32, #tpu.memory_space<vmem_shared>>
        tpu.enqueue_indirect_dma source(%arg11 : memref<192x128xf32, #tpu.memory_space<vmem>>) target(%dma_start3A_72 : memref<10112x128xf32, #tpu.memory_space<vmem_shared>>) offsets(%arg9 : memref<192xi32, #tpu.memory_space<vmem>>) semaphore(%run_scoped3A : memref<!tpu.dma_semaphore, #tpu.memory_space<semaphore_mem>>) {add = true}
        %dma_wait3A_73 = arith.constant 0 : i32
        %dma_wait3A_74 = arith.constant 0 : i32
        %dma_wait3A_75 = tpu.memref_slice %arg18[%dma_wait3A_73, %dma_wait3A_74] : memref<10112x128xf32, #tpu.memory_space<vmem_shared>> -> memref<10112x128xf32, #tpu.memory_space<vmem_shared>>
        tpu.wait_indirect_dma semaphore(%run_scoped3A : memref<!tpu.dma_semaphore, #tpu.memory_space<semaphore_mem>>) src(%arg11 : memref<192x128xf32, #tpu.memory_space<vmem>>) dst(%dma_wait3A_75 : memref<10112x128xf32, #tpu.memory_space<vmem_shared>>)
        tpu.yield
      }) : () -> ()
    }
    %scan3A_20 = arith.constant 27 : i32
    %barrier3A_21 = arith.constant 0 : index
    tpu.barrier barrier_id(%barrier3A_21)
    %mul3A_22 = arith.constant 632 : i32
    %mul3A_23 = arith.muli %arg1, %mul3A_22 : i32
    "tpu.region"() ({
      %run_scoped3A = tpu.sem_alloc : memref<!tpu.dma_semaphore, #tpu.memory_space<semaphore_mem>>
      %dma_start3A = arith.constant 0 : i32
      %dma_start3A_24 = tpu.memref_slice %arg5[%arg0, %mul3A_23, %dma_start3A] : memref<2x10112x128xf32, #tpu.memory_space<hbm>> -> memref<1x632x128xf32, #tpu.memory_space<hbm>>
      %dma_start3A_25 = tpu.memref_squeeze %dma_start3A_24 : memref<1x632x128xf32, #tpu.memory_space<hbm>> -> memref<632x128xf32, #tpu.memory_space<hbm>>
      %dma_start3A_26 = arith.constant 0 : i32
      %dma_start3A_27 = tpu.memref_slice %arg18[%mul3A_23, %dma_start3A_26] : memref<10112x128xf32, #tpu.memory_space<vmem_shared>> -> memref<632x128xf32, #tpu.memory_space<vmem_shared>>
      tpu.enqueue_dma source(%dma_start3A_27 : memref<632x128xf32, #tpu.memory_space<vmem_shared>>) target(%dma_start3A_25 : memref<632x128xf32, #tpu.memory_space<hbm>>) target_semaphore(%run_scoped3A : memref<!tpu.dma_semaphore, #tpu.memory_space<semaphore_mem>>)
      %dma_wait3A = arith.constant 0 : i32
      %dma_wait3A_28 = tpu.memref_slice %arg5[%arg0, %mul3A_23, %dma_wait3A] : memref<2x10112x128xf32, #tpu.memory_space<hbm>> -> memref<1x632x128xf32, #tpu.memory_space<hbm>>
      %dma_wait3A_29 = tpu.memref_squeeze %dma_wait3A_28 : memref<1x632x128xf32, #tpu.memory_space<hbm>> -> memref<632x128xf32, #tpu.memory_space<hbm>>
      %dma_wait3A_30 = arith.constant 0 : i32
      %dma_wait3A_31 = tpu.memref_slice %arg18[%mul3A_23, %dma_wait3A_30] : memref<10112x128xf32, #tpu.memory_space<vmem_shared>> -> memref<632x128xf32, #tpu.memory_space<vmem_shared>>
      tpu.wait_dma2 semaphore(%run_scoped3A : memref<!tpu.dma_semaphore, #tpu.memory_space<semaphore_mem>>) src(%dma_wait3A_31 : memref<632x128xf32, #tpu.memory_space<vmem_shared>>) dst(%dma_wait3A_29 : memref<632x128xf32, #tpu.memory_space<hbm>>)
      tpu.yield
    }) : () -> ()
    return
  }
}

module attributes {stable_mosaic.version = 14 : i64} {
  func.func @_tc_mean_layer_body(%arg0: i32, %arg1: memref<1x1264x128xf32, #tpu.memory_space<vmem>>, %arg2: memref<1x1264x128xf32, #tpu.memory_space<vmem>>, %arg3: memref<1x1264x16xf32, #tpu.memory_space<vmem>>, %arg4: memref<1x1264x16xf32, #tpu.memory_space<vmem>>, %arg5: memref<1264x128xf32, #tpu.memory_space<vmem>>, %arg6: memref<128x128xf32, #tpu.memory_space<vmem>>, %arg7: memref<1x128xf32, #tpu.memory_space<vmem>>, %arg8: memref<128x128xf32, #tpu.memory_space<vmem>>, %arg9: memref<1264x128xf32, #tpu.memory_space<vmem>>) attributes {dimension_semantics = [#tpu.dimension_semantics<arbitrary>], iteration_bounds = array<i64: 8>, scalar_prefetch = 0 : i64, scratch_operands = 0 : i64, tpu.core_type = #tpu.core_type<tc>, window_params = [{transform_indices = @transform_0, window_bounds = array<i64: 1, 1264, 128>}, {transform_indices = @transform_1, window_bounds = array<i64: 1, 1264, 128>}, {transform_indices = @transform_2, window_bounds = array<i64: 1, 1264, 16>}, {transform_indices = @transform_3, window_bounds = array<i64: 1, 1264, 16>}, {transform_indices = @transform_4, window_bounds = array<i64: 1264, 128>}, {pipeline_mode = #tpu.pipeline_mode<synchronous>, transform_indices = @transform_5, window_bounds = array<i64: 128, 128>}, {pipeline_mode = #tpu.pipeline_mode<synchronous>, transform_indices = @transform_6, window_bounds = array<i64: 1, 128>}, {pipeline_mode = #tpu.pipeline_mode<synchronous>, transform_indices = @transform_7, window_bounds = array<i64: 128, 128>}, {transform_indices = @transform_8, window_bounds = array<i64: 1264, 128>}]} {
    %get3A = arith.constant 0 : index
    %get3A_0 = arith.constant 0 : index
    %get3A_1 = arith.constant 0 : index
    %get3A_2 = vector.load %arg3[%get3A, %get3A_0, %get3A_1] : memref<1x1264x16xf32, #tpu.memory_space<vmem>>, vector<1x1264x1xf32>
    %get3A_3 = vector.shape_cast %get3A_2 : vector<1x1264x1xf32> to vector<1264x1xf32>
    %get3A_4 = arith.constant 0 : index
    %get3A_5 = arith.constant 0 : index
    %get3A_6 = arith.constant 0 : index
    %get3A_7 = vector.load %arg4[%get3A_4, %get3A_5, %get3A_6] : memref<1x1264x16xf32, #tpu.memory_space<vmem>>, vector<1x1264x1xf32>
    %get3A_8 = vector.shape_cast %get3A_7 : vector<1x1264x1xf32> to vector<1264x1xf32>
    %add3A = arith.addf %get3A_3, %get3A_8 : vector<1264x1xf32>
    %max3A = arith.constant 1.000000e+00 : f32
    %max3A_9 = vector.broadcast %max3A : f32 to vector<1264x1xf32>
    %max3A_10 = arith.maximumf %add3A, %max3A_9 : vector<1264x1xf32>
    %div3A = arith.constant 1.000000e+00 : f32
    %div3A_11 = vector.broadcast %div3A : f32 to vector<1264x1xf32>
    %div3A_12 = arith.divf %div3A_11, %max3A_10 : vector<1264x1xf32>
    %get3A_13 = arith.constant 0 : index
    %get3A_14 = arith.constant 0 : index
    %get3A_15 = arith.constant 0 : index
    %get3A_16 = vector.load %arg1[%get3A_13, %get3A_14, %get3A_15] : memref<1x1264x128xf32, #tpu.memory_space<vmem>>, vector<1x1264x128xf32>
    %get3A_17 = vector.shape_cast %get3A_16 : vector<1x1264x128xf32> to vector<1264x128xf32>
    %get3A_18 = arith.constant 0 : index
    %get3A_19 = arith.constant 0 : index
    %get3A_20 = arith.constant 0 : index
    %get3A_21 = vector.load %arg2[%get3A_18, %get3A_19, %get3A_20] : memref<1x1264x128xf32, #tpu.memory_space<vmem>>, vector<1x1264x128xf32>
    %get3A_22 = vector.shape_cast %get3A_21 : vector<1x1264x128xf32> to vector<1264x128xf32>
    %add3A_23 = arith.addf %get3A_17, %get3A_22 : vector<1264x128xf32>
    %mul3A = vector.broadcast %div3A_12 : vector<1264x1xf32> to vector<1264x128xf32>
    %mul3A_24 = arith.mulf %add3A_23, %mul3A : vector<1264x128xf32>
    %get3A_25 = arith.constant 0 : index
    %get3A_26 = arith.constant 0 : index
    %get3A_27 = vector.load %arg6[%get3A_25, %get3A_26] : memref<128x128xf32, #tpu.memory_space<vmem>>, vector<128x128xf32>
    %dot_general3A = arith.constant dense<0.000000e+00> : vector<1264x128xf32>
    %dot_general3A_28 = tpu.matmul %mul3A_24, %get3A_27, %dot_general3A {dimension_numbers = #tpu.dot_dimension_numbers<[1], [0], [0], [1], [0, 0, 1, 1], [], []>, transpose_lhs_hint = false} : vector<1264x128xf32>, vector<128x128xf32>, vector<1264x128xf32> -> vector<1264x128xf32>
    %get3A_29 = arith.constant 0 : index
    %get3A_30 = arith.constant 0 : index
    %get3A_31 = vector.load %arg7[%get3A_29, %get3A_30] : memref<1x128xf32, #tpu.memory_space<vmem>>, vector<1x128xf32>
    %add3A_32 = vector.broadcast %get3A_31 : vector<1x128xf32> to vector<1264x128xf32>
    %add3A_33 = arith.addf %dot_general3A_28, %add3A_32 : vector<1264x128xf32>
    %get3A_34 = arith.constant 0 : index
    %get3A_35 = arith.constant 0 : index
    %get3A_36 = vector.load %arg5[%get3A_34, %get3A_35] : memref<1264x128xf32, #tpu.memory_space<vmem>>, vector<1264x128xf32>
    %get3A_37 = arith.constant 0 : index
    %get3A_38 = arith.constant 0 : index
    %get3A_39 = vector.load %arg8[%get3A_37, %get3A_38] : memref<128x128xf32, #tpu.memory_space<vmem>>, vector<128x128xf32>
    %dot_general3A_40 = arith.constant dense<0.000000e+00> : vector<1264x128xf32>
    %dot_general3A_41 = tpu.matmul %get3A_36, %get3A_39, %dot_general3A_40 {dimension_numbers = #tpu.dot_dimension_numbers<[1], [0], [0], [1], [0, 0, 1, 1], [], []>, transpose_lhs_hint = false} : vector<1264x128xf32>, vector<128x128xf32>, vector<1264x128xf32> -> vector<1264x128xf32>
    %add3A_42 = arith.addf %add3A_33, %dot_general3A_41 : vector<1264x128xf32>
    %max3A_43 = arith.constant 0.000000e+00 : f32
    %max3A_44 = vector.broadcast %max3A_43 : f32 to vector<1264x128xf32>
    %max3A_45 = arith.maximumf %add3A_42, %max3A_44 : vector<1264x128xf32>
    %swap3A = arith.constant 0 : index
    %swap3A_46 = arith.constant 0 : index
    %swap3A_47 = vector.load %arg9[%swap3A, %swap3A_46] : memref<1264x128xf32, #tpu.memory_space<vmem>>, vector<1264x128xf32>
    tpu.vector_store %arg9[%swap3A, %swap3A_46], %max3A_45 {strides = array<i32>} : memref<1264x128xf32, #tpu.memory_space<vmem>>, vector<1264x128xf32>,
    return
  }
  func.func @transform_0(%arg0: i32) -> (i32, i32, i32) {
    %c0_i32 = arith.constant 0 : i32
    %c0_i32_0 = arith.constant 0 : i32
    %c0_i32_1 = arith.constant 0 : i32
    return %c0_i32, %arg0, %c0_i32_0 : i32, i32, i32
  }
  func.func @transform_1(%arg0: i32) -> (i32, i32, i32) {
    %c1_i32 = arith.constant 1 : i32
    %c0_i32 = arith.constant 0 : i32
    %c0_i32_0 = arith.constant 0 : i32
    return %c1_i32, %arg0, %c0_i32 : i32, i32, i32
  }
  func.func @transform_2(%arg0: i32) -> (i32, i32, i32) {
    %c0_i32 = arith.constant 0 : i32
    %c0_i32_0 = arith.constant 0 : i32
    %c0_i32_1 = arith.constant 0 : i32
    return %c0_i32, %arg0, %c0_i32_0 : i32, i32, i32
  }
  func.func @transform_3(%arg0: i32) -> (i32, i32, i32) {
    %c1_i32 = arith.constant 1 : i32
    %c0_i32 = arith.constant 0 : i32
    %c0_i32_0 = arith.constant 0 : i32
    return %c1_i32, %arg0, %c0_i32 : i32, i32, i32
  }
  func.func @transform_4(%arg0: i32) -> (i32, i32) {
    %c0_i32 = arith.constant 0 : i32
    %c0_i32_0 = arith.constant 0 : i32
    return %arg0, %c0_i32 : i32, i32
  }
  func.func @transform_5(%arg0: i32) -> (i32, i32) {
    %c0_i32 = arith.constant 0 : i32
    %c0_i32_0 = arith.constant 0 : i32
    %c0_i32_1 = arith.constant 0 : i32
    return %c0_i32, %c0_i32_0 : i32, i32
  }
  func.func @transform_6(%arg0: i32) -> (i32, i32) {
    %c0_i32 = arith.constant 0 : i32
    %c0_i32_0 = arith.constant 0 : i32
    %c0_i32_1 = arith.constant 0 : i32
    return %c0_i32, %c0_i32_0 : i32, i32
  }
  func.func @transform_7(%arg0: i32) -> (i32, i32) {
    %c0_i32 = arith.constant 0 : i32
    %c0_i32_0 = arith.constant 0 : i32
    %c0_i32_1 = arith.constant 0 : i32
    return %c0_i32, %c0_i32_0 : i32, i32
  }
  func.func @transform_8(%arg0: i32) -> (i32, i32) {
    %c0_i32 = arith.constant 0 : i32
    %c0_i32_0 = arith.constant 0 : i32
    return %arg0, %c0_i32 : i32, i32
  }
}

module attributes {stable_mosaic.version = 14 : i64} {
  func.func @_tc_final_layer_body(%arg0: i32, %arg1: memref<1x1264x128xf32, #tpu.memory_space<vmem>>, %arg2: memref<1x1264x128xf32, #tpu.memory_space<vmem>>, %arg3: memref<1264x128xf32, #tpu.memory_space<vmem>>, %arg4: memref<128x128xf32, #tpu.memory_space<vmem>>, %arg5: memref<1x128xf32, #tpu.memory_space<vmem>>, %arg6: memref<128x128xf32, #tpu.memory_space<vmem>>, %arg7: memref<128x1xf32, #tpu.memory_space<vmem>>, %arg8: memref<1x1xf32, #tpu.memory_space<vmem>>, %arg9: memref<1264x1xf32, #tpu.memory_space<vmem>>) attributes {dimension_semantics = [#tpu.dimension_semantics<arbitrary>], iteration_bounds = array<i64: 8>, scalar_prefetch = 0 : i64, scratch_operands = 0 : i64, tpu.core_type = #tpu.core_type<tc>, window_params = [{transform_indices = @transform_0, window_bounds = array<i64: 1, 1264, 128>}, {transform_indices = @transform_1, window_bounds = array<i64: 1, 1264, 128>}, {transform_indices = @transform_2, window_bounds = array<i64: 1264, 128>}, {pipeline_mode = #tpu.pipeline_mode<synchronous>, transform_indices = @transform_3, window_bounds = array<i64: 128, 128>}, {pipeline_mode = #tpu.pipeline_mode<synchronous>, transform_indices = @transform_4, window_bounds = array<i64: 1, 128>}, {pipeline_mode = #tpu.pipeline_mode<synchronous>, transform_indices = @transform_5, window_bounds = array<i64: 128, 128>}, {pipeline_mode = #tpu.pipeline_mode<synchronous>, transform_indices = @transform_6, window_bounds = array<i64: 128, 1>}, {pipeline_mode = #tpu.pipeline_mode<synchronous>, transform_indices = @transform_7, window_bounds = array<i64: 1, 1>}, {transform_indices = @transform_8, window_bounds = array<i64: 1264, 1>}]} {
    %get3A = arith.constant 0 : index
    %get3A_0 = arith.constant 0 : index
    %get3A_1 = arith.constant 0 : index
    %get3A_2 = vector.load %arg1[%get3A, %get3A_0, %get3A_1] : memref<1x1264x128xf32, #tpu.memory_space<vmem>>, vector<1x1264x128xf32>
    %get3A_3 = vector.shape_cast %get3A_2 : vector<1x1264x128xf32> to vector<1264x128xf32>
    %get3A_4 = arith.constant 0 : index
    %get3A_5 = arith.constant 0 : index
    %get3A_6 = arith.constant 0 : index
    %get3A_7 = vector.load %arg2[%get3A_4, %get3A_5, %get3A_6] : memref<1x1264x128xf32, #tpu.memory_space<vmem>>, vector<1x1264x128xf32>
    %get3A_8 = vector.shape_cast %get3A_7 : vector<1x1264x128xf32> to vector<1264x128xf32>
    %add3A = arith.addf %get3A_3, %get3A_8 : vector<1264x128xf32>
    %get3A_9 = arith.constant 0 : index
    %get3A_10 = arith.constant 0 : index
    %get3A_11 = vector.load %arg4[%get3A_9, %get3A_10] : memref<128x128xf32, #tpu.memory_space<vmem>>, vector<128x128xf32>
    %dot_general3A = arith.constant dense<0.000000e+00> : vector<1264x128xf32>
    %dot_general3A_12 = tpu.matmul %add3A, %get3A_11, %dot_general3A {dimension_numbers = #tpu.dot_dimension_numbers<[1], [0], [0], [1], [0, 0, 1, 1], [], []>, transpose_lhs_hint = false} : vector<1264x128xf32>, vector<128x128xf32>, vector<1264x128xf32> -> vector<1264x128xf32>
    %get3A_13 = arith.constant 0 : index
    %get3A_14 = arith.constant 0 : index
    %get3A_15 = vector.load %arg5[%get3A_13, %get3A_14] : memref<1x128xf32, #tpu.memory_space<vmem>>, vector<1x128xf32>
    %add3A_16 = vector.broadcast %get3A_15 : vector<1x128xf32> to vector<1264x128xf32>
    %add3A_17 = arith.addf %dot_general3A_12, %add3A_16 : vector<1264x128xf32>
    %get3A_18 = arith.constant 0 : index
    %get3A_19 = arith.constant 0 : index
    %get3A_20 = vector.load %arg3[%get3A_18, %get3A_19] : memref<1264x128xf32, #tpu.memory_space<vmem>>, vector<1264x128xf32>
    %get3A_21 = arith.constant 0 : index
    %get3A_22 = arith.constant 0 : index
    %get3A_23 = vector.load %arg6[%get3A_21, %get3A_22] : memref<128x128xf32, #tpu.memory_space<vmem>>, vector<128x128xf32>
    %dot_general3A_24 = arith.constant dense<0.000000e+00> : vector<1264x128xf32>
    %dot_general3A_25 = tpu.matmul %get3A_20, %get3A_23, %dot_general3A_24 {dimension_numbers = #tpu.dot_dimension_numbers<[1], [0], [0], [1], [0, 0, 1, 1], [], []>, transpose_lhs_hint = false} : vector<1264x128xf32>, vector<128x128xf32>, vector<1264x128xf32> -> vector<1264x128xf32>
    %add3A_26 = arith.addf %add3A_17, %dot_general3A_25 : vector<1264x128xf32>
    %max3A = arith.constant 0.000000e+00 : f32
    %max3A_27 = vector.broadcast %max3A : f32 to vector<1264x128xf32>
    %max3A_28 = arith.maximumf %add3A_26, %max3A_27 : vector<1264x128xf32>
    %get3A_29 = arith.constant 0 : index
    %get3A_30 = arith.constant 0 : index
    %get3A_31 = vector.load %arg7[%get3A_29, %get3A_30] : memref<128x1xf32, #tpu.memory_space<vmem>>, vector<128x1xf32>
    %dot_general3A_32 = arith.constant dense<0.000000e+00> : vector<1264x1xf32>
    %dot_general3A_33 = tpu.matmul %max3A_28, %get3A_31, %dot_general3A_32 {dimension_numbers = #tpu.dot_dimension_numbers<[1], [0], [0], [1], [0, 0, 1, 1], [], []>, transpose_lhs_hint = false} : vector<1264x128xf32>, vector<128x1xf32>, vector<1264x1xf32> -> vector<1264x1xf32>
    %get3A_34 = arith.constant 0 : index
    %get3A_35 = arith.constant 0 : index
    %get3A_36 = vector.load %arg8[%get3A_34, %get3A_35] : memref<1x1xf32, #tpu.memory_space<vmem>>, vector<1x1xf32>
    %add3A_37 = vector.broadcast %get3A_36 : vector<1x1xf32> to vector<1264x1xf32>
    %add3A_38 = arith.addf %dot_general3A_33, %add3A_37 : vector<1264x1xf32>
    %reduce_max3A = arith.constant dense<0xFF800000> : vector<1264xf32>
    %reduce_max3A_39 = vector.multi_reduction <maximumf>, %add3A_38, %reduce_max3A [1] : vector<1264x1xf32> to vector<1264xf32>
    %broadcast_in_dim3A = vector.shape_cast %reduce_max3A_39 : vector<1264xf32> to vector<1264x1xf32>
    %sub3A = arith.subf %add3A_38, %broadcast_in_dim3A : vector<1264x1xf32>
    %exp3A = math.exp %sub3A : vector<1264x1xf32>
    %reduce_sum3A = arith.constant dense<0.000000e+00> : vector<1264xf32>
    %reduce_sum3A_40 = vector.multi_reduction <add>, %exp3A, %reduce_sum3A [1] : vector<1264x1xf32> to vector<1264xf32>
    %broadcast_in_dim3A_41 = vector.shape_cast %reduce_sum3A_40 : vector<1264xf32> to vector<1264x1xf32>
    %div3A = arith.divf %exp3A, %broadcast_in_dim3A_41 : vector<1264x1xf32>
    %swap3A = arith.constant 0 : index
    %swap3A_42 = arith.constant 0 : index
    %swap3A_43 = vector.load %arg9[%swap3A, %swap3A_42] : memref<1264x1xf32, #tpu.memory_space<vmem>>, vector<1264x1xf32>
    tpu.vector_store %arg9[%swap3A, %swap3A_42], %div3A {strides = array<i32>} : memref<1264x1xf32, #tpu.memory_space<vmem>>, vector<1264x1xf32>,
    return
  }
  func.func @transform_0(%arg0: i32) -> (i32, i32, i32) {
    %c0_i32 = arith.constant 0 : i32
    %c0_i32_0 = arith.constant 0 : i32
    %c0_i32_1 = arith.constant 0 : i32
    return %c0_i32, %arg0, %c0_i32_0 : i32, i32, i32
  }
  func.func @transform_1(%arg0: i32) -> (i32, i32, i32) {
    %c1_i32 = arith.constant 1 : i32
    %c0_i32 = arith.constant 0 : i32
    %c0_i32_0 = arith.constant 0 : i32
    return %c1_i32, %arg0, %c0_i32 : i32, i32, i32
  }
  func.func @transform_2(%arg0: i32) -> (i32, i32) {
    %c0_i32 = arith.constant 0 : i32
    %c0_i32_0 = arith.constant 0 : i32
    return %arg0, %c0_i32 : i32, i32
  }
  func.func @transform_3(%arg0: i32) -> (i32, i32) {
    %c0_i32 = arith.constant 0 : i32
    %c0_i32_0 = arith.constant 0 : i32
    %c0_i32_1 = arith.constant 0 : i32
    return %c0_i32, %c0_i32_0 : i32, i32
  }
  func.func @transform_4(%arg0: i32) -> (i32, i32) {
    %c0_i32 = arith.constant 0 : i32
    %c0_i32_0 = arith.constant 0 : i32
    %c0_i32_1 = arith.constant 0 : i32
    return %c0_i32, %c0_i32_0 : i32, i32
  }
  func.func @transform_5(%arg0: i32) -> (i32, i32) {
    %c0_i32 = arith.constant 0 : i32
    %c0_i32_0 = arith.constant 0 : i32
    %c0_i32_1 = arith.constant 0 : i32
    return %c0_i32, %c0_i32_0 : i32, i32
  }
  func.func @transform_6(%arg0: i32) -> (i32, i32) {
    %c0_i32 = arith.constant 0 : i32
    %c0_i32_0 = arith.constant 0 : i32
    %c0_i32_1 = arith.constant 0 : i32
    return %c0_i32, %c0_i32_0 : i32, i32
  }
  func.func @transform_7(%arg0: i32) -> (i32, i32) {
    %c0_i32 = arith.constant 0 : i32
    %c0_i32_0 = arith.constant 0 : i32
    %c0_i32_1 = arith.constant 0 : i32
    return %c0_i32, %c0_i32_0 : i32, i32
  }
  func.func @transform_8(%arg0: i32) -> (i32, i32) {
    %c0_i32 = arith.constant 0 : i32
    %c0_i32_0 = arith.constant 0 : i32
    return %arg0, %c0_i32 : i32, i32
  }
}

</mosaic_0001>

<sc_bundles>
// kernel: kernel.12.cloned.1.call-start
scs
__scs_entry_jumppad:
0x0: {  	(pc) =	sbr.rel $0x88, $3  }
0x1: {  	(tag) =	ssettag $0x0;
	lr =	simm.s32 $0x1  }
0x2: {  	[smem:$0x3F94] =	sst lr;
	_ =	strace $0xD0000000  }
0x3: {  	_ = 	snop  }
0x4: {  	_ = 	snop  }
0x5: {  	_ = 	snop  }
0x6: {  	_ = 	snop  }
0x7: {  	_ = 	snop  }
__scs_overlays_trampoline_lowered:
0x8: {  	[smem:$0x3FA3] =	sst s0  }
0x9: {  	[smem:$0x3FA4] =	sst s1  }
0xa: {  	[smem:$0x3FA5] =	sst s2  }
0xb: {  	[smem:$0x3FA6] =	sst s3  }
0xc: {  	[smem:$0x3FA7] =	sst s4  }
0xd: {  	[smem:$0x3FA8] =	sst s5  }
0xe: {  	[smem:$0x3FA9] =	sst s6  }
0xf: {  	[smem:$0x3FAA] =	sst s7  }
0x10: {  	[smem:$0x3FAB] =	sst s8  }
0x11: {  	[smem:$0x3FAC] =	sst s9;
	s0 =	simm.s32 @!p0 $0x0  }
0x12: {  	s1 =	sld [smem:$0x3F92];
	s0 =	simm.s32 @p0 $0x1  }
0x13: {  	[smem:$0x3FAD] =	sst s0;
	s0 =	simm.s32 @!p1 $0x0  }
0x14: {  	s2 =	sld [smem:$0x3F91];
	s0 =	simm.s32 @p1 $0x1  }
0x15: {  	[smem:$0x3FAE] =	sst s0;
	s0 =	simm.s32 @!p2 $0x0  }
0x16: {  	s3 =	sld [smem:$0x3FDB];
	s0 =	simm.s32 @p2 $0x1  }
0x17: {  	s4 =	simm.s32 $0x1BF5;
	[smem:$0x3FB0] =	sst s0  }
0x18: {  	s0 =	sld [smem:$0x3F93];
	_ =	swait.ge [sflag:s4], $0x0  }
0x19: {  	s7 =	sld [smem:$0x3F94]  }
0x1a: {  	s8 =	sadd.s32 $0xFFFFE003, lr  }
0x1b: {  	s9 =	sadd.s32 $0xFFFFFEF7, lr;
	s5 =	simm.s32 $0xFFFFFFFF;
	p2 =	slt.u32 s8, $0xFFFFF086  }
0x1c: {  	p1 =	slt.u32 s9, $0xF7A;
	s5 =	simm.s32 @!p2 $0x0  }
0x1d: {  	s5 =	simm.s32 @p1 $0x1;
	p0 =	seq.s32 s7, s2  }
0x1e: {  	s7 =	smul.u32 @!p0 $0xF7A, s2;
	p2 =	seq.s32 @!p0 s5, $0x0  }
0x1f: {  	s9 =	smul.u32 $0xF7A, s1;
	s8 =	simm.s32 @!p0 $0x1BF5;
	p2 =	por !p2, p0  }
0x20: {  	[sflag:s8] =	ssyncset.s32 @!p0 $0xFFFFF086;
	s6 =	sadd.s32 @!p0 s3, s7;
	s7 =	simm.s32 @!p0 $0x108  }
0x21: {  	s3 =	sadd.s32 s3, s9;
	s6 =	sadd.s32 @!p0 $0x88, s6;
	s7 =	simm.s32 @p2 $0x1082  }
0x22: {  	[simem:s7], [sflag:s8] =	dma.local @!p0 [hbm:s6], $0xF7A  }
0x23: {  	s9 =	sor.u32 $0xD0000000, s2;
	s6 =	simm.s32 $0x108;
	_ =	swait.ge @!p0 [sflag:s8], $0x0  }
0x24: {  	s3 =	sadd.s32 $0x88, s3;
	s6 =	simm.s32 @!p1 $0x1082;
	[sflag:s4] =	ssyncset.s32 $0xFFFFF086  }
0x25: {  	[simem:s6], [sflag:s4] =	dma.local [hbm:s3], $0xF7A  }
0x26: {  	[smem:$0x3F94] =	sst s1;
	(tag) =	ssettag s2;
	_ =	strace s9  }
0x27: {  	s1 =	sld [smem:$0x3FA4]  }
0x28: {  	s2 =	sld [smem:$0x3FA5]  }
0x29: {  	s4 =	sld [smem:$0x3FA7]  }
0x2a: {  	p0 =	seq.s32 s5, $0x0;
	s5 =	sld [smem:$0x3FA8]  }
0x2b: {  	s6 =	sld [smem:$0x3FA9]  }
0x2c: {  	s7 =	sld [smem:$0x3FAA]  }
0x2d: {  	s3 =	simm.s32 $0x108;
	s8 =	sld [smem:$0x3FAB]  }
0x2e: {  	s3 =	simm.s32 @!p0 $0x1082;
	s9 =	sld [smem:$0x3FAC]  }
0x2f: {  	lr =	sadd.s32 s0, s3;
	s0 =	sld [smem:$0x3FA3]  }
0x30: {  	s3 =	sld [smem:$0x3FA6]  }
0x31: {  	[smem:$0x3FAF] =	sst s10  }
0x32: {  	s10 =	sld [smem:$0x3FAD];
	_ =	sdelay $0x3  }
0x33: {  	p0 =	seq.s32 s10, $0x1;
	s10 =	sld [smem:$0x3FAF];
	_ =	sdelay $0x3  }
0x34: {  	[smem:$0x3FAF] =	sst s10  }
0x35: {  	s10 =	sld [smem:$0x3FAE];
	_ =	sdelay $0x3  }
0x36: {  	p1 =	seq.s32 s10, $0x1;
	s10 =	sld [smem:$0x3FAF];
	_ =	sdelay $0x3  }
0x37: {  	[smem:$0x3FAF] =	sst s10  }
0x38: {  	s10 =	sld [smem:$0x3FB0]  }
0x39: {  	_ = 	snop;
	(pc) =	sbr.ind lr, $3  }
0x3a: {  	_ = 	snop  }
0x3b: {  	_ = 	snop  }
0x3c: {  	p2 =	seq.s32 s10, $0x1;
	s10 =	sld [smem:$0x3FAF]  }
0x3d: {  	_ =	shalt  }
0x3e: {  	_ =	shalt  }
0x3f: {  	_ =	shalt  }
0x40: {  	_ =	shalt  }
0x41: {  	_ =	shalt  }
0x42: {  	_ =	shalt  }
0x43: {  	_ =	shalt  }
0x44: {  	_ =	shalt  }
0x45: {  	_ =	shalt  }
0x46: {  	_ =	shalt  }
0x47: {  	_ =	shalt  }
0x48: {  	_ =	shalt  }
0x49: {  	_ =	shalt  }
0x4a: {  	_ =	shalt  }
0x4b: {  	_ =	shalt  }
0x4c: {  	_ =	shalt  }
0x4d: {  	_ =	shalt  }
0x4e: {  	_ =	shalt  }
0x4f: {  	_ =	shalt  }
0x50: {  	_ =	shalt  }
0x51: {  	_ =	shalt  }
0x52: {  	_ =	shalt  }
0x53: {  	_ =	shalt  }
0x54: {  	_ =	shalt  }
0x55: {  	_ =	shalt  }
0x56: {  	_ =	shalt  }
0x57: {  	_ =	shalt  }
0x58: {  	_ =	shalt  }
0x59: {  	_ =	shalt  }
0x5a: {  	_ =	shalt  }
0x5b: {  	_ =	shalt  }
0x5c: {  	_ =	shalt  }
0x5d: {  	_ =	shalt  }
0x5e: {  	_ =	shalt  }
0x5f: {  	_ =	shalt  }
0x60: {  	_ =	shalt  }
0x61: {  	_ =	shalt  }
0x62: {  	_ =	shalt  }
0x63: {  	_ =	shalt  }
0x64: {  	_ =	shalt  }
0x65: {  	_ =	shalt  }
0x66: {  	_ =	shalt  }
0x67: {  	_ =	shalt  }
0x68: {  	_ =	shalt  }
0x69: {  	_ =	shalt  }
0x6a: {  	_ =	shalt  }
0x6b: {  	_ =	shalt  }
0x6c: {  	_ =	shalt  }
0x6d: {  	_ =	shalt  }
0x6e: {  	_ =	shalt  }
0x6f: {  	_ =	shalt  }
0x70: {  	_ =	shalt  }
0x71: {  	_ =	shalt  }
0x72: {  	_ =	shalt  }
0x73: {  	_ =	shalt  }
0x74: {  	_ =	shalt  }
0x75: {  	_ =	shalt  }
0x76: {  	_ =	shalt  }
0x77: {  	_ =	shalt  }
0x78: {  	_ =	shalt  }
0x79: {  	_ =	shalt  }
0x7a: {  	_ =	shalt  }
0x7b: {  	_ =	shalt  }
0x7c: {  	_ =	shalt  }
0x7d: {  	_ =	shalt  }
0x7e: {  	_ =	shalt  }
0x7f: {  	_ =	shalt  }
0x80: {  	_ =	shalt  }
0x81: {  	_ =	shalt  }
0x82: {  	_ =	shalt  }
0x83: {  	_ =	shalt  }
0x84: {  	_ =	shalt  }
0x85: {  	_ =	shalt  }
0x86: {  	_ =	shalt  }
0x87: {  	_ =	shalt  }
.Lfunc_end0:
.L_simem_size_0:
called_computation.1_lowered:
.L_overlay_start_0:
0x88: {  	s2 =	sld [smem:$0x3FD9]  }
0x89: {  	s3 =	sld [smem:$0x3FFE];
	_ =	sdelay $0x1  }
0x8a: {  	s1 =	srdreg.scid  }
0x8b: {  	s0 =	sand.u32 $0x1, s1  }
0x8c: {  	s16 =	sshll.u32 s0, $0xA;
	s2 =	sadd.s32 s3, s2  }
0x8d: {  	s2 =	sadd.s32 s2, s16  }
0x8e: {  	[smem:$0x3FBB] =	sst s2  }
0x8f: {  	_ = 	snop  }
0x90: {  	(tm) =	ssettm $0x1  }
0x91: {  	s17 =	sld [smem:$0x3FFB];
	_ =	sdelay $0x3  }
0x92: {  	_ =	strace s17  }
0x93: {  	s2 =	sld [smem:$0x3FFC];
	_ =	sdelay $0x3  }
0x94: {  	_ =	strace s2  }
0x95: {  	s2 =	sld [smem:$0x3FFD];
	_ =	sdelay $0x3  }
0x96: {  	_ =	strace s2  }
0x97: {  	_ =	strace $0x8FFFFFFF  }
0x98: {  	s18 =	sld [smem:$0x3FDB];
	_ =	sdelay $0x1  }
0x99: {  	s19 =	simm.s32 $_scs_section_size  }
0x9a: {  	s4 =	simm.s32 $_size__tile_overlayer_lowered;
	s5 =	simm.s32 $_tile_overlayer_lowered  }
0x9b: {  	s22 =	simm.s32 $0x1BFF;
	s21 =	sshll.u32 s5, $0x1;
	s2 =	sadd.s32 s19, s18  }
0x9c: {  	s6 =	simm.s32 $0x0;
	s20 =	sshll.u32 s4, $0x1;
	s4 =	sadd.s32 s21, s2  }
0x9d: {  	[timem:s6], [sflag:s22] =	dma.local [hbm:s4], s20  }
0x9e: {  	_ =	swait.ge [sflag:s22], s20  }
0x9f: {  	s3 =	ssub.s32 $0x0, s20;
	[sflag:s22] =	ssyncset.done $0x0  }
0xa0: {  	[sflag:s22] =	ssyncadd.s32 s3;
	_ =	sdelay $0x1  }
0xa1: {  	s23 =	simm.s32 $0x1B8B  }
0xa2: {  	_ =	swait.ge [sflag:s23], $0x1  }
0xa3: {  	[sflag:s23] =	ssyncset.done $0x0  }
0xa4: {  	s25 =	simm.s32 $0x1B8E;
	s24 =	sld [smem:$0x3FFE];
	[sflag:s23] =	ssyncadd.s32 $0xFFFFFFFF  }
0xa5: {  	s26 =	simm.s32 $execute0_lowered;
	[smem:$0x3FD2] =	sst s25  }
0xa6: {  	s4 =	sshll.u32 s26, $0x1;
	_ =	strace $0x80000046;
	[dreg:$0x1] =	wrdreg $0xFFFFFFFF  }
0xa7: {  	s28 =	simm.s32 $_size_execute0_lowered;
	s2 =	sadd.s32 s2, s4;
	[dreg:$0x0] =	wrdreg $0x0  }
0xa8: {  	s4 =	sshll.u32 s28, $0x1;
	[dreg:$0x2] =	wrdreg s2  }
0xa9: {  	[dreg:$0x3] =	wrdreg s4  }
0xaa: {  	[dreg:$0x4] =	wrdreg $0xC0  }
0xab: {  	_ =	task [dreg:s6], $0x5FFFF  }
0xac: {  	[dreg:$0x1] =	wrdreg $0xFFFFFFFF  }
0xad: {  	[dreg:$0x0] =	wrdreg $0x60  }
0xae: {  	[dreg:$0x2] =	wrdreg s24  }
0xaf: {  	[dreg:$0x3] =	wrdreg $0xC4000  }
0xb0: {  	[dreg:$0x4] =	wrdreg $0xA  }
0xb1: {  	_ =	task.clear_ibuf [dreg:s6], $0x5FFFF;
	_ =	strace $0x90000046  }
0xb2: {  	s29 =	simm.s32 $0xA;
	_ =	strace $0x80000048  }
0xb3: {  	_ =	swait.ge [sflag:s29], $0x1  }
0xb4: {  	[sflag:s29] =	ssyncadd.s32 $0xFFFFFFFF  }
0xb5: {  	_ =	strace $0x90000048  }
0xb6: {  	_ =	sfence  }
0xb7: {  	s30 =	sld [smem:$0x0];
	_ =	sdelay $0x2  }
0xb8: {  	s31 =	sshll.u32 s1, $0xD;
	s1 =	sshrl.u32 s1, $0x2  }
0xb9: {  	s3 =	sand.u32 $0x4000, s31;
	s1 =	sadd.s32 s1, s30  }
0xba: {  	s0 =	sor.u32 s3, s0;
	s1 =	sshll.u32 s1, $0x11  }
0xbb: {  	s0 =	sor.u32 s1, s0  }
0xbc: {  	s0 =	sadd.s32 $0x8F2B, s0  }
0xbd: {  	[sflag:s0] =	ssyncadd.remote.s32 $0x1  }
0xbe: {  	_ =	sfence.sel $0xFFFF  }
0xbf: {  	[dreg:$0x0] =	wrdreg $0xFFFFFFFF;
	(pc) =	sbr.abs _section_cstart, $3  }
0xc0: {  	[dreg:$0x1] =	wrdreg $0xFFFFFFFF  }
0xc1: {  	_ =	task.clear_ibuf [dreg:s6], $0x2FFFF;
	_ =	strace $0x9FFFFFFF  }
0xc2: {  	(tm) =	ssettm $0x7FFFFFFF  }
0xc3: {  	_ =	shalt  }
tec
execute0_lowered:
.L_overlay_start_1:
0x0: {  	(tag) =	ssettag $0x1  }
0x1: {  	s0 =	rddreg [dreg:$0x0]  }
0x2: {  	s1 =	rddreg [dreg:$0x1];
	s2 =	srdreg.scid;
	s3 =	simm.s32 $0x0  }
0x3: {  	s24 =	stileid.u32;
	s16 =	simm.s32 $0x7;
	s17 =	simm.s32 $0x200  }
0x4: {  	s18 =	simm.s32 $0x100;
	s19 =	simm.s32 $0x300;
	s20 =	simm.s32 $0x1  }
0x5: {  	s21 =	simm.s32 $0xC0;
	s22 =	simm.s32 $0x2;
	s23 =	simm.s32 $0x6400  }
0x6: {  	s28 =	simm.s32 $0x4;
	s29 =	simm.s32 $0x0;
	s7 =	smul.u32 $0x13C00, s24  }
0x7: {  	s5 =	sand.u32 $0x1, s2;
	[smem:$0x7FF] =	sst s3;
	s25 =	smul.u32 $0x4F000, s24  }
0x8: {  	s4 =	sadd.s32 $0x3600, s0;
	s14 =	sadd.s32 $0x2AE00, s0;
	s10 =	smul.u32 $0x2880, s24  }
0x9: {  	s13 =	sadd.s32 $0x35000, s0;
	s24 =	simm.s32 $0x5;
	s6 =	smul.u32 $0x13C000, s5  }
0xa: {  	_ =	strace $0x80000047;
	s8 =	ssub.s32 $0x2, s5;
	s9 =	smul.u32 $0x28800, s5  }
0xb: {  	s26 =	sshrl.u32 s8, $0x1;
	s6 =	sadd.s32 s7, s6;
	s7 =	sshrl.u32 s25, $0x2  }
0xc: {  	s11 =	ssub.s32 s8, s26;
	s12 =	sadd.s32 s10, s9;
	s25 =	simm.s32 $0x3  }
0xd: {  	s26 =	simm.s32 $0x6;
	s6 =	sshrl.u32 s6, $0x3;
	s5 =	sadd.s32 s7, s1  }
0xe: {  	s31 =	sadd.s32 $0xC0, s12;
	s10 =	smax.u32 s11, $0x1;
	s15 =	sshrl.u32 s12, $0x3  }
0xf: {  	s0 =	sadd.s32 s6, s0;
	s30 =	sadd.s32 $0x6000, s5;
	s7 =	sadd.s32 $0xC000, s5  }
0x10: {  	s8 =	sadd.s32 $0x12000, s5;
	s9 =	sadd.s32 $0x3F200, s0;
	s0 =	sshrl.u32 s31, $0x3  }
0x11: {  	[dreg:$0x3] =	wrdreg s30;
	s11 =	sadd.s32 s0, s13;
	s12 =	sadd.s32 s0, s14  }
0x12: {  	v0 =	vimm.f32 $0.0e+00;
	s13 =	sadd.s32 s15, s13;
	s14 =	sadd.s32 s15, s14;
	s15 =	simm.s32 $0x400  }
.LBB2_1:
0x13: {  	s30 =	simm.s32 $0x0;
	s31 =	simm.s32 $0x200  }
.LBB2_2:
0x14: {  	p0 =	sne.s32 s31, $0x17E00;
	[tilespmem:s30+$0x470] =	vst v0  }
0x15: {  	[tilespmem:s30+$0x400] =	vst v0  }
0x16: {  	[tilespmem:s30+$0x410] =	vst v0  }
.Ltmp0:
0x17: {  	[tilespmem:s30+$0x420] =	vst v0;
	(pc) =	sbr.rel @p0 .LBB2_2-.Ltmp0, $4  }
0x18: {  	[tilespmem:s30+$0x430] =	vst v0  }
0x19: {  	[tilespmem:s30+$0x440] =	vst v0  }
0x1a: {  	[tilespmem:s30+$0x450] =	vst v0  }
0x1b: {  	[tilespmem:s30+$0x460] =	vst v0;
	s30 =	sshra.s32 s31, $0x2;
	s31 =	sadd.s32 $0x200, s31  }
0x1c: {  	[tilespmem:s30+$0x470] =	vst v0  }
0x1d: {  	[tilespmem:s30+$0x400] =	vst v0  }
0x1e: {  	[tilespmem:s30+$0x410] =	vst v0  }
0x1f: {  	[tilespmem:s30+$0x420] =	vst v0  }
0x20: {  	[tilespmem:s30+$0x430] =	vst v0  }
0x21: {  	[tilespmem:s30+$0x440] =	vst v0  }
0x22: {  	[tilespmem:s30+$0x450] =	vst v0  }
0x23: {  	[tilespmem:s30+$0x460] =	vst v0  }
0x24: {  	[spmem:s5] =	stream.linear.scatter [tilespmem:s15], [sflag:$0x7], $0x6000, $0x38;
	v63 =	vld [tilespmem:$0x0]  }
0x25: {  	_ =	swait.ge [sflag:s16], $0x6000  }
0x26: {  	[sflag:s16] =	ssyncset.done $0x0  }
0x27: {  	s0 =	rddreg [dreg:$0x3];
	[sflag:s16] =	ssyncadd.s32 $0xFFFFA000  }
0x28: {  	[spmem:s0] =	stream.linear.scatter [tilespmem:s15], [sflag:$0x7], $0x6000, $0x38;
	v63 =	vld [tilespmem:$0x0]  }
0x29: {  	_ =	swait.ge [sflag:s16], $0x6000  }
0x2a: {  	[sflag:s16] =	ssyncset.done $0x0  }
0x2b: {  	[sflag:s16] =	ssyncadd.s32 $0xFFFFA000  }
0x2c: {  	[spmem:s7] =	stream.linear.scatter [tilespmem:s15], [sflag:$0x7], $0x6000, $0x38;
	v63 =	vld [tilespmem:$0x0]  }
0x2d: {  	_ =	swait.ge [sflag:s16], $0x6000  }
0x2e: {  	[sflag:s16] =	ssyncset.done $0x0  }
0x2f: {  	[sflag:s16] =	ssyncadd.s32 $0xFFFFA000  }
0x30: {  	[spmem:s8] =	stream.linear.scatter [tilespmem:s15], [sflag:$0x7], $0x1C00, $0x38;
	v63 =	vld [tilespmem:$0x0]  }
0x31: {  	_ =	swait.ge [sflag:s16], $0x1C00  }
0x32: {  	[sflag:s16] =	ssyncset.done $0x0  }
0x33: {  	[sflag:s16] =	ssyncadd.s32 $0xFFFFE400  }
0x34: {  	s2 =	sadd.s32 $0x0, s14;
	[bflag:$0x0] =	sbarrier.arrive $0xFFFF  }
0x35: {  	[tilespmem:s3], [sflag:$0x1] =	stream.linear.gather [hbm4b:s2+s3], $0xC0, $0x38;
	v63 =	vld [tilespmem:$0x0]  }
0x36: {  	s6 =	sadd.s32 $0x0, s13  }
0x37: {  	[tilespmem:s17], [sflag:$0x3] =	stream.linear.gather [hbm4b:s6+s3], $0xC0, $0x38;
	v63 =	vld [tilespmem:$0x0]  }
0x38: {  	s2 =	sadd.s32 $0x0, s12  }
0x39: {  	[tilespmem:s18], [sflag:$0x2] =	stream.linear.gather [hbm4b:s2+s3], $0xC0, $0x38;
	v63 =	vld [tilespmem:$0x0]  }
0x3a: {  	s6 =	sadd.s32 $0x0, s11  }
0x3b: {  	[tilespmem:s19], [sflag:$0x4] =	stream.linear.gather [hbm4b:s6+s3], $0xC0, $0x38;
	v63 =	vld [tilespmem:$0x0]  }
0x3c: {  	_ =	swait.ge [sflag:s20], $0xC0  }
0x3d: {  	[sflag:s20] =	ssyncset.done $0x0  }
0x3e: {  	[sflag:s20] =	ssyncadd.s32 $0xFFFFFF40  }
0x3f: {  	[tilespmem:s15], [sflag:$0x5] =	stream.indirect.gather [hbm4b:s4+s21], $0x80, s3, s21, $0xb8;
	v63 =	vld [tilespmem:$0x0]  }
0x40: {  	_ =	swait.ge [sflag:s22], $0xC0  }
0x41: {  	[sflag:s22] =	ssyncset.done $0x0  }
0x42: {  	[sflag:s22] =	ssyncadd.s32 $0xFFFFFF40  }
0x43: {  	[tilespmem:s23], [sflag:$0x6] =	stream.indirect.gather [hbm4b:s4+s21], $0x80, s18, s21, $0xb8;
	v63 =	vld [tilespmem:$0x0]  }
0x44: {  	_ =	swait.ge [sflag:s24], $0x6000  }
0x45: {  	[sflag:s24] =	ssyncset.done $0x0  }
0x46: {  	[sflag:s24] =	ssyncadd.s32 $0xFFFFA000  }
0x47: {  	_ =	swait.ge [sflag:s25], $0xC0  }
0x48: {  	[sflag:s25] =	ssyncset.done $0x0  }
0x49: {  	[sflag:s25] =	ssyncadd.s32 $0xFFFFFF40  }
0x4a: {  	[spmem:s1] =	stream.indirect.scatter.add.f32 [tilespmem:s15], [sflag:$0x7], $0x80, s17, s21, $0xb8;
	v63 =	vld [tilespmem:$0x0]  }
0x4b: {  	_ =	swait.ge [sflag:s16], $0x6000  }
0x4c: {  	[sflag:s16] =	ssyncset.done $0x0  }
0x4d: {  	[sflag:s16] =	ssyncadd.s32 $0xFFFFA000  }
0x4e: {  	_ =	swait.ge [sflag:s26], $0x6000  }
0x4f: {  	[sflag:s26] =	ssyncset.done $0x0  }
0x50: {  	[sflag:s26] =	ssyncadd.s32 $0xFFFFA000  }
0x51: {  	_ =	swait.ge [sflag:s28], $0xC0  }
0x52: {  	[sflag:s28] =	ssyncset.done $0x0  }
0x53: {  	[sflag:s28] =	ssyncadd.s32 $0xFFFFFF40  }
0x54: {  	[spmem:s1] =	stream.indirect.scatter.add.f32 [tilespmem:s23], [sflag:$0x7], $0x80, s19, s21, $0xb8;
	v63 =	vld [tilespmem:$0x0]  }
0x55: {  	_ =	swait.ge [sflag:s16], $0x6000  }
0x56: {  	s30 =	simm.s32 $0x30;
	s31 =	simm.s32 $0x60;
	[sflag:s16] =	ssyncset.done $0x0  }
.LBB2_4:
0x57: {  	s2 =	sadd.s32 s30, s14  }
0x58: {  	[sflag:s16] =	ssyncadd.s32 $0xFFFFA000;
	s6 =	smov.u32 s31;
	s0 =	sadd.s32 $0x30, s31  }
0x59: {  	[tilespmem:s3], [sflag:$0x1] =	stream.linear.gather [hbm4b:s2+s3], $0xC0, $0x38;
	v63 =	vld [tilespmem:$0x0]  }
0x5a: {  	p0 =	sne.s32 s31, $0x4E0;
	s2 =	sadd.s32 s30, s13  }
0x5b: {  	[tilespmem:s17], [sflag:$0x3] =	stream.linear.gather [hbm4b:s2+s3], $0xC0, $0x38;
	v63 =	vld [tilespmem:$0x0]  }
0x5c: {  	s2 =	sadd.s32 s30, s12  }
0x5d: {  	[tilespmem:s18], [sflag:$0x2] =	stream.linear.gather [hbm4b:s2+s3], $0xC0, $0x38;
	v63 =	vld [tilespmem:$0x0]  }
0x5e: {  	s2 =	sadd.s32 s30, s11;
	s30 =	smov.u32 s6  }
0x5f: {  	[tilespmem:s19], [sflag:$0x4] =	stream.linear.gather [hbm4b:s2+s3], $0xC0, $0x38;
	v63 =	vld [tilespmem:$0x0]  }
0x60: {  	_ =	swait.ge [sflag:s20], $0xC0  }
0x61: {  	[sflag:s20] =	ssyncset.done $0x0  }
0x62: {  	[sflag:s20] =	ssyncadd.s32 $0xFFFFFF40  }
0x63: {  	[tilespmem:s15], [sflag:$0x5] =	stream.indirect.gather [hbm4b:s4+s21], $0x80, s3, s21, $0xb8;
	v63 =	vld [tilespmem:$0x0]  }
0x64: {  	_ =	swait.ge [sflag:s22], $0xC0  }
0x65: {  	[sflag:s22] =	ssyncset.done $0x0  }
0x66: {  	[sflag:s22] =	ssyncadd.s32 $0xFFFFFF40  }
0x67: {  	[tilespmem:s23], [sflag:$0x6] =	stream.indirect.gather [hbm4b:s4+s21], $0x80, s18, s21, $0xb8;
	v63 =	vld [tilespmem:$0x0]  }
0x68: {  	_ =	swait.ge [sflag:s24], $0x6000  }
0x69: {  	[sflag:s24] =	ssyncset.done $0x0  }
0x6a: {  	[sflag:s24] =	ssyncadd.s32 $0xFFFFA000  }
0x6b: {  	_ =	swait.ge [sflag:s25], $0xC0  }
0x6c: {  	[sflag:s25] =	ssyncset.done $0x0  }
0x6d: {  	[sflag:s25] =	ssyncadd.s32 $0xFFFFFF40  }
0x6e: {  	[spmem:s1] =	stream.indirect.scatter.add.f32 [tilespmem:s15], [sflag:$0x7], $0x80, s17, s21, $0xb8;
	v63 =	vld [tilespmem:$0x0]  }
0x6f: {  	_ =	swait.ge [sflag:s16], $0x6000  }
0x70: {  	[sflag:s16] =	ssyncset.done $0x0  }
0x71: {  	[sflag:s16] =	ssyncadd.s32 $0xFFFFA000  }
0x72: {  	_ =	swait.ge [sflag:s26], $0x6000  }
0x73: {  	[sflag:s26] =	ssyncset.done $0x0  }
0x74: {  	[sflag:s26] =	ssyncadd.s32 $0xFFFFA000  }
0x75: {  	_ =	swait.ge [sflag:s28], $0xC0  }
.Ltmp1:
0x76: {  	[sflag:s28] =	ssyncset.done $0x0;
	(pc) =	sbr.rel @p0 .LBB2_4-.Ltmp1, $4  }
0x77: {  	[sflag:s28] =	ssyncadd.s32 $0xFFFFFF40  }
0x78: {  	[spmem:s1] =	stream.indirect.scatter.add.f32 [tilespmem:s23], [sflag:$0x7], $0x80, s19, s21, $0xb8;
	v63 =	vld [tilespmem:$0x0]  }
0x79: {  	_ =	swait.ge [sflag:s16], $0x6000  }
0x7a: {  	s31 =	smov.u32 s0;
	[sflag:s16] =	ssyncset.done $0x0  }
0x7b: {  	s0 =	sadd.s32 s30, s14;
	[sflag:s16] =	ssyncadd.s32 $0xFFFFA000  }
0x7c: {  	[tilespmem:s3], [sflag:$0x1] =	stream.linear.gather [hbm4b:s0+s3], $0xC0, $0x38;
	v63 =	vld [tilespmem:$0x0]  }
0x7d: {  	s2 =	sadd.s32 s30, s13  }
0x7e: {  	[tilespmem:s17], [sflag:$0x3] =	stream.linear.gather [hbm4b:s2+s3], $0xC0, $0x38;
	v63 =	vld [tilespmem:$0x0]  }
0x7f: {  	s6 =	sadd.s32 s30, s12  }
0x80: {  	[tilespmem:s18], [sflag:$0x2] =	stream.linear.gather [hbm4b:s6+s3], $0xC0, $0x38;
	v63 =	vld [tilespmem:$0x0]  }
0x81: {  	s30 =	sadd.s32 s30, s11  }
0x82: {  	[tilespmem:s19], [sflag:$0x4] =	stream.linear.gather [hbm4b:s30+s3], $0xC0, $0x38;
	v63 =	vld [tilespmem:$0x0]  }
0x83: {  	_ =	swait.ge [sflag:s20], $0xC0  }
0x84: {  	[sflag:s20] =	ssyncset.done $0x0  }
0x85: {  	[sflag:s20] =	ssyncadd.s32 $0xFFFFFF40  }
0x86: {  	[tilespmem:s15], [sflag:$0x5] =	stream.indirect.gather [hbm4b:s4+s21], $0x80, s3, s21, $0xb8;
	v63 =	vld [tilespmem:$0x0]  }
0x87: {  	_ =	swait.ge [sflag:s22], $0xC0  }
0x88: {  	[sflag:s22] =	ssyncset.done $0x0  }
0x89: {  	[sflag:s22] =	ssyncadd.s32 $0xFFFFFF40  }
0x8a: {  	[tilespmem:s23], [sflag:$0x6] =	stream.indirect.gather [hbm4b:s4+s21], $0x80, s18, s21, $0xb8;
	v63 =	vld [tilespmem:$0x0]  }
0x8b: {  	_ =	swait.ge [sflag:s24], $0x6000  }
0x8c: {  	[sflag:s24] =	ssyncset.done $0x0  }
0x8d: {  	[sflag:s24] =	ssyncadd.s32 $0xFFFFA000  }
0x8e: {  	_ =	swait.ge [sflag:s25], $0xC0  }
0x8f: {  	[sflag:s25] =	ssyncset.done $0x0  }
0x90: {  	[sflag:s25] =	ssyncadd.s32 $0xFFFFFF40  }
0x91: {  	[spmem:s1] =	stream.indirect.scatter.add.f32 [tilespmem:s15], [sflag:$0x7], $0x80, s17, s21, $0xb8;
	v63 =	vld [tilespmem:$0x0]  }
0x92: {  	_ =	swait.ge [sflag:s16], $0x6000  }
0x93: {  	[sflag:s16] =	ssyncset.done $0x0  }
0x94: {  	[sflag:s16] =	ssyncadd.s32 $0xFFFFA000  }
0x95: {  	_ =	swait.ge [sflag:s26], $0x6000  }
0x96: {  	[sflag:s26] =	ssyncset.done $0x0  }
0x97: {  	[sflag:s26] =	ssyncadd.s32 $0xFFFFA000  }
0x98: {  	_ =	swait.ge [sflag:s28], $0xC0  }
0x99: {  	[sflag:s28] =	ssyncset.done $0x0  }
0x9a: {  	[sflag:s28] =	ssyncadd.s32 $0xFFFFFF40  }
0x9b: {  	[spmem:s1] =	stream.indirect.scatter.add.f32 [tilespmem:s23], [sflag:$0x7], $0x80, s19, s21, $0xb8;
	v63 =	vld [tilespmem:$0x0]  }
0x9c: {  	s31 =	stileid.u32;
	_ =	swait.ge [sflag:s16], $0x6000  }
0x9d: {  	s29 =	sadd.s32 $0x1, s29;
	s0 =	sshll.u32 s31, $0x6;
	[sflag:s16] =	ssyncset.done $0x0  }
0x9e: {  	p0 =	sne.s32 s29, s10;
	s0 =	sor.u32 $0x1C07, s0;
	[sflag:s16] =	ssyncadd.s32 $0xFFFFA000  }
.Ltmp2:
0x9f: {  	s2 =	sshrl.u32 s5, $0x3;
	[bflag:$0x0] =	sbarrier.arrive $0xFFFF;
	(pc) =	sbr.rel @p0 .LBB2_1-.Ltmp2, $4  }
0xa0: {  	[hbm:s9], [sflag:s0] =	dma.local [spmem:s2], $0x2780  }
0xa1: {  	_ =	swait.ge [sflag:s16], $0x2780  }
0xa2: {  	[sflag:s16] =	ssyncset.done $0x0  }
0xa3: {  	[sflag:s16] =	ssyncadd.s32 $0xFFFFD880  }
0xa4: {  	_ =	sfence.sel $0x180000  }
0xa5: {  	[bflag:$0x0] =	sbarrier.arrive $0xFFFF  }
0xa6: {  	_ =	strace $0x90000047  }
0xa7: {  	s0 =	stileid.u32;
	[bflag:$0x2] =	sbarrier.arrive $0xFFFF  }
0xa8: {  	p0 =	sne.s32 s0, $0x0;
	s0 =	rddreg [dreg:$0x2]  }
0xa9: {  	s0 =	sadd.s32 @!p0 $0x100000, s0  }
0xaa: {  	[sflag:s0] =	ssyncadd.tile.s32 @!p0 $0x1;
	_ =	shalt  }
.Lfunc_end2:
_tile_overlayer_lowered:
.L_overlay_start_2:
0xab: {  	(tag) =	ssettag $0x2  }
0xac: {  	s0 =	rddreg [dreg:$0x0];
	s2 =	stileid.u32  }
0xad: {  	s1 =	rddreg [dreg:$0x1];
	p0 =	sne.s32 s2, $0x0  }
0xae: {  	s3 =	rddreg [dreg:$0x2];
	[bflag:$0x3] =	sbarrier.arrive $0xFFFF;
	s2 =	simm.s32 @!p0 $0x1C07  }
0xaf: {  	[timem:s3], [sflag:s2] =	dma.local @!p0 [hbm:s0], s1  }
0xb0: {  	s0 =	simm.s32 @!p0 $0x7  }
0xb1: {  	_ =	swait.ge @!p0 [sflag:s0], s1  }
0xb2: {  	s1 =	ssub.s32 @!p0 $0x0, s1;
	[sflag:s0] =	ssyncset.done @!p0 $0x0  }
0xb3: {  	[sflag:s0] =	ssyncadd.s32 @!p0 s1  }
0xb4: {  	[bflag:$0x3] =	sbarrier.arrive $0xFFFF  }
0xb5: {  	_ =	shalt  }

// kernel: kernel.15.cloned.1.call-start
scs
__scs_entry_jumppad:
0x0: {  	(pc) =	sbr.rel $0x88, $3  }
0x1: {  	(tag) =	ssettag $0x0;
	lr =	simm.s32 $0x1  }
0x2: {  	[smem:$0x3F94] =	sst lr;
	_ =	strace $0xD0000000  }
0x3: {  	_ = 	snop  }
0x4: {  	_ = 	snop  }
0x5: {  	_ = 	snop  }
0x6: {  	_ = 	snop  }
0x7: {  	_ = 	snop  }
__scs_overlays_trampoline_lowered:
0x8: {  	[smem:$0x3FA3] =	sst s0  }
0x9: {  	[smem:$0x3FA4] =	sst s1  }
0xa: {  	[smem:$0x3FA5] =	sst s2  }
0xb: {  	[smem:$0x3FA6] =	sst s3  }
0xc: {  	[smem:$0x3FA7] =	sst s4  }
0xd: {  	[smem:$0x3FA8] =	sst s5  }
0xe: {  	[smem:$0x3FA9] =	sst s6  }
0xf: {  	[smem:$0x3FAA] =	sst s7  }
0x10: {  	[smem:$0x3FAB] =	sst s8  }
0x11: {  	[smem:$0x3FAC] =	sst s9;
	s0 =	simm.s32 @!p0 $0x0  }
0x12: {  	s1 =	sld [smem:$0x3F92];
	s0 =	simm.s32 @p0 $0x1  }
0x13: {  	[smem:$0x3FAD] =	sst s0;
	s0 =	simm.s32 @!p1 $0x0  }
0x14: {  	s2 =	sld [smem:$0x3F91];
	s0 =	simm.s32 @p1 $0x1  }
0x15: {  	[smem:$0x3FAE] =	sst s0;
	s0 =	simm.s32 @!p2 $0x0  }
0x16: {  	s3 =	sld [smem:$0x3FDB];
	s0 =	simm.s32 @p2 $0x1  }
0x17: {  	s4 =	simm.s32 $0x1BF5;
	[smem:$0x3FB0] =	sst s0  }
0x18: {  	s0 =	sld [smem:$0x3F93];
	_ =	swait.ge [sflag:s4], $0x0  }
0x19: {  	s7 =	sld [smem:$0x3F94]  }
0x1a: {  	s8 =	sadd.s32 $0xFFFFE003, lr  }
0x1b: {  	s9 =	sadd.s32 $0xFFFFFEF7, lr;
	s5 =	simm.s32 $0xFFFFFFFF;
	p2 =	slt.u32 s8, $0xFFFFF086  }
0x1c: {  	p1 =	slt.u32 s9, $0xF7A;
	s5 =	simm.s32 @!p2 $0x0  }
0x1d: {  	s5 =	simm.s32 @p1 $0x1;
	p0 =	seq.s32 s7, s2  }
0x1e: {  	s7 =	smul.u32 @!p0 $0xF7A, s2;
	p2 =	seq.s32 @!p0 s5, $0x0  }
0x1f: {  	s9 =	smul.u32 $0xF7A, s1;
	s8 =	simm.s32 @!p0 $0x1BF5;
	p2 =	por !p2, p0  }
0x20: {  	[sflag:s8] =	ssyncset.s32 @!p0 $0xFFFFF086;
	s6 =	sadd.s32 @!p0 s3, s7;
	s7 =	simm.s32 @!p0 $0x108  }
0x21: {  	s3 =	sadd.s32 s3, s9;
	s6 =	sadd.s32 @!p0 $0x88, s6;
	s7 =	simm.s32 @p2 $0x1082  }
0x22: {  	[simem:s7], [sflag:s8] =	dma.local @!p0 [hbm:s6], $0xF7A  }
0x23: {  	s9 =	sor.u32 $0xD0000000, s2;
	s6 =	simm.s32 $0x108;
	_ =	swait.ge @!p0 [sflag:s8], $0x0  }
0x24: {  	s3 =	sadd.s32 $0x88, s3;
	s6 =	simm.s32 @!p1 $0x1082;
	[sflag:s4] =	ssyncset.s32 $0xFFFFF086  }
0x25: {  	[simem:s6], [sflag:s4] =	dma.local [hbm:s3], $0xF7A  }
0x26: {  	[smem:$0x3F94] =	sst s1;
	(tag) =	ssettag s2;
	_ =	strace s9  }
0x27: {  	s1 =	sld [smem:$0x3FA4]  }
0x28: {  	s2 =	sld [smem:$0x3FA5]  }
0x29: {  	s4 =	sld [smem:$0x3FA7]  }
0x2a: {  	p0 =	seq.s32 s5, $0x0;
	s5 =	sld [smem:$0x3FA8]  }
0x2b: {  	s6 =	sld [smem:$0x3FA9]  }
0x2c: {  	s7 =	sld [smem:$0x3FAA]  }
0x2d: {  	s3 =	simm.s32 $0x108;
	s8 =	sld [smem:$0x3FAB]  }
0x2e: {  	s3 =	simm.s32 @!p0 $0x1082;
	s9 =	sld [smem:$0x3FAC]  }
0x2f: {  	lr =	sadd.s32 s0, s3;
	s0 =	sld [smem:$0x3FA3]  }
0x30: {  	s3 =	sld [smem:$0x3FA6]  }
0x31: {  	[smem:$0x3FAF] =	sst s10  }
0x32: {  	s10 =	sld [smem:$0x3FAD];
	_ =	sdelay $0x3  }
0x33: {  	p0 =	seq.s32 s10, $0x1;
	s10 =	sld [smem:$0x3FAF];
	_ =	sdelay $0x3  }
0x34: {  	[smem:$0x3FAF] =	sst s10  }
0x35: {  	s10 =	sld [smem:$0x3FAE];
	_ =	sdelay $0x3  }
0x36: {  	p1 =	seq.s32 s10, $0x1;
	s10 =	sld [smem:$0x3FAF];
	_ =	sdelay $0x3  }
0x37: {  	[smem:$0x3FAF] =	sst s10  }
0x38: {  	s10 =	sld [smem:$0x3FB0]  }
0x39: {  	_ = 	snop;
	(pc) =	sbr.ind lr, $3  }
0x3a: {  	_ = 	snop  }
0x3b: {  	_ = 	snop  }
0x3c: {  	p2 =	seq.s32 s10, $0x1;
	s10 =	sld [smem:$0x3FAF]  }
0x3d: {  	_ =	shalt  }
0x3e: {  	_ =	shalt  }
0x3f: {  	_ =	shalt  }
0x40: {  	_ =	shalt  }
0x41: {  	_ =	shalt  }
0x42: {  	_ =	shalt  }
0x43: {  	_ =	shalt  }
0x44: {  	_ =	shalt  }
0x45: {  	_ =	shalt  }
0x46: {  	_ =	shalt  }
0x47: {  	_ =	shalt  }
0x48: {  	_ =	shalt  }
0x49: {  	_ =	shalt  }
0x4a: {  	_ =	shalt  }
0x4b: {  	_ =	shalt  }
0x4c: {  	_ =	shalt  }
0x4d: {  	_ =	shalt  }
0x4e: {  	_ =	shalt  }
0x4f: {  	_ =	shalt  }
0x50: {  	_ =	shalt  }
0x51: {  	_ =	shalt  }
0x52: {  	_ =	shalt  }
0x53: {  	_ =	shalt  }
0x54: {  	_ =	shalt  }
0x55: {  	_ =	shalt  }
0x56: {  	_ =	shalt  }
0x57: {  	_ =	shalt  }
0x58: {  	_ =	shalt  }
0x59: {  	_ =	shalt  }
0x5a: {  	_ =	shalt  }
0x5b: {  	_ =	shalt  }
0x5c: {  	_ =	shalt  }
0x5d: {  	_ =	shalt  }
0x5e: {  	_ =	shalt  }
0x5f: {  	_ =	shalt  }
0x60: {  	_ =	shalt  }
0x61: {  	_ =	shalt  }
0x62: {  	_ =	shalt  }
0x63: {  	_ =	shalt  }
0x64: {  	_ =	shalt  }
0x65: {  	_ =	shalt  }
0x66: {  	_ =	shalt  }
0x67: {  	_ =	shalt  }
0x68: {  	_ =	shalt  }
0x69: {  	_ =	shalt  }
0x6a: {  	_ =	shalt  }
0x6b: {  	_ =	shalt  }
0x6c: {  	_ =	shalt  }
0x6d: {  	_ =	shalt  }
0x6e: {  	_ =	shalt  }
0x6f: {  	_ =	shalt  }
0x70: {  	_ =	shalt  }
0x71: {  	_ =	shalt  }
0x72: {  	_ =	shalt  }
0x73: {  	_ =	shalt  }
0x74: {  	_ =	shalt  }
0x75: {  	_ =	shalt  }
0x76: {  	_ =	shalt  }
0x77: {  	_ =	shalt  }
0x78: {  	_ =	shalt  }
0x79: {  	_ =	shalt  }
0x7a: {  	_ =	shalt  }
0x7b: {  	_ =	shalt  }
0x7c: {  	_ =	shalt  }
0x7d: {  	_ =	shalt  }
0x7e: {  	_ =	shalt  }
0x7f: {  	_ =	shalt  }
0x80: {  	_ =	shalt  }
0x81: {  	_ =	shalt  }
0x82: {  	_ =	shalt  }
0x83: {  	_ =	shalt  }
0x84: {  	_ =	shalt  }
0x85: {  	_ =	shalt  }
0x86: {  	_ =	shalt  }
0x87: {  	_ =	shalt  }
.Lfunc_end0:
.L_simem_size_0:
called_computation.2_lowered:
.L_overlay_start_0:
0x88: {  	s2 =	sld [smem:$0x3FD9]  }
0x89: {  	s3 =	sld [smem:$0x3FFE];
	_ =	sdelay $0x1  }
0x8a: {  	s1 =	srdreg.scid  }
0x8b: {  	s0 =	sand.u32 $0x1, s1  }
0x8c: {  	s16 =	sshll.u32 s0, $0xA;
	s2 =	sadd.s32 s3, s2  }
0x8d: {  	s2 =	sadd.s32 s2, s16  }
0x8e: {  	[smem:$0x3FBB] =	sst s2  }
0x8f: {  	_ = 	snop  }
0x90: {  	(tm) =	ssettm $0x1  }
0x91: {  	s17 =	sld [smem:$0x3FFB];
	_ =	sdelay $0x3  }
0x92: {  	_ =	strace s17  }
0x93: {  	s2 =	sld [smem:$0x3FFC];
	_ =	sdelay $0x3  }
0x94: {  	_ =	strace s2  }
0x95: {  	s2 =	sld [smem:$0x3FFD];
	_ =	sdelay $0x3  }
0x96: {  	_ =	strace s2  }
0x97: {  	_ =	strace $0x8FFFFFFF  }
0x98: {  	s18 =	sld [smem:$0x3FDB];
	_ =	sdelay $0x1  }
0x99: {  	s19 =	simm.s32 $_scs_section_size  }
0x9a: {  	s4 =	simm.s32 $_size__tile_overlayer_lowered;
	s5 =	simm.s32 $_tile_overlayer_lowered  }
0x9b: {  	s22 =	simm.s32 $0x1BFF;
	s21 =	sshll.u32 s5, $0x1;
	s2 =	sadd.s32 s19, s18  }
0x9c: {  	s6 =	simm.s32 $0x0;
	s20 =	sshll.u32 s4, $0x1;
	s4 =	sadd.s32 s21, s2  }
0x9d: {  	[timem:s6], [sflag:s22] =	dma.local [hbm:s4], s20  }
0x9e: {  	_ =	swait.ge [sflag:s22], s20  }
0x9f: {  	s3 =	ssub.s32 $0x0, s20;
	[sflag:s22] =	ssyncset.done $0x0  }
0xa0: {  	[sflag:s22] =	ssyncadd.s32 s3;
	_ =	sdelay $0x1  }
0xa1: {  	s23 =	simm.s32 $0x1B8B  }
0xa2: {  	_ =	swait.ge [sflag:s23], $0x1  }
0xa3: {  	[sflag:s23] =	ssyncset.done $0x0  }
0xa4: {  	s25 =	simm.s32 $0x1B8E;
	s24 =	sld [smem:$0x3FFE];
	[sflag:s23] =	ssyncadd.s32 $0xFFFFFFFF  }
0xa5: {  	s26 =	simm.s32 $execute0_lowered;
	[smem:$0x3FD2] =	sst s25  }
0xa6: {  	s4 =	sshll.u32 s26, $0x1;
	_ =	strace $0x8000004C;
	[dreg:$0x1] =	wrdreg $0xFFFFFFFF  }
0xa7: {  	s28 =	simm.s32 $_size_execute0_lowered;
	s2 =	sadd.s32 s2, s4;
	[dreg:$0x0] =	wrdreg $0x0  }
0xa8: {  	s4 =	sshll.u32 s28, $0x1;
	[dreg:$0x2] =	wrdreg s2  }
0xa9: {  	[dreg:$0x3] =	wrdreg s4  }
0xaa: {  	[dreg:$0x4] =	wrdreg $0xC0  }
0xab: {  	_ =	task [dreg:s6], $0x5FFFF  }
0xac: {  	[dreg:$0x1] =	wrdreg $0xFFFFFFFF  }
0xad: {  	[dreg:$0x0] =	wrdreg $0x60  }
0xae: {  	[dreg:$0x2] =	wrdreg s24  }
0xaf: {  	[dreg:$0x3] =	wrdreg $0xC4000  }
0xb0: {  	[dreg:$0x4] =	wrdreg $0x9  }
0xb1: {  	_ =	task.clear_ibuf [dreg:s6], $0x5FFFF;
	_ =	strace $0x9000004C  }
0xb2: {  	s29 =	simm.s32 $0x9;
	_ =	strace $0x8000004E  }
0xb3: {  	_ =	swait.ge [sflag:s29], $0x1  }
0xb4: {  	[sflag:s29] =	ssyncadd.s32 $0xFFFFFFFF  }
0xb5: {  	_ =	strace $0x9000004E  }
0xb6: {  	_ =	sfence  }
0xb7: {  	s30 =	sld [smem:$0x0];
	_ =	sdelay $0x2  }
0xb8: {  	s31 =	sshll.u32 s1, $0xD;
	s1 =	sshrl.u32 s1, $0x2  }
0xb9: {  	s3 =	sand.u32 $0x4000, s31;
	s1 =	sadd.s32 s1, s30  }
0xba: {  	s0 =	sor.u32 s3, s0;
	s1 =	sshll.u32 s1, $0x11  }
0xbb: {  	s0 =	sor.u32 s1, s0  }
0xbc: {  	s0 =	sadd.s32 $0x8F2B, s0  }
0xbd: {  	[sflag:s0] =	ssyncadd.remote.s32 $0x1  }
0xbe: {  	_ =	sfence.sel $0xFFFF  }
0xbf: {  	[dreg:$0x0] =	wrdreg $0xFFFFFFFF;
	(pc) =	sbr.abs _section_cstart, $3  }
0xc0: {  	[dreg:$0x1] =	wrdreg $0xFFFFFFFF  }
0xc1: {  	_ =	task.clear_ibuf [dreg:s6], $0x2FFFF;
	_ =	strace $0x9FFFFFFF  }
0xc2: {  	(tm) =	ssettm $0x7FFFFFFF  }
0xc3: {  	_ =	shalt  }
tec
execute0_lowered:
.L_overlay_start_1:
0x0: {  	(tag) =	ssettag $0x1  }
0x1: {  	s0 =	rddreg [dreg:$0x0]  }
0x2: {  	s1 =	rddreg [dreg:$0x1];
	s2 =	srdreg.scid;
	s3 =	simm.s32 $0x0  }
0x3: {  	s24 =	stileid.u32;
	s16 =	simm.s32 $0x7;
	s17 =	simm.s32 $0x200  }
0x4: {  	s18 =	simm.s32 $0x100;
	s19 =	simm.s32 $0x300;
	s20 =	simm.s32 $0x1  }
0x5: {  	s21 =	simm.s32 $0xC0;
	s22 =	simm.s32 $0x2;
	s23 =	simm.s32 $0x6400  }
0x6: {  	s28 =	simm.s32 $0x4;
	s29 =	simm.s32 $0x0;
	s7 =	smul.u32 $0x13C00, s24  }
0x7: {  	s5 =	sand.u32 $0x1, s2;
	[smem:$0x7FF] =	sst s3;
	s25 =	smul.u32 $0x4F000, s24  }
0x8: {  	s4 =	sadd.s32 $0x3600, s0;
	s14 =	sadd.s32 $0x2AE00, s0;
	s10 =	smul.u32 $0x2880, s24  }
0x9: {  	s13 =	sadd.s32 $0x35000, s0;
	s24 =	simm.s32 $0x5;
	s6 =	smul.u32 $0x13C000, s5  }
0xa: {  	_ =	strace $0x8000004D;
	s8 =	ssub.s32 $0x2, s5;
	s9 =	smul.u32 $0x28800, s5  }
0xb: {  	s26 =	sshrl.u32 s8, $0x1;
	s6 =	sadd.s32 s7, s6;
	s7 =	sshrl.u32 s25, $0x2  }
0xc: {  	s11 =	ssub.s32 s8, s26;
	s12 =	sadd.s32 s10, s9;
	s25 =	simm.s32 $0x3  }
0xd: {  	s26 =	simm.s32 $0x6;
	s6 =	sshrl.u32 s6, $0x3;
	s5 =	sadd.s32 s7, s1  }
0xe: {  	s31 =	sadd.s32 $0xC0, s12;
	s10 =	smax.u32 s11, $0x1;
	s15 =	sshrl.u32 s12, $0x3  }
0xf: {  	s0 =	sadd.s32 s6, s0;
	s30 =	sadd.s32 $0x6000, s5;
	s7 =	sadd.s32 $0xC000, s5  }
0x10: {  	s8 =	sadd.s32 $0x12000, s5;
	s9 =	sadd.s32 $0x3F200, s0;
	s0 =	sshrl.u32 s31, $0x3  }
0x11: {  	[dreg:$0x3] =	wrdreg s30;
	s11 =	sadd.s32 s0, s13;
	s12 =	sadd.s32 s0, s14  }
0x12: {  	v0 =	vimm.f32 $0.0e+00;
	s13 =	sadd.s32 s15, s13;
	s14 =	sadd.s32 s15, s14;
	s15 =	simm.s32 $0x400  }
.LBB2_1:
0x13: {  	s30 =	simm.s32 $0x0;
	s31 =	simm.s32 $0x200  }
.LBB2_2:
0x14: {  	p0 =	sne.s32 s31, $0x17E00;
	[tilespmem:s30+$0x470] =	vst v0  }
0x15: {  	[tilespmem:s30+$0x400] =	vst v0  }
0x16: {  	[tilespmem:s30+$0x410] =	vst v0  }
.Ltmp0:
0x17: {  	[tilespmem:s30+$0x420] =	vst v0;
	(pc) =	sbr.rel @p0 .LBB2_2-.Ltmp0, $4  }
0x18: {  	[tilespmem:s30+$0x430] =	vst v0  }
0x19: {  	[tilespmem:s30+$0x440] =	vst v0  }
0x1a: {  	[tilespmem:s30+$0x450] =	vst v0  }
0x1b: {  	[tilespmem:s30+$0x460] =	vst v0;
	s30 =	sshra.s32 s31, $0x2;
	s31 =	sadd.s32 $0x200, s31  }
0x1c: {  	[tilespmem:s30+$0x470] =	vst v0  }
0x1d: {  	[tilespmem:s30+$0x400] =	vst v0  }
0x1e: {  	[tilespmem:s30+$0x410] =	vst v0  }
0x1f: {  	[tilespmem:s30+$0x420] =	vst v0  }
0x20: {  	[tilespmem:s30+$0x430] =	vst v0  }
0x21: {  	[tilespmem:s30+$0x440] =	vst v0  }
0x22: {  	[tilespmem:s30+$0x450] =	vst v0  }
0x23: {  	[tilespmem:s30+$0x460] =	vst v0  }
0x24: {  	[spmem:s5] =	stream.linear.scatter [tilespmem:s15], [sflag:$0x7], $0x6000, $0x38;
	v63 =	vld [tilespmem:$0x0]  }
0x25: {  	_ =	swait.ge [sflag:s16], $0x6000  }
0x26: {  	[sflag:s16] =	ssyncset.done $0x0  }
0x27: {  	s0 =	rddreg [dreg:$0x3];
	[sflag:s16] =	ssyncadd.s32 $0xFFFFA000  }
0x28: {  	[spmem:s0] =	stream.linear.scatter [tilespmem:s15], [sflag:$0x7], $0x6000, $0x38;
	v63 =	vld [tilespmem:$0x0]  }
0x29: {  	_ =	swait.ge [sflag:s16], $0x6000  }
0x2a: {  	[sflag:s16] =	ssyncset.done $0x0  }
0x2b: {  	[sflag:s16] =	ssyncadd.s32 $0xFFFFA000  }
0x2c: {  	[spmem:s7] =	stream.linear.scatter [tilespmem:s15], [sflag:$0x7], $0x6000, $0x38;
	v63 =	vld [tilespmem:$0x0]  }
0x2d: {  	_ =	swait.ge [sflag:s16], $0x6000  }
0x2e: {  	[sflag:s16] =	ssyncset.done $0x0  }
0x2f: {  	[sflag:s16] =	ssyncadd.s32 $0xFFFFA000  }
0x30: {  	[spmem:s8] =	stream.linear.scatter [tilespmem:s15], [sflag:$0x7], $0x1C00, $0x38;
	v63 =	vld [tilespmem:$0x0]  }
0x31: {  	_ =	swait.ge [sflag:s16], $0x1C00  }
0x32: {  	[sflag:s16] =	ssyncset.done $0x0  }
0x33: {  	[sflag:s16] =	ssyncadd.s32 $0xFFFFE400  }
0x34: {  	s2 =	sadd.s32 $0x0, s14;
	[bflag:$0x0] =	sbarrier.arrive $0xFFFF  }
0x35: {  	[tilespmem:s3], [sflag:$0x1] =	stream.linear.gather [hbm4b:s2+s3], $0xC0, $0x38;
	v63 =	vld [tilespmem:$0x0]  }
0x36: {  	s6 =	sadd.s32 $0x0, s13  }
0x37: {  	[tilespmem:s17], [sflag:$0x3] =	stream.linear.gather [hbm4b:s6+s3], $0xC0, $0x38;
	v63 =	vld [tilespmem:$0x0]  }
0x38: {  	s2 =	sadd.s32 $0x0, s12  }
0x39: {  	[tilespmem:s18], [sflag:$0x2] =	stream.linear.gather [hbm4b:s2+s3], $0xC0, $0x38;
	v63 =	vld [tilespmem:$0x0]  }
0x3a: {  	s6 =	sadd.s32 $0x0, s11  }
0x3b: {  	[tilespmem:s19], [sflag:$0x4] =	stream.linear.gather [hbm4b:s6+s3], $0xC0, $0x38;
	v63 =	vld [tilespmem:$0x0]  }
0x3c: {  	_ =	swait.ge [sflag:s20], $0xC0  }
0x3d: {  	[sflag:s20] =	ssyncset.done $0x0  }
0x3e: {  	[sflag:s20] =	ssyncadd.s32 $0xFFFFFF40  }
0x3f: {  	[tilespmem:s15], [sflag:$0x5] =	stream.indirect.gather [hbm4b:s4+s21], $0x80, s3, s21, $0xb8;
	v63 =	vld [tilespmem:$0x0]  }
0x40: {  	_ =	swait.ge [sflag:s22], $0xC0  }
0x41: {  	[sflag:s22] =	ssyncset.done $0x0  }
0x42: {  	[sflag:s22] =	ssyncadd.s32 $0xFFFFFF40  }
0x43: {  	[tilespmem:s23], [sflag:$0x6] =	stream.indirect.gather [hbm4b:s4+s21], $0x80, s18, s21, $0xb8;
	v63 =	vld [tilespmem:$0x0]  }
0x44: {  	_ =	swait.ge [sflag:s24], $0x6000  }
0x45: {  	[sflag:s24] =	ssyncset.done $0x0  }
0x46: {  	[sflag:s24] =	ssyncadd.s32 $0xFFFFA000  }
0x47: {  	_ =	swait.ge [sflag:s25], $0xC0  }
0x48: {  	[sflag:s25] =	ssyncset.done $0x0  }
0x49: {  	[sflag:s25] =	ssyncadd.s32 $0xFFFFFF40  }
0x4a: {  	[spmem:s1] =	stream.indirect.scatter.add.f32 [tilespmem:s15], [sflag:$0x7], $0x80, s17, s21, $0xb8;
	v63 =	vld [tilespmem:$0x0]  }
0x4b: {  	_ =	swait.ge [sflag:s16], $0x6000  }
0x4c: {  	[sflag:s16] =	ssyncset.done $0x0  }
0x4d: {  	[sflag:s16] =	ssyncadd.s32 $0xFFFFA000  }
0x4e: {  	_ =	swait.ge [sflag:s26], $0x6000  }
0x4f: {  	[sflag:s26] =	ssyncset.done $0x0  }
0x50: {  	[sflag:s26] =	ssyncadd.s32 $0xFFFFA000  }
0x51: {  	_ =	swait.ge [sflag:s28], $0xC0  }
0x52: {  	[sflag:s28] =	ssyncset.done $0x0  }
0x53: {  	[sflag:s28] =	ssyncadd.s32 $0xFFFFFF40  }
0x54: {  	[spmem:s1] =	stream.indirect.scatter.add.f32 [tilespmem:s23], [sflag:$0x7], $0x80, s19, s21, $0xb8;
	v63 =	vld [tilespmem:$0x0]  }
0x55: {  	_ =	swait.ge [sflag:s16], $0x6000  }
0x56: {  	s30 =	simm.s32 $0x30;
	s31 =	simm.s32 $0x60;
	[sflag:s16] =	ssyncset.done $0x0  }
.LBB2_4:
0x57: {  	s2 =	sadd.s32 s30, s14  }
0x58: {  	[sflag:s16] =	ssyncadd.s32 $0xFFFFA000;
	s6 =	smov.u32 s31;
	s0 =	sadd.s32 $0x30, s31  }
0x59: {  	[tilespmem:s3], [sflag:$0x1] =	stream.linear.gather [hbm4b:s2+s3], $0xC0, $0x38;
	v63 =	vld [tilespmem:$0x0]  }
0x5a: {  	p0 =	sne.s32 s31, $0x4E0;
	s2 =	sadd.s32 s30, s13  }
0x5b: {  	[tilespmem:s17], [sflag:$0x3] =	stream.linear.gather [hbm4b:s2+s3], $0xC0, $0x38;
	v63 =	vld [tilespmem:$0x0]  }
0x5c: {  	s2 =	sadd.s32 s30, s12  }
0x5d: {  	[tilespmem:s18], [sflag:$0x2] =	stream.linear.gather [hbm4b:s2+s3], $0xC0, $0x38;
	v63 =	vld [tilespmem:$0x0]  }
0x5e: {  	s2 =	sadd.s32 s30, s11;
	s30 =	smov.u32 s6  }
0x5f: {  	[tilespmem:s19], [sflag:$0x4] =	stream.linear.gather [hbm4b:s2+s3], $0xC0, $0x38;
	v63 =	vld [tilespmem:$0x0]  }
0x60: {  	_ =	swait.ge [sflag:s20], $0xC0  }
0x61: {  	[sflag:s20] =	ssyncset.done $0x0  }
0x62: {  	[sflag:s20] =	ssyncadd.s32 $0xFFFFFF40  }
0x63: {  	[tilespmem:s15], [sflag:$0x5] =	stream.indirect.gather [hbm4b:s4+s21], $0x80, s3, s21, $0xb8;
	v63 =	vld [tilespmem:$0x0]  }
0x64: {  	_ =	swait.ge [sflag:s22], $0xC0  }
0x65: {  	[sflag:s22] =	ssyncset.done $0x0  }
0x66: {  	[sflag:s22] =	ssyncadd.s32 $0xFFFFFF40  }
0x67: {  	[tilespmem:s23], [sflag:$0x6] =	stream.indirect.gather [hbm4b:s4+s21], $0x80, s18, s21, $0xb8;
	v63 =	vld [tilespmem:$0x0]  }
0x68: {  	_ =	swait.ge [sflag:s24], $0x6000  }
0x69: {  	[sflag:s24] =	ssyncset.done $0x0  }
0x6a: {  	[sflag:s24] =	ssyncadd.s32 $0xFFFFA000  }
0x6b: {  	_ =	swait.ge [sflag:s25], $0xC0  }
0x6c: {  	[sflag:s25] =	ssyncset.done $0x0  }
0x6d: {  	[sflag:s25] =	ssyncadd.s32 $0xFFFFFF40  }
0x6e: {  	[spmem:s1] =	stream.indirect.scatter.add.f32 [tilespmem:s15], [sflag:$0x7], $0x80, s17, s21, $0xb8;
	v63 =	vld [tilespmem:$0x0]  }
0x6f: {  	_ =	swait.ge [sflag:s16], $0x6000  }
0x70: {  	[sflag:s16] =	ssyncset.done $0x0  }
0x71: {  	[sflag:s16] =	ssyncadd.s32 $0xFFFFA000  }
0x72: {  	_ =	swait.ge [sflag:s26], $0x6000  }
0x73: {  	[sflag:s26] =	ssyncset.done $0x0  }
0x74: {  	[sflag:s26] =	ssyncadd.s32 $0xFFFFA000  }
0x75: {  	_ =	swait.ge [sflag:s28], $0xC0  }
.Ltmp1:
0x76: {  	[sflag:s28] =	ssyncset.done $0x0;
	(pc) =	sbr.rel @p0 .LBB2_4-.Ltmp1, $4  }
0x77: {  	[sflag:s28] =	ssyncadd.s32 $0xFFFFFF40  }
0x78: {  	[spmem:s1] =	stream.indirect.scatter.add.f32 [tilespmem:s23], [sflag:$0x7], $0x80, s19, s21, $0xb8;
	v63 =	vld [tilespmem:$0x0]  }
0x79: {  	_ =	swait.ge [sflag:s16], $0x6000  }
0x7a: {  	s31 =	smov.u32 s0;
	[sflag:s16] =	ssyncset.done $0x0  }
0x7b: {  	s0 =	sadd.s32 s30, s14;
	[sflag:s16] =	ssyncadd.s32 $0xFFFFA000  }
0x7c: {  	[tilespmem:s3], [sflag:$0x1] =	stream.linear.gather [hbm4b:s0+s3], $0xC0, $0x38;
	v63 =	vld [tilespmem:$0x0]  }
0x7d: {  	s2 =	sadd.s32 s30, s13  }
0x7e: {  	[tilespmem:s17], [sflag:$0x3] =	stream.linear.gather [hbm4b:s2+s3], $0xC0, $0x38;
	v63 =	vld [tilespmem:$0x0]  }
0x7f: {  	s6 =	sadd.s32 s30, s12  }
0x80: {  	[tilespmem:s18], [sflag:$0x2] =	stream.linear.gather [hbm4b:s6+s3], $0xC0, $0x38;
	v63 =	vld [tilespmem:$0x0]  }
0x81: {  	s30 =	sadd.s32 s30, s11  }
0x82: {  	[tilespmem:s19], [sflag:$0x4] =	stream.linear.gather [hbm4b:s30+s3], $0xC0, $0x38;
	v63 =	vld [tilespmem:$0x0]  }
0x83: {  	_ =	swait.ge [sflag:s20], $0xC0  }
0x84: {  	[sflag:s20] =	ssyncset.done $0x0  }
0x85: {  	[sflag:s20] =	ssyncadd.s32 $0xFFFFFF40  }
0x86: {  	[tilespmem:s15], [sflag:$0x5] =	stream.indirect.gather [hbm4b:s4+s21], $0x80, s3, s21, $0xb8;
	v63 =	vld [tilespmem:$0x0]  }
0x87: {  	_ =	swait.ge [sflag:s22], $0xC0  }
0x88: {  	[sflag:s22] =	ssyncset.done $0x0  }
0x89: {  	[sflag:s22] =	ssyncadd.s32 $0xFFFFFF40  }
0x8a: {  	[tilespmem:s23], [sflag:$0x6] =	stream.indirect.gather [hbm4b:s4+s21], $0x80, s18, s21, $0xb8;
	v63 =	vld [tilespmem:$0x0]  }
0x8b: {  	_ =	swait.ge [sflag:s24], $0x6000  }
0x8c: {  	[sflag:s24] =	ssyncset.done $0x0  }
0x8d: {  	[sflag:s24] =	ssyncadd.s32 $0xFFFFA000  }
0x8e: {  	_ =	swait.ge [sflag:s25], $0xC0  }
0x8f: {  	[sflag:s25] =	ssyncset.done $0x0  }
0x90: {  	[sflag:s25] =	ssyncadd.s32 $0xFFFFFF40  }
0x91: {  	[spmem:s1] =	stream.indirect.scatter.add.f32 [tilespmem:s15], [sflag:$0x7], $0x80, s17, s21, $0xb8;
	v63 =	vld [tilespmem:$0x0]  }
0x92: {  	_ =	swait.ge [sflag:s16], $0x6000  }
0x93: {  	[sflag:s16] =	ssyncset.done $0x0  }
0x94: {  	[sflag:s16] =	ssyncadd.s32 $0xFFFFA000  }
0x95: {  	_ =	swait.ge [sflag:s26], $0x6000  }
0x96: {  	[sflag:s26] =	ssyncset.done $0x0  }
0x97: {  	[sflag:s26] =	ssyncadd.s32 $0xFFFFA000  }
0x98: {  	_ =	swait.ge [sflag:s28], $0xC0  }
0x99: {  	[sflag:s28] =	ssyncset.done $0x0  }
0x9a: {  	[sflag:s28] =	ssyncadd.s32 $0xFFFFFF40  }
0x9b: {  	[spmem:s1] =	stream.indirect.scatter.add.f32 [tilespmem:s23], [sflag:$0x7], $0x80, s19, s21, $0xb8;
	v63 =	vld [tilespmem:$0x0]  }
0x9c: {  	s31 =	stileid.u32;
	_ =	swait.ge [sflag:s16], $0x6000  }
0x9d: {  	s29 =	sadd.s32 $0x1, s29;
	s0 =	sshll.u32 s31, $0x6;
	[sflag:s16] =	ssyncset.done $0x0  }
0x9e: {  	p0 =	sne.s32 s29, s10;
	s0 =	sor.u32 $0x1C07, s0;
	[sflag:s16] =	ssyncadd.s32 $0xFFFFA000  }
.Ltmp2:
0x9f: {  	s2 =	sshrl.u32 s5, $0x3;
	[bflag:$0x0] =	sbarrier.arrive $0xFFFF;
	(pc) =	sbr.rel @p0 .LBB2_1-.Ltmp2, $4  }
0xa0: {  	[hbm:s9], [sflag:s0] =	dma.local [spmem:s2], $0x2780  }
0xa1: {  	_ =	swait.ge [sflag:s16], $0x2780  }
0xa2: {  	[sflag:s16] =	ssyncset.done $0x0  }
0xa3: {  	[sflag:s16] =	ssyncadd.s32 $0xFFFFD880  }
0xa4: {  	_ =	sfence.sel $0x180000  }
0xa5: {  	[bflag:$0x0] =	sbarrier.arrive $0xFFFF  }
0xa6: {  	_ =	strace $0x9000004D  }
0xa7: {  	s0 =	stileid.u32;
	[bflag:$0x2] =	sbarrier.arrive $0xFFFF  }
0xa8: {  	p0 =	sne.s32 s0, $0x0;
	s0 =	rddreg [dreg:$0x2]  }
0xa9: {  	s0 =	sadd.s32 @!p0 $0x100000, s0  }
0xaa: {  	[sflag:s0] =	ssyncadd.tile.s32 @!p0 $0x1;
	_ =	shalt  }
.Lfunc_end2:
_tile_overlayer_lowered:
.L_overlay_start_2:
0xab: {  	(tag) =	ssettag $0x2  }
0xac: {  	s0 =	rddreg [dreg:$0x0];
	s2 =	stileid.u32  }
0xad: {  	s1 =	rddreg [dreg:$0x1];
	p0 =	sne.s32 s2, $0x0  }
0xae: {  	s3 =	rddreg [dreg:$0x2];
	[bflag:$0x3] =	sbarrier.arrive $0xFFFF;
	s2 =	simm.s32 @!p0 $0x1C07  }
0xaf: {  	[timem:s3], [sflag:s2] =	dma.local @!p0 [hbm:s0], s1  }
0xb0: {  	s0 =	simm.s32 @!p0 $0x7  }
0xb1: {  	_ =	swait.ge @!p0 [sflag:s0], s1  }
0xb2: {  	s1 =	ssub.s32 @!p0 $0x0, s1;
	[sflag:s0] =	ssyncset.done @!p0 $0x0  }
0xb3: {  	[sflag:s0] =	ssyncadd.s32 @!p0 s1  }
0xb4: {  	[bflag:$0x3] =	sbarrier.arrive $0xFFFF  }
0xb5: {  	_ =	shalt  }

// kernel: kernel.18.cloned.1.call-start
scs
__scs_entry_jumppad:
0x0: {  	(pc) =	sbr.rel $0x88, $3  }
0x1: {  	(tag) =	ssettag $0x0;
	lr =	simm.s32 $0x1  }
0x2: {  	[smem:$0x3F94] =	sst lr;
	_ =	strace $0xD0000000  }
0x3: {  	_ = 	snop  }
0x4: {  	_ = 	snop  }
0x5: {  	_ = 	snop  }
0x6: {  	_ = 	snop  }
0x7: {  	_ = 	snop  }
__scs_overlays_trampoline_lowered:
0x8: {  	[smem:$0x3FA3] =	sst s0  }
0x9: {  	[smem:$0x3FA4] =	sst s1  }
0xa: {  	[smem:$0x3FA5] =	sst s2  }
0xb: {  	[smem:$0x3FA6] =	sst s3  }
0xc: {  	[smem:$0x3FA7] =	sst s4  }
0xd: {  	[smem:$0x3FA8] =	sst s5  }
0xe: {  	[smem:$0x3FA9] =	sst s6  }
0xf: {  	[smem:$0x3FAA] =	sst s7  }
0x10: {  	[smem:$0x3FAB] =	sst s8  }
0x11: {  	[smem:$0x3FAC] =	sst s9;
	s0 =	simm.s32 @!p0 $0x0  }
0x12: {  	s1 =	sld [smem:$0x3F92];
	s0 =	simm.s32 @p0 $0x1  }
0x13: {  	[smem:$0x3FAD] =	sst s0;
	s0 =	simm.s32 @!p1 $0x0  }
0x14: {  	s2 =	sld [smem:$0x3F91];
	s0 =	simm.s32 @p1 $0x1  }
0x15: {  	[smem:$0x3FAE] =	sst s0;
	s0 =	simm.s32 @!p2 $0x0  }
0x16: {  	s3 =	sld [smem:$0x3FDB];
	s0 =	simm.s32 @p2 $0x1  }
0x17: {  	s4 =	simm.s32 $0x1BF5;
	[smem:$0x3FB0] =	sst s0  }
0x18: {  	s0 =	sld [smem:$0x3F93];
	_ =	swait.ge [sflag:s4], $0x0  }
0x19: {  	s7 =	sld [smem:$0x3F94]  }
0x1a: {  	s8 =	sadd.s32 $0xFFFFE003, lr  }
0x1b: {  	s9 =	sadd.s32 $0xFFFFFEF7, lr;
	s5 =	simm.s32 $0xFFFFFFFF;
	p2 =	slt.u32 s8, $0xFFFFF086  }
0x1c: {  	p1 =	slt.u32 s9, $0xF7A;
	s5 =	simm.s32 @!p2 $0x0  }
0x1d: {  	s5 =	simm.s32 @p1 $0x1;
	p0 =	seq.s32 s7, s2  }
0x1e: {  	s7 =	smul.u32 @!p0 $0xF7A, s2;
	p2 =	seq.s32 @!p0 s5, $0x0  }
0x1f: {  	s9 =	smul.u32 $0xF7A, s1;
	s8 =	simm.s32 @!p0 $0x1BF5;
	p2 =	por !p2, p0  }
0x20: {  	[sflag:s8] =	ssyncset.s32 @!p0 $0xFFFFF086;
	s6 =	sadd.s32 @!p0 s3, s7;
	s7 =	simm.s32 @!p0 $0x108  }
0x21: {  	s3 =	sadd.s32 s3, s9;
	s6 =	sadd.s32 @!p0 $0x88, s6;
	s7 =	simm.s32 @p2 $0x1082  }
0x22: {  	[simem:s7], [sflag:s8] =	dma.local @!p0 [hbm:s6], $0xF7A  }
0x23: {  	s9 =	sor.u32 $0xD0000000, s2;
	s6 =	simm.s32 $0x108;
	_ =	swait.ge @!p0 [sflag:s8], $0x0  }
0x24: {  	s3 =	sadd.s32 $0x88, s3;
	s6 =	simm.s32 @!p1 $0x1082;
	[sflag:s4] =	ssyncset.s32 $0xFFFFF086  }
0x25: {  	[simem:s6], [sflag:s4] =	dma.local [hbm:s3], $0xF7A  }
0x26: {  	[smem:$0x3F94] =	sst s1;
	(tag) =	ssettag s2;
	_ =	strace s9  }
0x27: {  	s1 =	sld [smem:$0x3FA4]  }
0x28: {  	s2 =	sld [smem:$0x3FA5]  }
0x29: {  	s4 =	sld [smem:$0x3FA7]  }
0x2a: {  	p0 =	seq.s32 s5, $0x0;
	s5 =	sld [smem:$0x3FA8]  }
0x2b: {  	s6 =	sld [smem:$0x3FA9]  }
0x2c: {  	s7 =	sld [smem:$0x3FAA]  }
0x2d: {  	s3 =	simm.s32 $0x108;
	s8 =	sld [smem:$0x3FAB]  }
0x2e: {  	s3 =	simm.s32 @!p0 $0x1082;
	s9 =	sld [smem:$0x3FAC]  }
0x2f: {  	lr =	sadd.s32 s0, s3;
	s0 =	sld [smem:$0x3FA3]  }
0x30: {  	s3 =	sld [smem:$0x3FA6]  }
0x31: {  	[smem:$0x3FAF] =	sst s10  }
0x32: {  	s10 =	sld [smem:$0x3FAD];
	_ =	sdelay $0x3  }
0x33: {  	p0 =	seq.s32 s10, $0x1;
	s10 =	sld [smem:$0x3FAF];
	_ =	sdelay $0x3  }
0x34: {  	[smem:$0x3FAF] =	sst s10  }
0x35: {  	s10 =	sld [smem:$0x3FAE];
	_ =	sdelay $0x3  }
0x36: {  	p1 =	seq.s32 s10, $0x1;
	s10 =	sld [smem:$0x3FAF];
	_ =	sdelay $0x3  }
0x37: {  	[smem:$0x3FAF] =	sst s10  }
0x38: {  	s10 =	sld [smem:$0x3FB0]  }
0x39: {  	_ = 	snop;
	(pc) =	sbr.ind lr, $3  }
0x3a: {  	_ = 	snop  }
0x3b: {  	_ = 	snop  }
0x3c: {  	p2 =	seq.s32 s10, $0x1;
	s10 =	sld [smem:$0x3FAF]  }
0x3d: {  	_ =	shalt  }
0x3e: {  	_ =	shalt  }
0x3f: {  	_ =	shalt  }
0x40: {  	_ =	shalt  }
0x41: {  	_ =	shalt  }
0x42: {  	_ =	shalt  }
0x43: {  	_ =	shalt  }
0x44: {  	_ =	shalt  }
0x45: {  	_ =	shalt  }
0x46: {  	_ =	shalt  }
0x47: {  	_ =	shalt  }
0x48: {  	_ =	shalt  }
0x49: {  	_ =	shalt  }
0x4a: {  	_ =	shalt  }
0x4b: {  	_ =	shalt  }
0x4c: {  	_ =	shalt  }
0x4d: {  	_ =	shalt  }
0x4e: {  	_ =	shalt  }
0x4f: {  	_ =	shalt  }
0x50: {  	_ =	shalt  }
0x51: {  	_ =	shalt  }
0x52: {  	_ =	shalt  }
0x53: {  	_ =	shalt  }
0x54: {  	_ =	shalt  }
0x55: {  	_ =	shalt  }
0x56: {  	_ =	shalt  }
0x57: {  	_ =	shalt  }
0x58: {  	_ =	shalt  }
0x59: {  	_ =	shalt  }
0x5a: {  	_ =	shalt  }
0x5b: {  	_ =	shalt  }
0x5c: {  	_ =	shalt  }
0x5d: {  	_ =	shalt  }
0x5e: {  	_ =	shalt  }
0x5f: {  	_ =	shalt  }
0x60: {  	_ =	shalt  }
0x61: {  	_ =	shalt  }
0x62: {  	_ =	shalt  }
0x63: {  	_ =	shalt  }
0x64: {  	_ =	shalt  }
0x65: {  	_ =	shalt  }
0x66: {  	_ =	shalt  }
0x67: {  	_ =	shalt  }
0x68: {  	_ =	shalt  }
0x69: {  	_ =	shalt  }
0x6a: {  	_ =	shalt  }
0x6b: {  	_ =	shalt  }
0x6c: {  	_ =	shalt  }
0x6d: {  	_ =	shalt  }
0x6e: {  	_ =	shalt  }
0x6f: {  	_ =	shalt  }
0x70: {  	_ =	shalt  }
0x71: {  	_ =	shalt  }
0x72: {  	_ =	shalt  }
0x73: {  	_ =	shalt  }
0x74: {  	_ =	shalt  }
0x75: {  	_ =	shalt  }
0x76: {  	_ =	shalt  }
0x77: {  	_ =	shalt  }
0x78: {  	_ =	shalt  }
0x79: {  	_ =	shalt  }
0x7a: {  	_ =	shalt  }
0x7b: {  	_ =	shalt  }
0x7c: {  	_ =	shalt  }
0x7d: {  	_ =	shalt  }
0x7e: {  	_ =	shalt  }
0x7f: {  	_ =	shalt  }
0x80: {  	_ =	shalt  }
0x81: {  	_ =	shalt  }
0x82: {  	_ =	shalt  }
0x83: {  	_ =	shalt  }
0x84: {  	_ =	shalt  }
0x85: {  	_ =	shalt  }
0x86: {  	_ =	shalt  }
0x87: {  	_ =	shalt  }
.Lfunc_end0:
.L_simem_size_0:
called_computation.3_lowered:
.L_overlay_start_0:
0x88: {  	s2 =	sld [smem:$0x3FD9]  }
0x89: {  	s3 =	sld [smem:$0x3FFE];
	_ =	sdelay $0x1  }
0x8a: {  	s1 =	srdreg.scid  }
0x8b: {  	s0 =	sand.u32 $0x1, s1  }
0x8c: {  	s16 =	sshll.u32 s0, $0xA;
	s2 =	sadd.s32 s3, s2  }
0x8d: {  	s2 =	sadd.s32 s2, s16  }
0x8e: {  	[smem:$0x3FBB] =	sst s2  }
0x8f: {  	_ = 	snop  }
0x90: {  	(tm) =	ssettm $0x1  }
0x91: {  	s17 =	sld [smem:$0x3FFB];
	_ =	sdelay $0x3  }
0x92: {  	_ =	strace s17  }
0x93: {  	s2 =	sld [smem:$0x3FFC];
	_ =	sdelay $0x3  }
0x94: {  	_ =	strace s2  }
0x95: {  	s2 =	sld [smem:$0x3FFD];
	_ =	sdelay $0x3  }
0x96: {  	_ =	strace s2  }
0x97: {  	_ =	strace $0x8FFFFFFF  }
0x98: {  	s18 =	sld [smem:$0x3FDB];
	_ =	sdelay $0x1  }
0x99: {  	s19 =	simm.s32 $_scs_section_size  }
0x9a: {  	s4 =	simm.s32 $_size__tile_overlayer_lowered;
	s5 =	simm.s32 $_tile_overlayer_lowered  }
0x9b: {  	s22 =	simm.s32 $0x1BFF;
	s21 =	sshll.u32 s5, $0x1;
	s2 =	sadd.s32 s19, s18  }
0x9c: {  	s6 =	simm.s32 $0x0;
	s20 =	sshll.u32 s4, $0x1;
	s4 =	sadd.s32 s21, s2  }
0x9d: {  	[timem:s6], [sflag:s22] =	dma.local [hbm:s4], s20  }
0x9e: {  	_ =	swait.ge [sflag:s22], s20  }
0x9f: {  	s3 =	ssub.s32 $0x0, s20;
	[sflag:s22] =	ssyncset.done $0x0  }
0xa0: {  	[sflag:s22] =	ssyncadd.s32 s3;
	_ =	sdelay $0x1  }
0xa1: {  	s23 =	simm.s32 $0x1B8B  }
0xa2: {  	_ =	swait.ge [sflag:s23], $0x1  }
0xa3: {  	[sflag:s23] =	ssyncset.done $0x0  }
0xa4: {  	s25 =	simm.s32 $0x1B8E;
	s24 =	sld [smem:$0x3FFE];
	[sflag:s23] =	ssyncadd.s32 $0xFFFFFFFF  }
0xa5: {  	s26 =	simm.s32 $execute0_lowered;
	[smem:$0x3FD2] =	sst s25  }
0xa6: {  	s4 =	sshll.u32 s26, $0x1;
	_ =	strace $0x8000004F;
	[dreg:$0x1] =	wrdreg $0xFFFFFFFF  }
0xa7: {  	s28 =	simm.s32 $_size_execute0_lowered;
	s2 =	sadd.s32 s2, s4;
	[dreg:$0x0] =	wrdreg $0x0  }
0xa8: {  	s4 =	sshll.u32 s28, $0x1;
	[dreg:$0x2] =	wrdreg s2  }
0xa9: {  	[dreg:$0x3] =	wrdreg s4  }
0xaa: {  	[dreg:$0x4] =	wrdreg $0xC0  }
0xab: {  	_ =	task [dreg:s6], $0x5FFFF  }
0xac: {  	[dreg:$0x1] =	wrdreg $0xFFFFFFFF  }
0xad: {  	[dreg:$0x0] =	wrdreg $0x60  }
0xae: {  	[dreg:$0x2] =	wrdreg s24  }
0xaf: {  	[dreg:$0x3] =	wrdreg $0xC4000  }
0xb0: {  	[dreg:$0x4] =	wrdreg $0x9  }
0xb1: {  	_ =	task.clear_ibuf [dreg:s6], $0x5FFFF;
	_ =	strace $0x9000004F  }
0xb2: {  	s29 =	simm.s32 $0x9;
	_ =	strace $0x80000051  }
0xb3: {  	_ =	swait.ge [sflag:s29], $0x1  }
0xb4: {  	[sflag:s29] =	ssyncadd.s32 $0xFFFFFFFF  }
0xb5: {  	_ =	strace $0x90000051  }
0xb6: {  	_ =	sfence  }
0xb7: {  	s30 =	sld [smem:$0x0];
	_ =	sdelay $0x2  }
0xb8: {  	s31 =	sshll.u32 s1, $0xD;
	s1 =	sshrl.u32 s1, $0x2  }
0xb9: {  	s3 =	sand.u32 $0x4000, s31;
	s1 =	sadd.s32 s1, s30  }
0xba: {  	s0 =	sor.u32 s3, s0;
	s1 =	sshll.u32 s1, $0x11  }
0xbb: {  	s0 =	sor.u32 s1, s0  }
0xbc: {  	s0 =	sadd.s32 $0x8F2B, s0  }
0xbd: {  	[sflag:s0] =	ssyncadd.remote.s32 $0x1  }
0xbe: {  	_ =	sfence.sel $0xFFFF  }
0xbf: {  	[dreg:$0x0] =	wrdreg $0xFFFFFFFF;
	(pc) =	sbr.abs _section_cstart, $3  }
0xc0: {  	[dreg:$0x1] =	wrdreg $0xFFFFFFFF  }
0xc1: {  	_ =	task.clear_ibuf [dreg:s6], $0x2FFFF;
	_ =	strace $0x9FFFFFFF  }
0xc2: {  	(tm) =	ssettm $0x7FFFFFFF  }
0xc3: {  	_ =	shalt  }
tec
execute0_lowered:
.L_overlay_start_1:
0x0: {  	(tag) =	ssettag $0x1  }
0x1: {  	s0 =	rddreg [dreg:$0x0]  }
0x2: {  	s1 =	rddreg [dreg:$0x1];
	s2 =	srdreg.scid;
	s3 =	simm.s32 $0x0  }
0x3: {  	s24 =	stileid.u32;
	s16 =	simm.s32 $0x7;
	s17 =	simm.s32 $0x200  }
0x4: {  	s18 =	simm.s32 $0x100;
	s19 =	simm.s32 $0x300;
	s20 =	simm.s32 $0x1  }
0x5: {  	s21 =	simm.s32 $0xC0;
	s22 =	simm.s32 $0x2;
	s23 =	simm.s32 $0x6400  }
0x6: {  	s28 =	simm.s32 $0x4;
	s29 =	simm.s32 $0x0;
	s7 =	smul.u32 $0x13C00, s24  }
0x7: {  	s5 =	sand.u32 $0x1, s2;
	[smem:$0x7FF] =	sst s3;
	s25 =	smul.u32 $0x4F000, s24  }
0x8: {  	s4 =	sadd.s32 $0x3600, s0;
	s14 =	sadd.s32 $0x2AE00, s0;
	s10 =	smul.u32 $0x2880, s24  }
0x9: {  	s13 =	sadd.s32 $0x35000, s0;
	s24 =	simm.s32 $0x5;
	s6 =	smul.u32 $0x13C000, s5  }
0xa: {  	_ =	strace $0x80000050;
	s8 =	ssub.s32 $0x2, s5;
	s9 =	smul.u32 $0x28800, s5  }
0xb: {  	s26 =	sshrl.u32 s8, $0x1;
	s6 =	sadd.s32 s7, s6;
	s7 =	sshrl.u32 s25, $0x2  }
0xc: {  	s11 =	ssub.s32 s8, s26;
	s12 =	sadd.s32 s10, s9;
	s25 =	simm.s32 $0x3  }
0xd: {  	s26 =	simm.s32 $0x6;
	s6 =	sshrl.u32 s6, $0x3;
	s5 =	sadd.s32 s7, s1  }
0xe: {  	s31 =	sadd.s32 $0xC0, s12;
	s10 =	smax.u32 s11, $0x1;
	s15 =	sshrl.u32 s12, $0x3  }
0xf: {  	s0 =	sadd.s32 s6, s0;
	s30 =	sadd.s32 $0x6000, s5;
	s7 =	sadd.s32 $0xC000, s5  }
0x10: {  	s8 =	sadd.s32 $0x12000, s5;
	s9 =	sadd.s32 $0x3F200, s0;
	s0 =	sshrl.u32 s31, $0x3  }
0x11: {  	[dreg:$0x3] =	wrdreg s30;
	s11 =	sadd.s32 s0, s13;
	s12 =	sadd.s32 s0, s14  }
0x12: {  	v0 =	vimm.f32 $0.0e+00;
	s13 =	sadd.s32 s15, s13;
	s14 =	sadd.s32 s15, s14;
	s15 =	simm.s32 $0x400  }
.LBB2_1:
0x13: {  	s30 =	simm.s32 $0x0;
	s31 =	simm.s32 $0x200  }
.LBB2_2:
0x14: {  	p0 =	sne.s32 s31, $0x17E00;
	[tilespmem:s30+$0x470] =	vst v0  }
0x15: {  	[tilespmem:s30+$0x400] =	vst v0  }
0x16: {  	[tilespmem:s30+$0x410] =	vst v0  }
.Ltmp0:
0x17: {  	[tilespmem:s30+$0x420] =	vst v0;
	(pc) =	sbr.rel @p0 .LBB2_2-.Ltmp0, $4  }
0x18: {  	[tilespmem:s30+$0x430] =	vst v0  }
0x19: {  	[tilespmem:s30+$0x440] =	vst v0  }
0x1a: {  	[tilespmem:s30+$0x450] =	vst v0  }
0x1b: {  	[tilespmem:s30+$0x460] =	vst v0;
	s30 =	sshra.s32 s31, $0x2;
	s31 =	sadd.s32 $0x200, s31  }
0x1c: {  	[tilespmem:s30+$0x470] =	vst v0  }
0x1d: {  	[tilespmem:s30+$0x400] =	vst v0  }
0x1e: {  	[tilespmem:s30+$0x410] =	vst v0  }
0x1f: {  	[tilespmem:s30+$0x420] =	vst v0  }
0x20: {  	[tilespmem:s30+$0x430] =	vst v0  }
0x21: {  	[tilespmem:s30+$0x440] =	vst v0  }
0x22: {  	[tilespmem:s30+$0x450] =	vst v0  }
0x23: {  	[tilespmem:s30+$0x460] =	vst v0  }
0x24: {  	[spmem:s5] =	stream.linear.scatter [tilespmem:s15], [sflag:$0x7], $0x6000, $0x38;
	v63 =	vld [tilespmem:$0x0]  }
0x25: {  	_ =	swait.ge [sflag:s16], $0x6000  }
0x26: {  	[sflag:s16] =	ssyncset.done $0x0  }
0x27: {  	s0 =	rddreg [dreg:$0x3];
	[sflag:s16] =	ssyncadd.s32 $0xFFFFA000  }
0x28: {  	[spmem:s0] =	stream.linear.scatter [tilespmem:s15], [sflag:$0x7], $0x6000, $0x38;
	v63 =	vld [tilespmem:$0x0]  }
0x29: {  	_ =	swait.ge [sflag:s16], $0x6000  }
0x2a: {  	[sflag:s16] =	ssyncset.done $0x0  }
0x2b: {  	[sflag:s16] =	ssyncadd.s32 $0xFFFFA000  }
0x2c: {  	[spmem:s7] =	stream.linear.scatter [tilespmem:s15], [sflag:$0x7], $0x6000, $0x38;
	v63 =	vld [tilespmem:$0x0]  }
0x2d: {  	_ =	swait.ge [sflag:s16], $0x6000  }
0x2e: {  	[sflag:s16] =	ssyncset.done $0x0  }
0x2f: {  	[sflag:s16] =	ssyncadd.s32 $0xFFFFA000  }
0x30: {  	[spmem:s8] =	stream.linear.scatter [tilespmem:s15], [sflag:$0x7], $0x1C00, $0x38;
	v63 =	vld [tilespmem:$0x0]  }
0x31: {  	_ =	swait.ge [sflag:s16], $0x1C00  }
0x32: {  	[sflag:s16] =	ssyncset.done $0x0  }
0x33: {  	[sflag:s16] =	ssyncadd.s32 $0xFFFFE400  }
0x34: {  	s2 =	sadd.s32 $0x0, s14;
	[bflag:$0x0] =	sbarrier.arrive $0xFFFF  }
0x35: {  	[tilespmem:s3], [sflag:$0x1] =	stream.linear.gather [hbm4b:s2+s3], $0xC0, $0x38;
	v63 =	vld [tilespmem:$0x0]  }
0x36: {  	s6 =	sadd.s32 $0x0, s13  }
0x37: {  	[tilespmem:s17], [sflag:$0x3] =	stream.linear.gather [hbm4b:s6+s3], $0xC0, $0x38;
	v63 =	vld [tilespmem:$0x0]  }
0x38: {  	s2 =	sadd.s32 $0x0, s12  }
0x39: {  	[tilespmem:s18], [sflag:$0x2] =	stream.linear.gather [hbm4b:s2+s3], $0xC0, $0x38;
	v63 =	vld [tilespmem:$0x0]  }
0x3a: {  	s6 =	sadd.s32 $0x0, s11  }
0x3b: {  	[tilespmem:s19], [sflag:$0x4] =	stream.linear.gather [hbm4b:s6+s3], $0xC0, $0x38;
	v63 =	vld [tilespmem:$0x0]  }
0x3c: {  	_ =	swait.ge [sflag:s20], $0xC0  }
0x3d: {  	[sflag:s20] =	ssyncset.done $0x0  }
0x3e: {  	[sflag:s20] =	ssyncadd.s32 $0xFFFFFF40  }
0x3f: {  	[tilespmem:s15], [sflag:$0x5] =	stream.indirect.gather [hbm4b:s4+s21], $0x80, s3, s21, $0xb8;
	v63 =	vld [tilespmem:$0x0]  }
0x40: {  	_ =	swait.ge [sflag:s22], $0xC0  }
0x41: {  	[sflag:s22] =	ssyncset.done $0x0  }
0x42: {  	[sflag:s22] =	ssyncadd.s32 $0xFFFFFF40  }
0x43: {  	[tilespmem:s23], [sflag:$0x6] =	stream.indirect.gather [hbm4b:s4+s21], $0x80, s18, s21, $0xb8;
	v63 =	vld [tilespmem:$0x0]  }
0x44: {  	_ =	swait.ge [sflag:s24], $0x6000  }
0x45: {  	[sflag:s24] =	ssyncset.done $0x0  }
0x46: {  	[sflag:s24] =	ssyncadd.s32 $0xFFFFA000  }
0x47: {  	_ =	swait.ge [sflag:s25], $0xC0  }
0x48: {  	[sflag:s25] =	ssyncset.done $0x0  }
0x49: {  	[sflag:s25] =	ssyncadd.s32 $0xFFFFFF40  }
0x4a: {  	[spmem:s1] =	stream.indirect.scatter.add.f32 [tilespmem:s15], [sflag:$0x7], $0x80, s17, s21, $0xb8;
	v63 =	vld [tilespmem:$0x0]  }
0x4b: {  	_ =	swait.ge [sflag:s16], $0x6000  }
0x4c: {  	[sflag:s16] =	ssyncset.done $0x0  }
0x4d: {  	[sflag:s16] =	ssyncadd.s32 $0xFFFFA000  }
0x4e: {  	_ =	swait.ge [sflag:s26], $0x6000  }
0x4f: {  	[sflag:s26] =	ssyncset.done $0x0  }
0x50: {  	[sflag:s26] =	ssyncadd.s32 $0xFFFFA000  }
0x51: {  	_ =	swait.ge [sflag:s28], $0xC0  }
0x52: {  	[sflag:s28] =	ssyncset.done $0x0  }
0x53: {  	[sflag:s28] =	ssyncadd.s32 $0xFFFFFF40  }
0x54: {  	[spmem:s1] =	stream.indirect.scatter.add.f32 [tilespmem:s23], [sflag:$0x7], $0x80, s19, s21, $0xb8;
	v63 =	vld [tilespmem:$0x0]  }
0x55: {  	_ =	swait.ge [sflag:s16], $0x6000  }
0x56: {  	s30 =	simm.s32 $0x30;
	s31 =	simm.s32 $0x60;
	[sflag:s16] =	ssyncset.done $0x0  }
.LBB2_4:
0x57: {  	s2 =	sadd.s32 s30, s14  }
0x58: {  	[sflag:s16] =	ssyncadd.s32 $0xFFFFA000;
	s6 =	smov.u32 s31;
	s0 =	sadd.s32 $0x30, s31  }
0x59: {  	[tilespmem:s3], [sflag:$0x1] =	stream.linear.gather [hbm4b:s2+s3], $0xC0, $0x38;
	v63 =	vld [tilespmem:$0x0]  }
0x5a: {  	p0 =	sne.s32 s31, $0x4E0;
	s2 =	sadd.s32 s30, s13  }
0x5b: {  	[tilespmem:s17], [sflag:$0x3] =	stream.linear.gather [hbm4b:s2+s3], $0xC0, $0x38;
	v63 =	vld [tilespmem:$0x0]  }
0x5c: {  	s2 =	sadd.s32 s30, s12  }
0x5d: {  	[tilespmem:s18], [sflag:$0x2] =	stream.linear.gather [hbm4b:s2+s3], $0xC0, $0x38;
	v63 =	vld [tilespmem:$0x0]  }
0x5e: {  	s2 =	sadd.s32 s30, s11;
	s30 =	smov.u32 s6  }
0x5f: {  	[tilespmem:s19], [sflag:$0x4] =	stream.linear.gather [hbm4b:s2+s3], $0xC0, $0x38;
	v63 =	vld [tilespmem:$0x0]  }
0x60: {  	_ =	swait.ge [sflag:s20], $0xC0  }
0x61: {  	[sflag:s20] =	ssyncset.done $0x0  }
0x62: {  	[sflag:s20] =	ssyncadd.s32 $0xFFFFFF40  }
0x63: {  	[tilespmem:s15], [sflag:$0x5] =	stream.indirect.gather [hbm4b:s4+s21], $0x80, s3, s21, $0xb8;
	v63 =	vld [tilespmem:$0x0]  }
0x64: {  	_ =	swait.ge [sflag:s22], $0xC0  }
0x65: {  	[sflag:s22] =	ssyncset.done $0x0  }
0x66: {  	[sflag:s22] =	ssyncadd.s32 $0xFFFFFF40  }
0x67: {  	[tilespmem:s23], [sflag:$0x6] =	stream.indirect.gather [hbm4b:s4+s21], $0x80, s18, s21, $0xb8;
	v63 =	vld [tilespmem:$0x0]  }
0x68: {  	_ =	swait.ge [sflag:s24], $0x6000  }
0x69: {  	[sflag:s24] =	ssyncset.done $0x0  }
0x6a: {  	[sflag:s24] =	ssyncadd.s32 $0xFFFFA000  }
0x6b: {  	_ =	swait.ge [sflag:s25], $0xC0  }
0x6c: {  	[sflag:s25] =	ssyncset.done $0x0  }
0x6d: {  	[sflag:s25] =	ssyncadd.s32 $0xFFFFFF40  }
0x6e: {  	[spmem:s1] =	stream.indirect.scatter.add.f32 [tilespmem:s15], [sflag:$0x7], $0x80, s17, s21, $0xb8;
	v63 =	vld [tilespmem:$0x0]  }
0x6f: {  	_ =	swait.ge [sflag:s16], $0x6000  }
0x70: {  	[sflag:s16] =	ssyncset.done $0x0  }
0x71: {  	[sflag:s16] =	ssyncadd.s32 $0xFFFFA000  }
0x72: {  	_ =	swait.ge [sflag:s26], $0x6000  }
0x73: {  	[sflag:s26] =	ssyncset.done $0x0  }
0x74: {  	[sflag:s26] =	ssyncadd.s32 $0xFFFFA000  }
0x75: {  	_ =	swait.ge [sflag:s28], $0xC0  }
.Ltmp1:
0x76: {  	[sflag:s28] =	ssyncset.done $0x0;
	(pc) =	sbr.rel @p0 .LBB2_4-.Ltmp1, $4  }
0x77: {  	[sflag:s28] =	ssyncadd.s32 $0xFFFFFF40  }
0x78: {  	[spmem:s1] =	stream.indirect.scatter.add.f32 [tilespmem:s23], [sflag:$0x7], $0x80, s19, s21, $0xb8;
	v63 =	vld [tilespmem:$0x0]  }
0x79: {  	_ =	swait.ge [sflag:s16], $0x6000  }
0x7a: {  	s31 =	smov.u32 s0;
	[sflag:s16] =	ssyncset.done $0x0  }
0x7b: {  	s0 =	sadd.s32 s30, s14;
	[sflag:s16] =	ssyncadd.s32 $0xFFFFA000  }
0x7c: {  	[tilespmem:s3], [sflag:$0x1] =	stream.linear.gather [hbm4b:s0+s3], $0xC0, $0x38;
	v63 =	vld [tilespmem:$0x0]  }
0x7d: {  	s2 =	sadd.s32 s30, s13  }
0x7e: {  	[tilespmem:s17], [sflag:$0x3] =	stream.linear.gather [hbm4b:s2+s3], $0xC0, $0x38;
	v63 =	vld [tilespmem:$0x0]  }
0x7f: {  	s6 =	sadd.s32 s30, s12  }
0x80: {  	[tilespmem:s18], [sflag:$0x2] =	stream.linear.gather [hbm4b:s6+s3], $0xC0, $0x38;
	v63 =	vld [tilespmem:$0x0]  }
0x81: {  	s30 =	sadd.s32 s30, s11  }
0x82: {  	[tilespmem:s19], [sflag:$0x4] =	stream.linear.gather [hbm4b:s30+s3], $0xC0, $0x38;
	v63 =	vld [tilespmem:$0x0]  }
0x83: {  	_ =	swait.ge [sflag:s20], $0xC0  }
0x84: {  	[sflag:s20] =	ssyncset.done $0x0  }
0x85: {  	[sflag:s20] =	ssyncadd.s32 $0xFFFFFF40  }
0x86: {  	[tilespmem:s15], [sflag:$0x5] =	stream.indirect.gather [hbm4b:s4+s21], $0x80, s3, s21, $0xb8;
	v63 =	vld [tilespmem:$0x0]  }
0x87: {  	_ =	swait.ge [sflag:s22], $0xC0  }
0x88: {  	[sflag:s22] =	ssyncset.done $0x0  }
0x89: {  	[sflag:s22] =	ssyncadd.s32 $0xFFFFFF40  }
0x8a: {  	[tilespmem:s23], [sflag:$0x6] =	stream.indirect.gather [hbm4b:s4+s21], $0x80, s18, s21, $0xb8;
	v63 =	vld [tilespmem:$0x0]  }
0x8b: {  	_ =	swait.ge [sflag:s24], $0x6000  }
0x8c: {  	[sflag:s24] =	ssyncset.done $0x0  }
0x8d: {  	[sflag:s24] =	ssyncadd.s32 $0xFFFFA000  }
0x8e: {  	_ =	swait.ge [sflag:s25], $0xC0  }
0x8f: {  	[sflag:s25] =	ssyncset.done $0x0  }
0x90: {  	[sflag:s25] =	ssyncadd.s32 $0xFFFFFF40  }
0x91: {  	[spmem:s1] =	stream.indirect.scatter.add.f32 [tilespmem:s15], [sflag:$0x7], $0x80, s17, s21, $0xb8;
	v63 =	vld [tilespmem:$0x0]  }
0x92: {  	_ =	swait.ge [sflag:s16], $0x6000  }
0x93: {  	[sflag:s16] =	ssyncset.done $0x0  }
0x94: {  	[sflag:s16] =	ssyncadd.s32 $0xFFFFA000  }
0x95: {  	_ =	swait.ge [sflag:s26], $0x6000  }
0x96: {  	[sflag:s26] =	ssyncset.done $0x0  }
0x97: {  	[sflag:s26] =	ssyncadd.s32 $0xFFFFA000  }
0x98: {  	_ =	swait.ge [sflag:s28], $0xC0  }
0x99: {  	[sflag:s28] =	ssyncset.done $0x0  }
0x9a: {  	[sflag:s28] =	ssyncadd.s32 $0xFFFFFF40  }
0x9b: {  	[spmem:s1] =	stream.indirect.scatter.add.f32 [tilespmem:s23], [sflag:$0x7], $0x80, s19, s21, $0xb8;
	v63 =	vld [tilespmem:$0x0]  }
0x9c: {  	s31 =	stileid.u32;
	_ =	swait.ge [sflag:s16], $0x6000  }
0x9d: {  	s29 =	sadd.s32 $0x1, s29;
	s0 =	sshll.u32 s31, $0x6;
	[sflag:s16] =	ssyncset.done $0x0  }
0x9e: {  	p0 =	sne.s32 s29, s10;
	s0 =	sor.u32 $0x1C07, s0;
	[sflag:s16] =	ssyncadd.s32 $0xFFFFA000  }
.Ltmp2:
0x9f: {  	s2 =	sshrl.u32 s5, $0x3;
	[bflag:$0x0] =	sbarrier.arrive $0xFFFF;
	(pc) =	sbr.rel @p0 .LBB2_1-.Ltmp2, $4  }
0xa0: {  	[hbm:s9], [sflag:s0] =	dma.local [spmem:s2], $0x2780  }
0xa1: {  	_ =	swait.ge [sflag:s16], $0x2780  }
0xa2: {  	[sflag:s16] =	ssyncset.done $0x0  }
0xa3: {  	[sflag:s16] =	ssyncadd.s32 $0xFFFFD880  }
0xa4: {  	_ =	sfence.sel $0x180000  }
0xa5: {  	[bflag:$0x0] =	sbarrier.arrive $0xFFFF  }
0xa6: {  	_ =	strace $0x90000050  }
0xa7: {  	s0 =	stileid.u32;
	[bflag:$0x2] =	sbarrier.arrive $0xFFFF  }
0xa8: {  	p0 =	sne.s32 s0, $0x0;
	s0 =	rddreg [dreg:$0x2]  }
0xa9: {  	s0 =	sadd.s32 @!p0 $0x100000, s0  }
0xaa: {  	[sflag:s0] =	ssyncadd.tile.s32 @!p0 $0x1;
	_ =	shalt  }
.Lfunc_end2:
_tile_overlayer_lowered:
.L_overlay_start_2:
0xab: {  	(tag) =	ssettag $0x2  }
0xac: {  	s0 =	rddreg [dreg:$0x0];
	s2 =	stileid.u32  }
0xad: {  	s1 =	rddreg [dreg:$0x1];
	p0 =	sne.s32 s2, $0x0  }
0xae: {  	s3 =	rddreg [dreg:$0x2];
	[bflag:$0x3] =	sbarrier.arrive $0xFFFF;
	s2 =	simm.s32 @!p0 $0x1C07  }
0xaf: {  	[timem:s3], [sflag:s2] =	dma.local @!p0 [hbm:s0], s1  }
0xb0: {  	s0 =	simm.s32 @!p0 $0x7  }
0xb1: {  	_ =	swait.ge @!p0 [sflag:s0], s1  }
0xb2: {  	s1 =	ssub.s32 @!p0 $0x0, s1;
	[sflag:s0] =	ssyncset.done @!p0 $0x0  }
0xb3: {  	[sflag:s0] =	ssyncadd.s32 @!p0 s1  }
0xb4: {  	[bflag:$0x3] =	sbarrier.arrive $0xFFFF  }
0xb5: {  	_ =	shalt  }

// kernel: kernel.9.cloned.1.call-start
scs
__scs_entry_jumppad:
0x0: {  	(pc) =	sbr.rel $0x88, $3  }
0x1: {  	(tag) =	ssettag $0x0;
	lr =	simm.s32 $0x1  }
0x2: {  	[smem:$0x3F94] =	sst lr;
	_ =	strace $0xD0000000  }
0x3: {  	_ = 	snop  }
0x4: {  	_ = 	snop  }
0x5: {  	_ = 	snop  }
0x6: {  	_ = 	snop  }
0x7: {  	_ = 	snop  }
__scs_overlays_trampoline_lowered:
0x8: {  	[smem:$0x3FA3] =	sst s0  }
0x9: {  	[smem:$0x3FA4] =	sst s1  }
0xa: {  	[smem:$0x3FA5] =	sst s2  }
0xb: {  	[smem:$0x3FA6] =	sst s3  }
0xc: {  	[smem:$0x3FA7] =	sst s4  }
0xd: {  	[smem:$0x3FA8] =	sst s5  }
0xe: {  	[smem:$0x3FA9] =	sst s6  }
0xf: {  	[smem:$0x3FAA] =	sst s7  }
0x10: {  	[smem:$0x3FAB] =	sst s8  }
0x11: {  	[smem:$0x3FAC] =	sst s9;
	s0 =	simm.s32 @!p0 $0x0  }
0x12: {  	s1 =	sld [smem:$0x3F92];
	s0 =	simm.s32 @p0 $0x1  }
0x13: {  	[smem:$0x3FAD] =	sst s0;
	s0 =	simm.s32 @!p1 $0x0  }
0x14: {  	s2 =	sld [smem:$0x3F91];
	s0 =	simm.s32 @p1 $0x1  }
0x15: {  	[smem:$0x3FAE] =	sst s0;
	s0 =	simm.s32 @!p2 $0x0  }
0x16: {  	s3 =	sld [smem:$0x3FDB];
	s0 =	simm.s32 @p2 $0x1  }
0x17: {  	s4 =	simm.s32 $0x1BF5;
	[smem:$0x3FB0] =	sst s0  }
0x18: {  	s0 =	sld [smem:$0x3F93];
	_ =	swait.ge [sflag:s4], $0x0  }
0x19: {  	s7 =	sld [smem:$0x3F94]  }
0x1a: {  	s8 =	sadd.s32 $0xFFFFE003, lr  }
0x1b: {  	s9 =	sadd.s32 $0xFFFFFEF7, lr;
	s5 =	simm.s32 $0xFFFFFFFF;
	p2 =	slt.u32 s8, $0xFFFFF086  }
0x1c: {  	p1 =	slt.u32 s9, $0xF7A;
	s5 =	simm.s32 @!p2 $0x0  }
0x1d: {  	s5 =	simm.s32 @p1 $0x1;
	p0 =	seq.s32 s7, s2  }
0x1e: {  	s7 =	smul.u32 @!p0 $0xF7A, s2;
	p2 =	seq.s32 @!p0 s5, $0x0  }
0x1f: {  	s9 =	smul.u32 $0xF7A, s1;
	s8 =	simm.s32 @!p0 $0x1BF5;
	p2 =	por !p2, p0  }
0x20: {  	[sflag:s8] =	ssyncset.s32 @!p0 $0xFFFFF086;
	s6 =	sadd.s32 @!p0 s3, s7;
	s7 =	simm.s32 @!p0 $0x108  }
0x21: {  	s3 =	sadd.s32 s3, s9;
	s6 =	sadd.s32 @!p0 $0x88, s6;
	s7 =	simm.s32 @p2 $0x1082  }
0x22: {  	[simem:s7], [sflag:s8] =	dma.local @!p0 [hbm:s6], $0xF7A  }
0x23: {  	s9 =	sor.u32 $0xD0000000, s2;
	s6 =	simm.s32 $0x108;
	_ =	swait.ge @!p0 [sflag:s8], $0x0  }
0x24: {  	s3 =	sadd.s32 $0x88, s3;
	s6 =	simm.s32 @!p1 $0x1082;
	[sflag:s4] =	ssyncset.s32 $0xFFFFF086  }
0x25: {  	[simem:s6], [sflag:s4] =	dma.local [hbm:s3], $0xF7A  }
0x26: {  	[smem:$0x3F94] =	sst s1;
	(tag) =	ssettag s2;
	_ =	strace s9  }
0x27: {  	s1 =	sld [smem:$0x3FA4]  }
0x28: {  	s2 =	sld [smem:$0x3FA5]  }
0x29: {  	s4 =	sld [smem:$0x3FA7]  }
0x2a: {  	p0 =	seq.s32 s5, $0x0;
	s5 =	sld [smem:$0x3FA8]  }
0x2b: {  	s6 =	sld [smem:$0x3FA9]  }
0x2c: {  	s7 =	sld [smem:$0x3FAA]  }
0x2d: {  	s3 =	simm.s32 $0x108;
	s8 =	sld [smem:$0x3FAB]  }
0x2e: {  	s3 =	simm.s32 @!p0 $0x1082;
	s9 =	sld [smem:$0x3FAC]  }
0x2f: {  	lr =	sadd.s32 s0, s3;
	s0 =	sld [smem:$0x3FA3]  }
0x30: {  	s3 =	sld [smem:$0x3FA6]  }
0x31: {  	[smem:$0x3FAF] =	sst s10  }
0x32: {  	s10 =	sld [smem:$0x3FAD];
	_ =	sdelay $0x3  }
0x33: {  	p0 =	seq.s32 s10, $0x1;
	s10 =	sld [smem:$0x3FAF];
	_ =	sdelay $0x3  }
0x34: {  	[smem:$0x3FAF] =	sst s10  }
0x35: {  	s10 =	sld [smem:$0x3FAE];
	_ =	sdelay $0x3  }
0x36: {  	p1 =	seq.s32 s10, $0x1;
	s10 =	sld [smem:$0x3FAF];
	_ =	sdelay $0x3  }
0x37: {  	[smem:$0x3FAF] =	sst s10  }
0x38: {  	s10 =	sld [smem:$0x3FB0]  }
0x39: {  	_ = 	snop;
	(pc) =	sbr.ind lr, $3  }
0x3a: {  	_ = 	snop  }
0x3b: {  	_ = 	snop  }
0x3c: {  	p2 =	seq.s32 s10, $0x1;
	s10 =	sld [smem:$0x3FAF]  }
0x3d: {  	_ =	shalt  }
0x3e: {  	_ =	shalt  }
0x3f: {  	_ =	shalt  }
0x40: {  	_ =	shalt  }
0x41: {  	_ =	shalt  }
0x42: {  	_ =	shalt  }
0x43: {  	_ =	shalt  }
0x44: {  	_ =	shalt  }
0x45: {  	_ =	shalt  }
0x46: {  	_ =	shalt  }
0x47: {  	_ =	shalt  }
0x48: {  	_ =	shalt  }
0x49: {  	_ =	shalt  }
0x4a: {  	_ =	shalt  }
0x4b: {  	_ =	shalt  }
0x4c: {  	_ =	shalt  }
0x4d: {  	_ =	shalt  }
0x4e: {  	_ =	shalt  }
0x4f: {  	_ =	shalt  }
0x50: {  	_ =	shalt  }
0x51: {  	_ =	shalt  }
0x52: {  	_ =	shalt  }
0x53: {  	_ =	shalt  }
0x54: {  	_ =	shalt  }
0x55: {  	_ =	shalt  }
0x56: {  	_ =	shalt  }
0x57: {  	_ =	shalt  }
0x58: {  	_ =	shalt  }
0x59: {  	_ =	shalt  }
0x5a: {  	_ =	shalt  }
0x5b: {  	_ =	shalt  }
0x5c: {  	_ =	shalt  }
0x5d: {  	_ =	shalt  }
0x5e: {  	_ =	shalt  }
0x5f: {  	_ =	shalt  }
0x60: {  	_ =	shalt  }
0x61: {  	_ =	shalt  }
0x62: {  	_ =	shalt  }
0x63: {  	_ =	shalt  }
0x64: {  	_ =	shalt  }
0x65: {  	_ =	shalt  }
0x66: {  	_ =	shalt  }
0x67: {  	_ =	shalt  }
0x68: {  	_ =	shalt  }
0x69: {  	_ =	shalt  }
0x6a: {  	_ =	shalt  }
0x6b: {  	_ =	shalt  }
0x6c: {  	_ =	shalt  }
0x6d: {  	_ =	shalt  }
0x6e: {  	_ =	shalt  }
0x6f: {  	_ =	shalt  }
0x70: {  	_ =	shalt  }
0x71: {  	_ =	shalt  }
0x72: {  	_ =	shalt  }
0x73: {  	_ =	shalt  }
0x74: {  	_ =	shalt  }
0x75: {  	_ =	shalt  }
0x76: {  	_ =	shalt  }
0x77: {  	_ =	shalt  }
0x78: {  	_ =	shalt  }
0x79: {  	_ =	shalt  }
0x7a: {  	_ =	shalt  }
0x7b: {  	_ =	shalt  }
0x7c: {  	_ =	shalt  }
0x7d: {  	_ =	shalt  }
0x7e: {  	_ =	shalt  }
0x7f: {  	_ =	shalt  }
0x80: {  	_ =	shalt  }
0x81: {  	_ =	shalt  }
0x82: {  	_ =	shalt  }
0x83: {  	_ =	shalt  }
0x84: {  	_ =	shalt  }
0x85: {  	_ =	shalt  }
0x86: {  	_ =	shalt  }
0x87: {  	_ =	shalt  }
.Lfunc_end0:
.L_simem_size_0:
called_computation_lowered:
.L_overlay_start_0:
0x88: {  	s2 =	sld [smem:$0x3FD9]  }
0x89: {  	s3 =	sld [smem:$0x3FFE];
	_ =	sdelay $0x1  }
0x8a: {  	s1 =	srdreg.scid  }
0x8b: {  	s0 =	sand.u32 $0x1, s1  }
0x8c: {  	s17 =	sshll.u32 s0, $0xA;
	s2 =	sadd.s32 s3, s2  }
0x8d: {  	s2 =	sadd.s32 s2, s17  }
0x8e: {  	[smem:$0x3FBB] =	sst s2  }
0x8f: {  	_ = 	snop  }
0x90: {  	(tm) =	ssettm $0x1  }
0x91: {  	s18 =	sld [smem:$0x3FFB];
	_ =	sdelay $0x3  }
0x92: {  	_ =	strace s18  }
0x93: {  	s2 =	sld [smem:$0x3FFC];
	_ =	sdelay $0x3  }
0x94: {  	_ =	strace s2  }
0x95: {  	s2 =	sld [smem:$0x3FFD];
	_ =	sdelay $0x3  }
0x96: {  	_ =	strace s2  }
0x97: {  	_ =	strace $0x8FFFFFFF  }
0x98: {  	s19 =	sld [smem:$0x3FDB];
	_ =	sdelay $0x1  }
0x99: {  	s20 =	simm.s32 $_scs_section_size  }
0x9a: {  	s4 =	simm.s32 $_size__tile_overlayer_lowered;
	s5 =	simm.s32 $_tile_overlayer_lowered  }
0x9b: {  	s6 =	simm.s32 $0x1BFF;
	s21 =	sshll.u32 s5, $0x1;
	s3 =	sadd.s32 s20, s19  }
0x9c: {  	s22 =	simm.s32 $0x0;
	s4 =	sshll.u32 s4, $0x1;
	s5 =	sadd.s32 s21, s3  }
0x9d: {  	[timem:s22], [sflag:s6] =	dma.local [hbm:s5], s4  }
0x9e: {  	_ =	swait.ge [sflag:s6], s4  }
0x9f: {  	s4 =	ssub.s32 $0x0, s4;
	[sflag:s6] =	ssyncset.done $0x0  }
0xa0: {  	[sflag:s6] =	ssyncadd.s32 s4;
	_ =	sdelay $0x1  }
0xa1: {  	s23 =	simm.s32 $0x1B8B  }
0xa2: {  	_ =	swait.ge [sflag:s23], $0x1  }
0xa3: {  	[sflag:s23] =	ssyncset.done $0x0  }
0xa4: {  	[sflag:s23] =	ssyncadd.s32 $0xFFFFFFFF  }
0xa5: {  	s4 =	sld [smem:$0x0]  }
0xa6: {  	s5 =	sand.u32 $0xFFFFFFFE, s1  }
0xa7: {  	p0 =	sne.s32 s1, s5  }
0xa8: {  	s5 =	sshll.u32 @p0 s5, $0xE  }
0xa9: {  	s5 =	sadd.s32 @p0 $0x11B8D, s5;
	s6 =	sshll.u32 @p0 s4, $0x11  }
0xaa: {  	s5 =	sor.u32 @p0 s6, s5  }
0xab: {  	[sflag:s5] =	ssyncadd.remote.s32 @p0 $0x1;
	_ =	sdelay $0x1  }
0xac: {  	s5 =	simm.s32 @p0 $0x1B8D  }
0xad: {  	_ =	swait.eq @p0 [sflag:s5], $0x1  }
0xae: {  	[sflag:s5] =	ssyncadd.s32 @p0 $0xFFFFFFFF  }
0xaf: {  	s6 =	sshll.u32 @!p0 s1, $0xE  }
0xb0: {  	s6 =	sor.u32 @!p0 $0x4000, s6;
	s5 =	simm.s32 @!p0 $0x1B8D  }
0xb1: {  	s4 =	sshll.u32 @!p0 s4, $0x11;
	s6 =	sadd.s32 @!p0 $0x11B8D, s6;
	_ =	swait.eq @!p0 [sflag:s5], $0x1  }
0xb2: {  	s4 =	sor.u32 @!p0 s4, s6;
	[sflag:s5] =	ssyncadd.s32 @!p0 $0xFFFFFFFF  }
0xb3: {  	s25 =	simm.s32 $0x1B8E;
	s24 =	sld [smem:$0x3FFE];
	[sflag:s4] =	ssyncadd.remote.s32 @!p0 $0x1  }
0xb4: {  	s26 =	simm.s32 $execute0_lowered;
	[smem:$0x3FD2] =	sst s25  }
0xb5: {  	s5 =	sshll.u32 s26, $0x1;
	_ =	strace $0x80000049;
	[dreg:$0x1] =	wrdreg $0xFFFFFFFF  }
0xb6: {  	s28 =	simm.s32 $_size_execute0_lowered;
	s3 =	sadd.s32 s3, s5;
	[dreg:$0x0] =	wrdreg $0x0  }
0xb7: {  	s5 =	sshll.u32 s28, $0x1;
	[dreg:$0x2] =	wrdreg s3  }
0xb8: {  	[dreg:$0x3] =	wrdreg s5  }
0xb9: {  	[dreg:$0x4] =	wrdreg $0xC0  }
0xba: {  	_ =	task [dreg:s22], $0x5FFFF  }
0xbb: {  	[dreg:$0x1] =	wrdreg $0xFFFFFFFF  }
0xbc: {  	[dreg:$0x0] =	wrdreg $0x60  }
0xbd: {  	[dreg:$0x2] =	wrdreg s24  }
0xbe: {  	[dreg:$0x3] =	wrdreg $0x62000  }
0xbf: {  	[dreg:$0x4] =	wrdreg $0x9  }
0xc0: {  	_ =	task.clear_ibuf [dreg:s22], $0x5FFFF;
	_ =	strace $0x90000049  }
0xc1: {  	s29 =	simm.s32 $0x9;
	_ =	strace $0x8000004B  }
0xc2: {  	_ =	swait.ge [sflag:s29], $0x1  }
0xc3: {  	[sflag:s29] =	ssyncadd.s32 $0xFFFFFFFF  }
0xc4: {  	_ =	strace $0x9000004B  }
0xc5: {  	_ =	sfence  }
0xc6: {  	s30 =	sld [smem:$0x0];
	_ =	sdelay $0x2  }
0xc7: {  	s31 =	sshll.u32 s1, $0xD;
	s1 =	sshrl.u32 s1, $0x2  }
0xc8: {  	s4 =	sand.u32 $0x4000, s31;
	s1 =	sadd.s32 s1, s30  }
0xc9: {  	s0 =	sor.u32 s4, s0;
	s1 =	sshll.u32 s1, $0x11  }
0xca: {  	s0 =	sor.u32 s1, s0  }
0xcb: {  	s0 =	sadd.s32 $0x8F2B, s0  }
0xcc: {  	[sflag:s0] =	ssyncadd.remote.s32 $0x1  }
0xcd: {  	_ =	sfence.sel $0xFFFF  }
0xce: {  	[dreg:$0x0] =	wrdreg $0xFFFFFFFF;
	(pc) =	sbr.abs _section_cstart, $3  }
0xcf: {  	[dreg:$0x1] =	wrdreg $0xFFFFFFFF  }
0xd0: {  	_ =	task.clear_ibuf [dreg:s22], $0x2FFFF;
	_ =	strace $0x9FFFFFFF  }
0xd1: {  	(tm) =	ssettm $0x7FFFFFFF  }
tec
execute0_lowered:
.L_overlay_start_1:
0x0: {  	(tag) =	ssettag $0x1  }
0x1: {  	s4 =	rddreg [dreg:$0x0]  }
0x2: {  	s1 =	rddreg [dreg:$0x1]  }
0x3: {  	s2 =	srdreg.scid;
	s0 =	rddreg [dreg:$0x2];
	s3 =	simm.s32 $0x0  }
0x4: {  	s14 =	simm.s32 $0x100;
	s15 =	simm.s32 $0x1;
	s5 =	sand.u32 $0x1, s2  }
0x5: {  	s16 =	simm.s32 $0xC0;
	s2 =	stileid.u32;
	s6 =	smul.u32 $0x13C000, s5  }
0x6: {  	s17 =	simm.s32 $0x2;
	s20 =	simm.s32 $0x0;
	s7 =	smul.u32 $0x13C00, s2  }
0x7: {  	[smem:$0x7FF] =	sst s3;
	s11 =	sadd.s32 $0x35000, s4;
	s28 =	smul.u32 $0x4F000, s2  }
0x8: {  	_ =	strace $0x8000004A;
	s8 =	ssub.s32 $0x2, s5;
	s9 =	smul.u32 $0x28800, s5  }
0x9: {  	s10 =	smul.u32 $0x2880, s2;
	s18 =	sshll.u32 s2, $0x6;
	s29 =	sshrl.u32 s8, $0x1  }
0xa: {  	s18 =	sor.u32 $0x1C03, s18;
	s6 =	sadd.s32 s7, s6;
	s7 =	sshrl.u32 s28, $0x2  }
0xb: {  	s13 =	ssub.s32 s8, s29;
	s10 =	sadd.s32 s10, s9;
	s6 =	sshrl.u32 s6, $0x3  }
0xc: {  	s30 =	sadd.s32 $0xC0, s10;
	s9 =	smax.u32 s13, $0x1;
	s31 =	sshrl.u32 s10, $0x3  }
0xd: {  	s13 =	simm.s32 $0x3;
	s12 =	sadd.s32 s6, s4;
	s4 =	sadd.s32 s7, s1  }
0xe: {  	s5 =	sadd.s32 $0x6000, s4;
	s6 =	sadd.s32 $0xC000, s4;
	s7 =	sadd.s32 $0x12000, s4  }
0xf: {  	s8 =	sadd.s32 $0x8E200, s12;
	s12 =	sshrl.u32 s30, $0x3;
	s19 =	sshrl.u32 s4, $0x3  }
0x10: {  	v0 =	vimm.f32 $0.0e+00;
	v1 =	vimm.f32 $1.000000000e+00;
	s10 =	sadd.s32 s12, s11;
	s11 =	sadd.s32 s31, s11;
	s12 =	simm.s32 $0x200  }
.LBB2_1:
0x11: {  	s21 =	simm.s32 $0x200;
	s22 =	simm.s32 $0x0  }
.LBB2_2:
0x12: {  	p0 =	sne.s32 s21, $0x17E00;
	[tilespmem:s22+$0x200] =	vst v0;
	s22 =	smov.u32 s21;
	s21 =	sadd.s32 $0x200, s21  }
.Ltmp0:
0x13: {  	(pc) =	sbr.rel @p0 .LBB2_2-.Ltmp0, $2  }
0x14: {  	_ =	sdelay $0x2  }
0x15: {  	s22 =	sshra.s32 s22, $0x2  }
0x16: {  	[tilespmem:s22+$0x200] =	vst v0  }
0x17: {  	[spmem:s4] =	stream.linear.scatter [tilespmem:s12], [sflag:$0x3], $0x6000, $0x38;
	[tilespmem:$0x8980] =	vst v63  }
0x18: {  	_ =	swait.ge [sflag:s13], $0x6000  }
0x19: {  	[sflag:s13] =	ssyncset.done $0x0  }
0x1a: {  	[sflag:s13] =	ssyncadd.s32 $0xFFFFA000  }
0x1b: {  	[spmem:s5] =	stream.linear.scatter [tilespmem:s12], [sflag:$0x3], $0x6000, $0x38;
	[tilespmem:$0x8980] =	vst v63  }
0x1c: {  	_ =	swait.ge [sflag:s13], $0x6000  }
0x1d: {  	[sflag:s13] =	ssyncset.done $0x0  }
0x1e: {  	[sflag:s13] =	ssyncadd.s32 $0xFFFFA000  }
0x1f: {  	[spmem:s6] =	stream.linear.scatter [tilespmem:s12], [sflag:$0x3], $0x6000, $0x38;
	[tilespmem:$0x8980] =	vst v63  }
0x20: {  	_ =	swait.ge [sflag:s13], $0x6000  }
0x21: {  	[sflag:s13] =	ssyncset.done $0x0  }
0x22: {  	[sflag:s13] =	ssyncadd.s32 $0xFFFFA000  }
0x23: {  	[spmem:s7] =	stream.linear.scatter [tilespmem:s12], [sflag:$0x3], $0x1C00, $0x38;
	[tilespmem:$0x8980] =	vst v63  }
0x24: {  	_ =	swait.ge [sflag:s13], $0x1C00  }
0x25: {  	[sflag:s13] =	ssyncset.done $0x0  }
0x26: {  	s21 =	simm.s32 $0x200;
	s22 =	simm.s32 $0x0;
	[sflag:s13] =	ssyncadd.s32 $0xFFFFE400  }
.LBB2_4:
0x27: {  	p0 =	sne.s32 s21, $0x17E00;
	[tilespmem:s22+$0x200] =	vst v1;
	s22 =	smov.u32 s21;
	s21 =	sadd.s32 $0x200, s21  }
.Ltmp1:
0x28: {  	(pc) =	sbr.rel @p0 .LBB2_4-.Ltmp1, $2  }
0x29: {  	_ =	sdelay $0x2  }
0x2a: {  	s22 =	sshra.s32 s22, $0x2  }
0x2b: {  	[tilespmem:s22+$0x200] =	vst v1  }
0x2c: {  	s21 =	sadd.s32 $0x0, s11;
	[bflag:$0x0] =	sbarrier.arrive $0xFFFF  }
0x2d: {  	[tilespmem:s3], [sflag:$0x1] =	stream.linear.gather [hbm4b:s21+s3], $0xC0, $0x38;
	[tilespmem:$0x8980] =	vst v63  }
0x2e: {  	s31 =	sadd.s32 $0x0, s10  }
0x2f: {  	[tilespmem:s14], [sflag:$0x2] =	stream.linear.gather [hbm4b:s31+s3], $0xC0, $0x38;
	[tilespmem:$0x8980] =	vst v63  }
0x30: {  	_ =	swait.ge [sflag:s15], $0xC0  }
0x31: {  	[sflag:s15] =	ssyncset.done $0x0  }
0x32: {  	[sflag:s15] =	ssyncadd.s32 $0xFFFFFF40  }
0x33: {  	[spmem:s1] =	stream.indirect.scatter.add.f32 [tilespmem:s12], [sflag:$0x3], $0x10, s3, s16, $0xb8;
	[tilespmem:$0x8980] =	vst v63  }
0x34: {  	_ =	swait.ge [sflag:s13], $0xC00  }
0x35: {  	[sflag:s13] =	ssyncset.done $0x0  }
0x36: {  	[sflag:s13] =	ssyncadd.s32 $0xFFFFF400  }
0x37: {  	_ =	swait.ge [sflag:s17], $0xC0  }
0x38: {  	[sflag:s17] =	ssyncset.done $0x0  }
0x39: {  	[sflag:s17] =	ssyncadd.s32 $0xFFFFFF40  }
0x3a: {  	[spmem:s1] =	stream.indirect.scatter.add.f32 [tilespmem:s12], [sflag:$0x3], $0x10, s14, s16, $0xb8;
	[tilespmem:$0x8980] =	vst v63  }
0x3b: {  	_ =	swait.ge [sflag:s13], $0xC00  }
0x3c: {  	s22 =	simm.s32 $0x60;
	s21 =	simm.s32 $0x30;
	[sflag:s13] =	ssyncset.done $0x0  }
.LBB2_6:
0x3d: {  	s23 =	sadd.s32 s21, s11  }
0x3e: {  	[sflag:s13] =	ssyncadd.s32 $0xFFFFF400;
	s24 =	smov.u32 s22;
	s25 =	sadd.s32 $0x30, s22  }
0x3f: {  	[tilespmem:s3], [sflag:$0x1] =	stream.linear.gather [hbm4b:s23+s3], $0xC0, $0x38;
	[tilespmem:$0x8980] =	vst v63  }
0x40: {  	p0 =	sne.s32 s22, $0x4E0;
	s22 =	sadd.s32 s21, s10;
	s21 =	smov.u32 s24  }
0x41: {  	[tilespmem:s14], [sflag:$0x2] =	stream.linear.gather [hbm4b:s22+s3], $0xC0, $0x38;
	[tilespmem:$0x8980] =	vst v63  }
0x42: {  	_ =	swait.ge [sflag:s15], $0xC0  }
0x43: {  	[sflag:s15] =	ssyncset.done $0x0  }
0x44: {  	[sflag:s15] =	ssyncadd.s32 $0xFFFFFF40  }
0x45: {  	[spmem:s1] =	stream.indirect.scatter.add.f32 [tilespmem:s12], [sflag:$0x3], $0x10, s3, s16, $0xb8;
	[tilespmem:$0x8980] =	vst v63  }
0x46: {  	_ =	swait.ge [sflag:s13], $0xC00  }
0x47: {  	[sflag:s13] =	ssyncset.done $0x0  }
0x48: {  	[sflag:s13] =	ssyncadd.s32 $0xFFFFF400  }
0x49: {  	_ =	swait.ge [sflag:s17], $0xC0  }
.Ltmp2:
0x4a: {  	[sflag:s17] =	ssyncset.done $0x0;
	(pc) =	sbr.rel @p0 .LBB2_6-.Ltmp2, $4  }
0x4b: {  	[sflag:s17] =	ssyncadd.s32 $0xFFFFFF40  }
0x4c: {  	[spmem:s1] =	stream.indirect.scatter.add.f32 [tilespmem:s12], [sflag:$0x3], $0x10, s14, s16, $0xb8;
	[tilespmem:$0x8980] =	vst v63  }
0x4d: {  	_ =	swait.ge [sflag:s13], $0xC00  }
0x4e: {  	s22 =	smov.u32 s25;
	[sflag:s13] =	ssyncset.done $0x0  }
0x4f: {  	s22 =	sadd.s32 s21, s11;
	[sflag:s13] =	ssyncadd.s32 $0xFFFFF400  }
0x50: {  	[tilespmem:s3], [sflag:$0x1] =	stream.linear.gather [hbm4b:s22+s3], $0xC0, $0x38;
	[tilespmem:$0x8980] =	vst v63  }
0x51: {  	s31 =	sadd.s32 s21, s10  }
0x52: {  	[tilespmem:s14], [sflag:$0x2] =	stream.linear.gather [hbm4b:s31+s3], $0xC0, $0x38;
	[tilespmem:$0x8980] =	vst v63  }
0x53: {  	_ =	swait.ge [sflag:s15], $0xC0  }
0x54: {  	[sflag:s15] =	ssyncset.done $0x0  }
0x55: {  	[sflag:s15] =	ssyncadd.s32 $0xFFFFFF40  }
0x56: {  	[spmem:s1] =	stream.indirect.scatter.add.f32 [tilespmem:s12], [sflag:$0x3], $0x10, s3, s16, $0xb8;
	[tilespmem:$0x8980] =	vst v63  }
0x57: {  	_ =	swait.ge [sflag:s13], $0xC00  }
0x58: {  	[sflag:s13] =	ssyncset.done $0x0  }
0x59: {  	[sflag:s13] =	ssyncadd.s32 $0xFFFFF400  }
0x5a: {  	_ =	swait.ge [sflag:s17], $0xC0  }
0x5b: {  	[sflag:s17] =	ssyncset.done $0x0  }
0x5c: {  	[sflag:s17] =	ssyncadd.s32 $0xFFFFFF40  }
0x5d: {  	[spmem:s1] =	stream.indirect.scatter.add.f32 [tilespmem:s12], [sflag:$0x3], $0x10, s14, s16, $0xb8;
	[tilespmem:$0x8980] =	vst v63  }
0x5e: {  	_ =	swait.ge [sflag:s13], $0xC00  }
0x5f: {  	s20 =	sadd.s32 $0x1, s20;
	[sflag:s13] =	ssyncset.done $0x0  }
0x60: {  	p0 =	sne.s32 s20, s9;
	[sflag:s13] =	ssyncadd.s32 $0xFFFFF400  }
.Ltmp3:
0x61: {  	[bflag:$0x0] =	sbarrier.arrive $0xFFFF;
	(pc) =	sbr.rel @p0 .LBB2_1-.Ltmp3, $4  }
0x62: {  	[hbm:s8], [sflag:s18] =	dma.local [spmem:s19], $0x2780  }
0x63: {  	_ =	swait.ge [sflag:s13], $0x2780  }
0x64: {  	[sflag:s13] =	ssyncset.done $0x0  }
0x65: {  	[sflag:s13] =	ssyncadd.s32 $0xFFFFD880  }
0x66: {  	_ =	sfence.sel $0x180000  }
0x67: {  	[bflag:$0x0] =	sbarrier.arrive $0xFFFF  }
0x68: {  	p0 =	sne.s32 s2, $0x0;
	_ =	strace $0x9000004A  }
0x69: {  	s0 =	sadd.s32 @!p0 $0x100000, s0;
	[bflag:$0x2] =	sbarrier.arrive $0xFFFF  }
0x6a: {  	[sflag:s0] =	ssyncadd.tile.s32 @!p0 $0x1;
	_ =	shalt  }
.Lfunc_end2:
_tile_overlayer_lowered:
.L_overlay_start_2:
0x6b: {  	(tag) =	ssettag $0x2  }
0x6c: {  	s0 =	rddreg [dreg:$0x0];
	s2 =	stileid.u32  }
0x6d: {  	s1 =	rddreg [dreg:$0x1];
	p0 =	sne.s32 s2, $0x0  }
0x6e: {  	s3 =	rddreg [dreg:$0x2];
	[bflag:$0x3] =	sbarrier.arrive $0xFFFF;
	s2 =	simm.s32 @!p0 $0x1C03  }
0x6f: {  	[timem:s3], [sflag:s2] =	dma.local @!p0 [hbm:s0], s1  }
0x70: {  	s0 =	simm.s32 @!p0 $0x3  }
0x71: {  	_ =	swait.ge @!p0 [sflag:s0], s1  }
0x72: {  	s1 =	ssub.s32 @!p0 $0x0, s1;
	[sflag:s0] =	ssyncset.done @!p0 $0x0  }
0x73: {  	[sflag:s0] =	ssyncadd.s32 @!p0 s1  }
0x74: {  	[bflag:$0x3] =	sbarrier.arrive $0xFFFF  }
0x75: {  	_ =	shalt  }

</sc_bundles>
